<compile_context>
chip_gen: v7x
topology: tpu7x:2x2x1
jax: 0.10.2.dev20260603
libtpu: 0.0.44.dev20260713+nightly
codegen_flags: <defaults>
</compile_context>

<pallas_src>
import functools

import jax
import jax.numpy as jnp
from jax import lax
from jax.experimental import pallas as pl
from jax.experimental.pallas import tpu as pltpu
from jax.experimental.pallas import tpu_sc as plsc

VOCAB = 1000000
TOK_DIM = 32
EMB_DIM = 128
BATCH = 4096
HIST = 50
N = BATCH * HIST

NC = 2
NS = 16
NW = NC * NS
G = 128
NG = N // G
GPW = NG // NW
K = 10
NSTEP = GPW // K
N4 = N // 4


def _sc_gather(table, idx_grp):
    mesh = plsc.VectorSubcoreMesh(core_axis_name="c", subcore_axis_name="s")

    @functools.partial(
        pl.kernel,
        mesh=mesh,
        compiler_params=pltpu.CompilerParams(use_tc_tiling_on_sc=False),
        out_type=jax.ShapeDtypeStruct((N, EMB_DIM), jnp.float32),
        scratch_types=[
            pltpu.VMEM((GPW, G), jnp.int32),
            pltpu.VMEM((K * G, TOK_DIM), jnp.float32),
            pltpu.SemaphoreType.DMA,
        ],
    )
    def k(table_hbm, idx_hbm, out_hbm, idx_v, rows_v, sem):
        wid = lax.axis_index("s") * NC + lax.axis_index("c")
        pltpu.sync_copy(idx_hbm.at[pl.ds(wid * GPW, GPW)], idx_v)
        for t in range(NSTEP):
            cps = []
            for j in range(K):
                cp = pltpu.async_copy(
                    table_hbm.at[idx_v.at[t * K + j]],
                    rows_v.at[pl.ds(j * G, G)],
                    sem,
                )
                cps.append(cp)
            for cp in cps:
                cp.wait()
            pltpu.sync_copy(
                rows_v,
                out_hbm.at[
                    pl.ds(wid * GPW * G + t * K * G, K * G), pl.ds(0, TOK_DIM)
                ],
            )

    return k(table, idx_grp)


def _t_body(tt_ref, eye_ref, out_ref):
    e_t = jax.lax.dot_general(
        tt_ref[...],
        eye_ref[...],
        (((0,), (0,)), ((), ())),
        preferred_element_type=jnp.float32,
    )
    out_ref[:, :TOK_DIM] = e_t


def _tc_repack(table_t, eye):
    C = 4096
    grid = (VOCAB + C - 1) // C
    return pl.pallas_call(
        _t_body,
        grid=(grid,),
        in_specs=[
            pl.BlockSpec((TOK_DIM, C), lambda i: (0, i)),
            pl.BlockSpec((TOK_DIM, TOK_DIM), lambda i: (0, 0)),
        ],
        out_specs=pl.BlockSpec((C, 4 * TOK_DIM), lambda i: (i, 0)),
        out_shape=jax.ShapeDtypeStruct((VOCAB, 4 * TOK_DIM), jnp.float32),
    )(table_t, eye)


def _proj_body(emb_ref, w_ref, b_ref, out_ref):
    e = emb_ref[:, :TOK_DIM]
    y = (
        jnp.dot(e, w_ref[...], preferred_element_type=jnp.float32)
        + b_ref[...]
    )
    out_ref[...] = y


def _tc_project(emb_p, wt, b2):
    R = 6400
    return pl.pallas_call(
        _proj_body,
        grid=(N // R,),
        in_specs=[
            pl.BlockSpec((R, EMB_DIM), lambda i: (i, 0)),
            pl.BlockSpec((TOK_DIM, EMB_DIM), lambda i: (0, 0)),
            pl.BlockSpec((1, EMB_DIM), lambda i: (0, 0)),
        ],
        out_specs=pl.BlockSpec((R, EMB_DIM), lambda i: (i, 0)),
        out_shape=jax.ShapeDtypeStruct((N, EMB_DIM), jnp.float32),
    )(emb_p, wt, b2)


def kernel(x, table, W, b):
    idx_grp = x.T.reshape(NG, G).astype(jnp.int32)
    tpad = _tc_repack(table.T, jnp.eye(TOK_DIM, dtype=jnp.float32))
    tdense = tpad.reshape(4 * VOCAB, TOK_DIM)
    emb_p = _sc_gather(tdense, idx_grp * 4)
    out_t = _tc_project(emb_p, W.T, b.reshape(1, EMB_DIM))
    return out_t.reshape(HIST, BATCH, EMB_DIM).transpose(1, 0, 2)

# --- scband reference (transcript-rebuilt; emitter-appended) ---
"""Pipeline reference for scband-factorized-embedding-37048387895391 (READ-ONLY COPY).

The authoritative reference and input builder live on the scoring server;
editing this copy changes nothing except your own understanding.
"""

import jax, jax.numpy as jnp
import numpy as np

VOCAB = 1000000
TOK_DIM = 32
EMB_DIM = 128
BATCH = 4096
HIST = 50
PAD_IDX = 0


def setup_inputs(seed: int = 0) -> dict:
    key = jax.random.key(seed)
    k1, k2, k3, k4 = jax.random.split(key, 4)
    x = jax.random.randint(k1, (BATCH, HIST), 0, VOCAB)
    table = jax.random.normal(k2, (VOCAB, TOK_DIM), dtype=jnp.float32) * 0.02
    # padding_idx row is zero, mirroring nn.Embedding(padding_idx=0)
    table = table.at[PAD_IDX].set(0.0)
    # nn.Linear(token_embedding_dim, embedding_dim): W [out, in], b [out]
    bound = 1.0 / np.sqrt(TOK_DIM)
    W = jax.random.uniform(k3, (EMB_DIM, TOK_DIM), dtype=jnp.float32, minval=-bound, maxval=bound)
    b = jax.random.uniform(k4, (EMB_DIM,), dtype=jnp.float32, minval=-bound, maxval=bound)
    return {"x": x, "table": table, "W": W, "b": b}


def reference(x, table, W, b):
    # embedding lookup (gather)
    emb = jnp.take(table, x, axis=0)  # [B, L, TOK_DIM]
    # linear projection
    out = emb @ W.T + b  # [B, L, EMB_DIM]
    return out

if __name__ == "__main__":
    import jax
    _d = setup_inputs()
    print(jax.jit(kernel)(*tuple(_d.values())))

</pallas_src>

<mosaic_0001>
#map = affine_map<(d0, d1) -> (0, 0)>
module attributes {stable_mosaic.version = 14 : i64} {
  func.func @k(%arg0: i32, %arg1: i32, %arg2: memref<4000000x32xf32, #tpu.memory_space<hbm>>, %arg3: memref<1600x128xi32, #tpu.memory_space<hbm>>, %arg4: memref<204800x128xf32, #tpu.memory_space<hbm>>, %arg5: memref<50x128xi32, #tpu.memory_space<vmem>>, %arg6: memref<1280x32xf32, #tpu.memory_space<vmem>>, %arg7: memref<!tpu.dma_semaphore, #tpu.memory_space<semaphore_mem>>) attributes {dimension_semantics = [#tpu.dimension_semantics<core_parallel>, #tpu.dimension_semantics<subcore_parallel>], iteration_bounds = array<i64: 2, 16>, scalar_prefetch = 0 : i64, scratch_operands = 3 : i64, tpu.core_type = #tpu.core_type<sc_vector_subcore>, window_params = [{transform_indices = #map}, {transform_indices = #map}, {transform_indices = #map}]} {
    %mul3A = arith.constant 2 : i32
    %mul3A_0 = arith.muli %arg1, %mul3A : i32
    %add3A = arith.addi %mul3A_0, %arg0 : i32
    %mul3A_1 = arith.constant 50 : i32
    %mul3A_2 = arith.muli %add3A, %mul3A_1 : i32
    "tpu.region"() ({
      %run_scoped3A = tpu.sem_alloc : memref<!tpu.dma_semaphore, #tpu.memory_space<semaphore_mem>>
      %dma_start3A_1031 = arith.constant 0 : i32
      %dma_start3A_1032 = tpu.memref_slice %arg3[%mul3A_2, %dma_start3A_1031] : memref<1600x128xi32, #tpu.memory_space<hbm>> -> memref<50x128xi32, #tpu.memory_space<hbm>>
      %dma_start3A_1033 = arith.constant 0 : i32
      %dma_start3A_1034 = tpu.memref_slice %arg3[%mul3A_2, %dma_start3A_1033] : memref<1600x128xi32, #tpu.memory_space<hbm>> -> memref<50x128xi32, #tpu.memory_space<hbm>>
      tpu.enqueue_dma source(%dma_start3A_1034 : memref<50x128xi32, #tpu.memory_space<hbm>>) target(%arg5 : memref<50x128xi32, #tpu.memory_space<vmem>>) target_semaphore(%run_scoped3A : memref<!tpu.dma_semaphore, #tpu.memory_space<semaphore_mem>>)
      %dma_wait3A_1035 = arith.constant 0 : i32
      %dma_wait3A_1036 = tpu.memref_slice %arg3[%mul3A_2, %dma_wait3A_1035] : memref<1600x128xi32, #tpu.memory_space<hbm>> -> memref<50x128xi32, #tpu.memory_space<hbm>>
      %dma_wait3A_1037 = arith.constant 0 : i32
      %dma_wait3A_1038 = tpu.memref_slice %arg3[%mul3A_2, %dma_wait3A_1037] : memref<1600x128xi32, #tpu.memory_space<hbm>> -> memref<50x128xi32, #tpu.memory_space<hbm>>
      tpu.wait_dma2 semaphore(%run_scoped3A : memref<!tpu.dma_semaphore, #tpu.memory_space<semaphore_mem>>) src(%dma_wait3A_1038 : memref<50x128xi32, #tpu.memory_space<hbm>>) dst(%arg5 : memref<50x128xi32, #tpu.memory_space<vmem>>)
      tpu.yield
    }) : () -> ()
    %dma_start3A = arith.constant 0 : i32
    %dma_start3A_3 = arith.constant 0 : i32
    %dma_start3A_4 = arith.constant 0 : i32
    %dma_start3A_5 = tpu.memref_slice %arg6[%dma_start3A_3, %dma_start3A_4] : memref<1280x32xf32, #tpu.memory_space<vmem>> -> memref<128x32xf32, #tpu.memory_space<vmem>>
    %dma_start3A_6 = arith.constant 0 : i32
    %dma_start3A_7 = tpu.memref_slice %arg5[%dma_start3A, %dma_start3A_6] : memref<50x128xi32, #tpu.memory_space<vmem>> -> memref<1x128xi32, #tpu.memory_space<vmem>>
    %dma_start3A_8 = tpu.memref_squeeze %dma_start3A_7 : memref<1x128xi32, #tpu.memory_space<vmem>> -> memref<128xi32, #tpu.memory_space<vmem>>
    %dma_start3A_9 = arith.constant 0 : i32
    %dma_start3A_10 = arith.constant 0 : i32
    %dma_start3A_11 = tpu.memref_slice %arg2[%dma_start3A_9, %dma_start3A_10] : memref<4000000x32xf32, #tpu.memory_space<hbm>> -> memref<4000000x32xf32, #tpu.memory_space<hbm>>
    tpu.enqueue_indirect_dma source(%dma_start3A_11 : memref<4000000x32xf32, #tpu.memory_space<hbm>>) target(%dma_start3A_5 : memref<128x32xf32, #tpu.memory_space<vmem>>) offsets(%dma_start3A_8 : memref<128xi32, #tpu.memory_space<vmem>>) semaphore(%arg7 : memref<!tpu.dma_semaphore, #tpu.memory_space<semaphore_mem>>)
    %dma_start3A_12 = arith.constant 1 : i32
    %dma_start3A_13 = arith.constant 128 : i32
    %dma_start3A_14 = arith.constant 0 : i32
    %dma_start3A_15 = tpu.memref_slice %arg6[%dma_start3A_13, %dma_start3A_14] : memref<1280x32xf32, #tpu.memory_space<vmem>> -> memref<128x32xf32, #tpu.memory_space<vmem>>
    %dma_start3A_16 = arith.constant 0 : i32
    %dma_start3A_17 = tpu.memref_slice %arg5[%dma_start3A_12, %dma_start3A_16] : memref<50x128xi32, #tpu.memory_space<vmem>> -> memref<1x128xi32, #tpu.memory_space<vmem>>
    %dma_start3A_18 = tpu.memref_squeeze %dma_start3A_17 : memref<1x128xi32, #tpu.memory_space<vmem>> -> memref<128xi32, #tpu.memory_space<vmem>>
    %dma_start3A_19 = arith.constant 0 : i32
    %dma_start3A_20 = arith.constant 0 : i32
    %dma_start3A_21 = tpu.memref_slice %arg2[%dma_start3A_19, %dma_start3A_20] : memref<4000000x32xf32, #tpu.memory_space<hbm>> -> memref<4000000x32xf32, #tpu.memory_space<hbm>>
    tpu.enqueue_indirect_dma source(%dma_start3A_21 : memref<4000000x32xf32, #tpu.memory_space<hbm>>) target(%dma_start3A_15 : memref<128x32xf32, #tpu.memory_space<vmem>>) offsets(%dma_start3A_18 : memref<128xi32, #tpu.memory_space<vmem>>) semaphore(%arg7 : memref<!tpu.dma_semaphore, #tpu.memory_space<semaphore_mem>>)
    %dma_start3A_22 = arith.constant 2 : i32
    %dma_start3A_23 = arith.constant 256 : i32
    %dma_start3A_24 = arith.constant 0 : i32
    %dma_start3A_25 = tpu.memref_slice %arg6[%dma_start3A_23, %dma_start3A_24] : memref<1280x32xf32, #tpu.memory_space<vmem>> -> memref<128x32xf32, #tpu.memory_space<vmem>>
    %dma_start3A_26 = arith.constant 0 : i32
    %dma_start3A_27 = tpu.memref_slice %arg5[%dma_start3A_22, %dma_start3A_26] : memref<50x128xi32, #tpu.memory_space<vmem>> -> memref<1x128xi32, #tpu.memory_space<vmem>>
    %dma_start3A_28 = tpu.memref_squeeze %dma_start3A_27 : memref<1x128xi32, #tpu.memory_space<vmem>> -> memref<128xi32, #tpu.memory_space<vmem>>
    %dma_start3A_29 = arith.constant 0 : i32
    %dma_start3A_30 = arith.constant 0 : i32
    %dma_start3A_31 = tpu.memref_slice %arg2[%dma_start3A_29, %dma_start3A_30] : memref<4000000x32xf32, #tpu.memory_space<hbm>> -> memref<4000000x32xf32, #tpu.memory_space<hbm>>
    tpu.enqueue_indirect_dma source(%dma_start3A_31 : memref<4000000x32xf32, #tpu.memory_space<hbm>>) target(%dma_start3A_25 : memref<128x32xf32, #tpu.memory_space<vmem>>) offsets(%dma_start3A_28 : memref<128xi32, #tpu.memory_space<vmem>>) semaphore(%arg7 : memref<!tpu.dma_semaphore, #tpu.memory_space<semaphore_mem>>)
    %dma_start3A_32 = arith.constant 3 : i32
    %dma_start3A_33 = arith.constant 384 : i32
    %dma_start3A_34 = arith.constant 0 : i32
    %dma_start3A_35 = tpu.memref_slice %arg6[%dma_start3A_33, %dma_start3A_34] : memref<1280x32xf32, #tpu.memory_space<vmem>> -> memref<128x32xf32, #tpu.memory_space<vmem>>
    %dma_start3A_36 = arith.constant 0 : i32
    %dma_start3A_37 = tpu.memref_slice %arg5[%dma_start3A_32, %dma_start3A_36] : memref<50x128xi32, #tpu.memory_space<vmem>> -> memref<1x128xi32, #tpu.memory_space<vmem>>
    %dma_start3A_38 = tpu.memref_squeeze %dma_start3A_37 : memref<1x128xi32, #tpu.memory_space<vmem>> -> memref<128xi32, #tpu.memory_space<vmem>>
    %dma_start3A_39 = arith.constant 0 : i32
    %dma_start3A_40 = arith.constant 0 : i32
    %dma_start3A_41 = tpu.memref_slice %arg2[%dma_start3A_39, %dma_start3A_40] : memref<4000000x32xf32, #tpu.memory_space<hbm>> -> memref<4000000x32xf32, #tpu.memory_space<hbm>>
    tpu.enqueue_indirect_dma source(%dma_start3A_41 : memref<4000000x32xf32, #tpu.memory_space<hbm>>) target(%dma_start3A_35 : memref<128x32xf32, #tpu.memory_space<vmem>>) offsets(%dma_start3A_38 : memref<128xi32, #tpu.memory_space<vmem>>) semaphore(%arg7 : memref<!tpu.dma_semaphore, #tpu.memory_space<semaphore_mem>>)
    %dma_start3A_42 = arith.constant 4 : i32
    %dma_start3A_43 = arith.constant 512 : i32
    %dma_start3A_44 = arith.constant 0 : i32
    %dma_start3A_45 = tpu.memref_slice %arg6[%dma_start3A_43, %dma_start3A_44] : memref<1280x32xf32, #tpu.memory_space<vmem>> -> memref<128x32xf32, #tpu.memory_space<vmem>>
    %dma_start3A_46 = arith.constant 0 : i32
    %dma_start3A_47 = tpu.memref_slice %arg5[%dma_start3A_42, %dma_start3A_46] : memref<50x128xi32, #tpu.memory_space<vmem>> -> memref<1x128xi32, #tpu.memory_space<vmem>>
    %dma_start3A_48 = tpu.memref_squeeze %dma_start3A_47 : memref<1x128xi32, #tpu.memory_space<vmem>> -> memref<128xi32, #tpu.memory_space<vmem>>
    %dma_start3A_49 = arith.constant 0 : i32
    %dma_start3A_50 = arith.constant 0 : i32
    %dma_start3A_51 = tpu.memref_slice %arg2[%dma_start3A_49, %dma_start3A_50] : memref<4000000x32xf32, #tpu.memory_space<hbm>> -> memref<4000000x32xf32, #tpu.memory_space<hbm>>
    tpu.enqueue_indirect_dma source(%dma_start3A_51 : memref<4000000x32xf32, #tpu.memory_space<hbm>>) target(%dma_start3A_45 : memref<128x32xf32, #tpu.memory_space<vmem>>) offsets(%dma_start3A_48 : memref<128xi32, #tpu.memory_space<vmem>>) semaphore(%arg7 : memref<!tpu.dma_semaphore, #tpu.memory_space<semaphore_mem>>)
    %dma_start3A_52 = arith.constant 5 : i32
    %dma_start3A_53 = arith.constant 640 : i32
    %dma_start3A_54 = arith.constant 0 : i32
    %dma_start3A_55 = tpu.memref_slice %arg6[%dma_start3A_53, %dma_start3A_54] : memref<1280x32xf32, #tpu.memory_space<vmem>> -> memref<128x32xf32, #tpu.memory_space<vmem>>
    %dma_start3A_56 = arith.constant 0 : i32
    %dma_start3A_57 = tpu.memref_slice %arg5[%dma_start3A_52, %dma_start3A_56] : memref<50x128xi32, #tpu.memory_space<vmem>> -> memref<1x128xi32, #tpu.memory_space<vmem>>
    %dma_start3A_58 = tpu.memref_squeeze %dma_start3A_57 : memref<1x128xi32, #tpu.memory_space<vmem>> -> memref<128xi32, #tpu.memory_space<vmem>>
    %dma_start3A_59 = arith.constant 0 : i32
    %dma_start3A_60 = arith.constant 0 : i32
    %dma_start3A_61 = tpu.memref_slice %arg2[%dma_start3A_59, %dma_start3A_60] : memref<4000000x32xf32, #tpu.memory_space<hbm>> -> memref<4000000x32xf32, #tpu.memory_space<hbm>>
    tpu.enqueue_indirect_dma source(%dma_start3A_61 : memref<4000000x32xf32, #tpu.memory_space<hbm>>) target(%dma_start3A_55 : memref<128x32xf32, #tpu.memory_space<vmem>>) offsets(%dma_start3A_58 : memref<128xi32, #tpu.memory_space<vmem>>) semaphore(%arg7 : memref<!tpu.dma_semaphore, #tpu.memory_space<semaphore_mem>>)
    %dma_start3A_62 = arith.constant 6 : i32
    %dma_start3A_63 = arith.constant 768 : i32
    %dma_start3A_64 = arith.constant 0 : i32
    %dma_start3A_65 = tpu.memref_slice %arg6[%dma_start3A_63, %dma_start3A_64] : memref<1280x32xf32, #tpu.memory_space<vmem>> -> memref<128x32xf32, #tpu.memory_space<vmem>>
    %dma_start3A_66 = arith.constant 0 : i32
    %dma_start3A_67 = tpu.memref_slice %arg5[%dma_start3A_62, %dma_start3A_66] : memref<50x128xi32, #tpu.memory_space<vmem>> -> memref<1x128xi32, #tpu.memory_space<vmem>>
    %dma_start3A_68 = tpu.memref_squeeze %dma_start3A_67 : memref<1x128xi32, #tpu.memory_space<vmem>> -> memref<128xi32, #tpu.memory_space<vmem>>
    %dma_start3A_69 = arith.constant 0 : i32
    %dma_start3A_70 = arith.constant 0 : i32
    %dma_start3A_71 = tpu.memref_slice %arg2[%dma_start3A_69, %dma_start3A_70] : memref<4000000x32xf32, #tpu.memory_space<hbm>> -> memref<4000000x32xf32, #tpu.memory_space<hbm>>
    tpu.enqueue_indirect_dma source(%dma_start3A_71 : memref<4000000x32xf32, #tpu.memory_space<hbm>>) target(%dma_start3A_65 : memref<128x32xf32, #tpu.memory_space<vmem>>) offsets(%dma_start3A_68 : memref<128xi32, #tpu.memory_space<vmem>>) semaphore(%arg7 : memref<!tpu.dma_semaphore, #tpu.memory_space<semaphore_mem>>)
    %dma_start3A_72 = arith.constant 7 : i32
    %dma_start3A_73 = arith.constant 896 : i32
    %dma_start3A_74 = arith.constant 0 : i32
    %dma_start3A_75 = tpu.memref_slice %arg6[%dma_start3A_73, %dma_start3A_74] : memref<1280x32xf32, #tpu.memory_space<vmem>> -> memref<128x32xf32, #tpu.memory_space<vmem>>
    %dma_start3A_76 = arith.constant 0 : i32
    %dma_start3A_77 = tpu.memref_slice %arg5[%dma_start3A_72, %dma_start3A_76] : memref<50x128xi32, #tpu.memory_space<vmem>> -> memref<1x128xi32, #tpu.memory_space<vmem>>
    %dma_start3A_78 = tpu.memref_squeeze %dma_start3A_77 : memref<1x128xi32, #tpu.memory_space<vmem>> -> memref<128xi32, #tpu.memory_space<vmem>>
    %dma_start3A_79 = arith.constant 0 : i32
    %dma_start3A_80 = arith.constant 0 : i32
    %dma_start3A_81 = tpu.memref_slice %arg2[%dma_start3A_79, %dma_start3A_80] : memref<4000000x32xf32, #tpu.memory_space<hbm>> -> memref<4000000x32xf32, #tpu.memory_space<hbm>>
    tpu.enqueue_indirect_dma source(%dma_start3A_81 : memref<4000000x32xf32, #tpu.memory_space<hbm>>) target(%dma_start3A_75 : memref<128x32xf32, #tpu.memory_space<vmem>>) offsets(%dma_start3A_78 : memref<128xi32, #tpu.memory_space<vmem>>) semaphore(%arg7 : memref<!tpu.dma_semaphore, #tpu.memory_space<semaphore_mem>>)
    %dma_start3A_82 = arith.constant 8 : i32
    %dma_start3A_83 = arith.constant 1024 : i32
    %dma_start3A_84 = arith.constant 0 : i32
    %dma_start3A_85 = tpu.memref_slice %arg6[%dma_start3A_83, %dma_start3A_84] : memref<1280x32xf32, #tpu.memory_space<vmem>> -> memref<128x32xf32, #tpu.memory_space<vmem>>
    %dma_start3A_86 = arith.constant 0 : i32
    %dma_start3A_87 = tpu.memref_slice %arg5[%dma_start3A_82, %dma_start3A_86] : memref<50x128xi32, #tpu.memory_space<vmem>> -> memref<1x128xi32, #tpu.memory_space<vmem>>
    %dma_start3A_88 = tpu.memref_squeeze %dma_start3A_87 : memref<1x128xi32, #tpu.memory_space<vmem>> -> memref<128xi32, #tpu.memory_space<vmem>>
    %dma_start3A_89 = arith.constant 0 : i32
    %dma_start3A_90 = arith.constant 0 : i32
    %dma_start3A_91 = tpu.memref_slice %arg2[%dma_start3A_89, %dma_start3A_90] : memref<4000000x32xf32, #tpu.memory_space<hbm>> -> memref<4000000x32xf32, #tpu.memory_space<hbm>>
    tpu.enqueue_indirect_dma source(%dma_start3A_91 : memref<4000000x32xf32, #tpu.memory_space<hbm>>) target(%dma_start3A_85 : memref<128x32xf32, #tpu.memory_space<vmem>>) offsets(%dma_start3A_88 : memref<128xi32, #tpu.memory_space<vmem>>) semaphore(%arg7 : memref<!tpu.dma_semaphore, #tpu.memory_space<semaphore_mem>>)
    %dma_start3A_92 = arith.constant 9 : i32
    %dma_start3A_93 = arith.constant 1152 : i32
    %dma_start3A_94 = arith.constant 0 : i32
    %dma_start3A_95 = tpu.memref_slice %arg6[%dma_start3A_93, %dma_start3A_94] : memref<1280x32xf32, #tpu.memory_space<vmem>> -> memref<128x32xf32, #tpu.memory_space<vmem>>
    %dma_start3A_96 = arith.constant 0 : i32
    %dma_start3A_97 = tpu.memref_slice %arg5[%dma_start3A_92, %dma_start3A_96] : memref<50x128xi32, #tpu.memory_space<vmem>> -> memref<1x128xi32, #tpu.memory_space<vmem>>
    %dma_start3A_98 = tpu.memref_squeeze %dma_start3A_97 : memref<1x128xi32, #tpu.memory_space<vmem>> -> memref<128xi32, #tpu.memory_space<vmem>>
    %dma_start3A_99 = arith.constant 0 : i32
    %dma_start3A_100 = arith.constant 0 : i32
    %dma_start3A_101 = tpu.memref_slice %arg2[%dma_start3A_99, %dma_start3A_100] : memref<4000000x32xf32, #tpu.memory_space<hbm>> -> memref<4000000x32xf32, #tpu.memory_space<hbm>>
    tpu.enqueue_indirect_dma source(%dma_start3A_101 : memref<4000000x32xf32, #tpu.memory_space<hbm>>) target(%dma_start3A_95 : memref<128x32xf32, #tpu.memory_space<vmem>>) offsets(%dma_start3A_98 : memref<128xi32, #tpu.memory_space<vmem>>) semaphore(%arg7 : memref<!tpu.dma_semaphore, #tpu.memory_space<semaphore_mem>>)
    %dma_wait3A = arith.constant 0 : i32
    %dma_wait3A_102 = arith.constant 0 : i32
    %dma_wait3A_103 = arith.constant 0 : i32
    %dma_wait3A_104 = tpu.memref_slice %arg6[%dma_wait3A_102, %dma_wait3A_103] : memref<1280x32xf32, #tpu.memory_space<vmem>> -> memref<128x32xf32, #tpu.memory_space<vmem>>
    %dma_wait3A_105 = arith.constant 0 : i32
    %dma_wait3A_106 = tpu.memref_slice %arg5[%dma_wait3A, %dma_wait3A_105] : memref<50x128xi32, #tpu.memory_space<vmem>> -> memref<1x128xi32, #tpu.memory_space<vmem>>
    %dma_wait3A_107 = tpu.memref_squeeze %dma_wait3A_106 : memref<1x128xi32, #tpu.memory_space<vmem>> -> memref<128xi32, #tpu.memory_space<vmem>>
    %dma_wait3A_108 = arith.constant 0 : i32
    %dma_wait3A_109 = arith.constant 0 : i32
    %dma_wait3A_110 = tpu.memref_slice %arg2[%dma_wait3A_108, %dma_wait3A_109] : memref<4000000x32xf32, #tpu.memory_space<hbm>> -> memref<4000000x32xf32, #tpu.memory_space<hbm>>
    tpu.wait_indirect_dma semaphore(%arg7 : memref<!tpu.dma_semaphore, #tpu.memory_space<semaphore_mem>>) src(%dma_wait3A_110 : memref<4000000x32xf32, #tpu.memory_space<hbm>>) dst(%dma_wait3A_104 : memref<128x32xf32, #tpu.memory_space<vmem>>)
    %dma_wait3A_111 = arith.constant 1 : i32
    %dma_wait3A_112 = arith.constant 128 : i32
    %dma_wait3A_113 = arith.constant 0 : i32
    %dma_wait3A_114 = tpu.memref_slice %arg6[%dma_wait3A_112, %dma_wait3A_113] : memref<1280x32xf32, #tpu.memory_space<vmem>> -> memref<128x32xf32, #tpu.memory_space<vmem>>
    %dma_wait3A_115 = arith.constant 0 : i32
    %dma_wait3A_116 = tpu.memref_slice %arg5[%dma_wait3A_111, %dma_wait3A_115] : memref<50x128xi32, #tpu.memory_space<vmem>> -> memref<1x128xi32, #tpu.memory_space<vmem>>
    %dma_wait3A_117 = tpu.memref_squeeze %dma_wait3A_116 : memref<1x128xi32, #tpu.memory_space<vmem>> -> memref<128xi32, #tpu.memory_space<vmem>>
    %dma_wait3A_118 = arith.constant 0 : i32
    %dma_wait3A_119 = arith.constant 0 : i32
    %dma_wait3A_120 = tpu.memref_slice %arg2[%dma_wait3A_118, %dma_wait3A_119] : memref<4000000x32xf32, #tpu.memory_space<hbm>> -> memref<4000000x32xf32, #tpu.memory_space<hbm>>
    tpu.wait_indirect_dma semaphore(%arg7 : memref<!tpu.dma_semaphore, #tpu.memory_space<semaphore_mem>>) src(%dma_wait3A_120 : memref<4000000x32xf32, #tpu.memory_space<hbm>>) dst(%dma_wait3A_114 : memref<128x32xf32, #tpu.memory_space<vmem>>)
    %dma_wait3A_121 = arith.constant 2 : i32
    %dma_wait3A_122 = arith.constant 256 : i32
    %dma_wait3A_123 = arith.constant 0 : i32
    %dma_wait3A_124 = tpu.memref_slice %arg6[%dma_wait3A_122, %dma_wait3A_123] : memref<1280x32xf32, #tpu.memory_space<vmem>> -> memref<128x32xf32, #tpu.memory_space<vmem>>
    %dma_wait3A_125 = arith.constant 0 : i32
    %dma_wait3A_126 = tpu.memref_slice %arg5[%dma_wait3A_121, %dma_wait3A_125] : memref<50x128xi32, #tpu.memory_space<vmem>> -> memref<1x128xi32, #tpu.memory_space<vmem>>
    %dma_wait3A_127 = tpu.memref_squeeze %dma_wait3A_126 : memref<1x128xi32, #tpu.memory_space<vmem>> -> memref<128xi32, #tpu.memory_space<vmem>>
    %dma_wait3A_128 = arith.constant 0 : i32
    %dma_wait3A_129 = arith.constant 0 : i32
    %dma_wait3A_130 = tpu.memref_slice %arg2[%dma_wait3A_128, %dma_wait3A_129] : memref<4000000x32xf32, #tpu.memory_space<hbm>> -> memref<4000000x32xf32, #tpu.memory_space<hbm>>
    tpu.wait_indirect_dma semaphore(%arg7 : memref<!tpu.dma_semaphore, #tpu.memory_space<semaphore_mem>>) src(%dma_wait3A_130 : memref<4000000x32xf32, #tpu.memory_space<hbm>>) dst(%dma_wait3A_124 : memref<128x32xf32, #tpu.memory_space<vmem>>)
    %dma_wait3A_131 = arith.constant 3 : i32
    %dma_wait3A_132 = arith.constant 384 : i32
    %dma_wait3A_133 = arith.constant 0 : i32
    %dma_wait3A_134 = tpu.memref_slice %arg6[%dma_wait3A_132, %dma_wait3A_133] : memref<1280x32xf32, #tpu.memory_space<vmem>> -> memref<128x32xf32, #tpu.memory_space<vmem>>
    %dma_wait3A_135 = arith.constant 0 : i32
    %dma_wait3A_136 = tpu.memref_slice %arg5[%dma_wait3A_131, %dma_wait3A_135] : memref<50x128xi32, #tpu.memory_space<vmem>> -> memref<1x128xi32, #tpu.memory_space<vmem>>
    %dma_wait3A_137 = tpu.memref_squeeze %dma_wait3A_136 : memref<1x128xi32, #tpu.memory_space<vmem>> -> memref<128xi32, #tpu.memory_space<vmem>>
    %dma_wait3A_138 = arith.constant 0 : i32
    %dma_wait3A_139 = arith.constant 0 : i32
    %dma_wait3A_140 = tpu.memref_slice %arg2[%dma_wait3A_138, %dma_wait3A_139] : memref<4000000x32xf32, #tpu.memory_space<hbm>> -> memref<4000000x32xf32, #tpu.memory_space<hbm>>
    tpu.wait_indirect_dma semaphore(%arg7 : memref<!tpu.dma_semaphore, #tpu.memory_space<semaphore_mem>>) src(%dma_wait3A_140 : memref<4000000x32xf32, #tpu.memory_space<hbm>>) dst(%dma_wait3A_134 : memref<128x32xf32, #tpu.memory_space<vmem>>)
    %dma_wait3A_141 = arith.constant 4 : i32
    %dma_wait3A_142 = arith.constant 512 : i32
    %dma_wait3A_143 = arith.constant 0 : i32
    %dma_wait3A_144 = tpu.memref_slice %arg6[%dma_wait3A_142, %dma_wait3A_143] : memref<1280x32xf32, #tpu.memory_space<vmem>> -> memref<128x32xf32, #tpu.memory_space<vmem>>
    %dma_wait3A_145 = arith.constant 0 : i32
    %dma_wait3A_146 = tpu.memref_slice %arg5[%dma_wait3A_141, %dma_wait3A_145] : memref<50x128xi32, #tpu.memory_space<vmem>> -> memref<1x128xi32, #tpu.memory_space<vmem>>
    %dma_wait3A_147 = tpu.memref_squeeze %dma_wait3A_146 : memref<1x128xi32, #tpu.memory_space<vmem>> -> memref<128xi32, #tpu.memory_space<vmem>>
    %dma_wait3A_148 = arith.constant 0 : i32
    %dma_wait3A_149 = arith.constant 0 : i32
    %dma_wait3A_150 = tpu.memref_slice %arg2[%dma_wait3A_148, %dma_wait3A_149] : memref<4000000x32xf32, #tpu.memory_space<hbm>> -> memref<4000000x32xf32, #tpu.memory_space<hbm>>
    tpu.wait_indirect_dma semaphore(%arg7 : memref<!tpu.dma_semaphore, #tpu.memory_space<semaphore_mem>>) src(%dma_wait3A_150 : memref<4000000x32xf32, #tpu.memory_space<hbm>>) dst(%dma_wait3A_144 : memref<128x32xf32, #tpu.memory_space<vmem>>)
    %dma_wait3A_151 = arith.constant 5 : i32
    %dma_wait3A_152 = arith.constant 640 : i32
    %dma_wait3A_153 = arith.constant 0 : i32
    %dma_wait3A_154 = tpu.memref_slice %arg6[%dma_wait3A_152, %dma_wait3A_153] : memref<1280x32xf32, #tpu.memory_space<vmem>> -> memref<128x32xf32, #tpu.memory_space<vmem>>
    %dma_wait3A_155 = arith.constant 0 : i32
    %dma_wait3A_156 = tpu.memref_slice %arg5[%dma_wait3A_151, %dma_wait3A_155] : memref<50x128xi32, #tpu.memory_space<vmem>> -> memref<1x128xi32, #tpu.memory_space<vmem>>
    %dma_wait3A_157 = tpu.memref_squeeze %dma_wait3A_156 : memref<1x128xi32, #tpu.memory_space<vmem>> -> memref<128xi32, #tpu.memory_space<vmem>>
    %dma_wait3A_158 = arith.constant 0 : i32
    %dma_wait3A_159 = arith.constant 0 : i32
    %dma_wait3A_160 = tpu.memref_slice %arg2[%dma_wait3A_158, %dma_wait3A_159] : memref<4000000x32xf32, #tpu.memory_space<hbm>> -> memref<4000000x32xf32, #tpu.memory_space<hbm>>
    tpu.wait_indirect_dma semaphore(%arg7 : memref<!tpu.dma_semaphore, #tpu.memory_space<semaphore_mem>>) src(%dma_wait3A_160 : memref<4000000x32xf32, #tpu.memory_space<hbm>>) dst(%dma_wait3A_154 : memref<128x32xf32, #tpu.memory_space<vmem>>)
    %dma_wait3A_161 = arith.constant 6 : i32
    %dma_wait3A_162 = arith.constant 768 : i32
    %dma_wait3A_163 = arith.constant 0 : i32
    %dma_wait3A_164 = tpu.memref_slice %arg6[%dma_wait3A_162, %dma_wait3A_163] : memref<1280x32xf32, #tpu.memory_space<vmem>> -> memref<128x32xf32, #tpu.memory_space<vmem>>
    %dma_wait3A_165 = arith.constant 0 : i32
    %dma_wait3A_166 = tpu.memref_slice %arg5[%dma_wait3A_161, %dma_wait3A_165] : memref<50x128xi32, #tpu.memory_space<vmem>> -> memref<1x128xi32, #tpu.memory_space<vmem>>
    %dma_wait3A_167 = tpu.memref_squeeze %dma_wait3A_166 : memref<1x128xi32, #tpu.memory_space<vmem>> -> memref<128xi32, #tpu.memory_space<vmem>>
    %dma_wait3A_168 = arith.constant 0 : i32
    %dma_wait3A_169 = arith.constant 0 : i32
    %dma_wait3A_170 = tpu.memref_slice %arg2[%dma_wait3A_168, %dma_wait3A_169] : memref<4000000x32xf32, #tpu.memory_space<hbm>> -> memref<4000000x32xf32, #tpu.memory_space<hbm>>
    tpu.wait_indirect_dma semaphore(%arg7 : memref<!tpu.dma_semaphore, #tpu.memory_space<semaphore_mem>>) src(%dma_wait3A_170 : memref<4000000x32xf32, #tpu.memory_space<hbm>>) dst(%dma_wait3A_164 : memref<128x32xf32, #tpu.memory_space<vmem>>)
    %dma_wait3A_171 = arith.constant 7 : i32
    %dma_wait3A_172 = arith.constant 896 : i32
    %dma_wait3A_173 = arith.constant 0 : i32
    %dma_wait3A_174 = tpu.memref_slice %arg6[%dma_wait3A_172, %dma_wait3A_173] : memref<1280x32xf32, #tpu.memory_space<vmem>> -> memref<128x32xf32, #tpu.memory_space<vmem>>
    %dma_wait3A_175 = arith.constant 0 : i32
    %dma_wait3A_176 = tpu.memref_slice %arg5[%dma_wait3A_171, %dma_wait3A_175] : memref<50x128xi32, #tpu.memory_space<vmem>> -> memref<1x128xi32, #tpu.memory_space<vmem>>
    %dma_wait3A_177 = tpu.memref_squeeze %dma_wait3A_176 : memref<1x128xi32, #tpu.memory_space<vmem>> -> memref<128xi32, #tpu.memory_space<vmem>>
    %dma_wait3A_178 = arith.constant 0 : i32
    %dma_wait3A_179 = arith.constant 0 : i32
    %dma_wait3A_180 = tpu.memref_slice %arg2[%dma_wait3A_178, %dma_wait3A_179] : memref<4000000x32xf32, #tpu.memory_space<hbm>> -> memref<4000000x32xf32, #tpu.memory_space<hbm>>
    tpu.wait_indirect_dma semaphore(%arg7 : memref<!tpu.dma_semaphore, #tpu.memory_space<semaphore_mem>>) src(%dma_wait3A_180 : memref<4000000x32xf32, #tpu.memory_space<hbm>>) dst(%dma_wait3A_174 : memref<128x32xf32, #tpu.memory_space<vmem>>)
    %dma_wait3A_181 = arith.constant 8 : i32
    %dma_wait3A_182 = arith.constant 1024 : i32
    %dma_wait3A_183 = arith.constant 0 : i32
    %dma_wait3A_184 = tpu.memref_slice %arg6[%dma_wait3A_182, %dma_wait3A_183] : memref<1280x32xf32, #tpu.memory_space<vmem>> -> memref<128x32xf32, #tpu.memory_space<vmem>>
    %dma_wait3A_185 = arith.constant 0 : i32
    %dma_wait3A_186 = tpu.memref_slice %arg5[%dma_wait3A_181, %dma_wait3A_185] : memref<50x128xi32, #tpu.memory_space<vmem>> -> memref<1x128xi32, #tpu.memory_space<vmem>>
    %dma_wait3A_187 = tpu.memref_squeeze %dma_wait3A_186 : memref<1x128xi32, #tpu.memory_space<vmem>> -> memref<128xi32, #tpu.memory_space<vmem>>
    %dma_wait3A_188 = arith.constant 0 : i32
    %dma_wait3A_189 = arith.constant 0 : i32
    %dma_wait3A_190 = tpu.memref_slice %arg2[%dma_wait3A_188, %dma_wait3A_189] : memref<4000000x32xf32, #tpu.memory_space<hbm>> -> memref<4000000x32xf32, #tpu.memory_space<hbm>>
    tpu.wait_indirect_dma semaphore(%arg7 : memref<!tpu.dma_semaphore, #tpu.memory_space<semaphore_mem>>) src(%dma_wait3A_190 : memref<4000000x32xf32, #tpu.memory_space<hbm>>) dst(%dma_wait3A_184 : memref<128x32xf32, #tpu.memory_space<vmem>>)
    %dma_wait3A_191 = arith.constant 9 : i32
    %dma_wait3A_192 = arith.constant 1152 : i32
    %dma_wait3A_193 = arith.constant 0 : i32
    %dma_wait3A_194 = tpu.memref_slice %arg6[%dma_wait3A_192, %dma_wait3A_193] : memref<1280x32xf32, #tpu.memory_space<vmem>> -> memref<128x32xf32, #tpu.memory_space<vmem>>
    %dma_wait3A_195 = arith.constant 0 : i32
    %dma_wait3A_196 = tpu.memref_slice %arg5[%dma_wait3A_191, %dma_wait3A_195] : memref<50x128xi32, #tpu.memory_space<vmem>> -> memref<1x128xi32, #tpu.memory_space<vmem>>
    %dma_wait3A_197 = tpu.memref_squeeze %dma_wait3A_196 : memref<1x128xi32, #tpu.memory_space<vmem>> -> memref<128xi32, #tpu.memory_space<vmem>>
    %dma_wait3A_198 = arith.constant 0 : i32
    %dma_wait3A_199 = arith.constant 0 : i32
    %dma_wait3A_200 = tpu.memref_slice %arg2[%dma_wait3A_198, %dma_wait3A_199] : memref<4000000x32xf32, #tpu.memory_space<hbm>> -> memref<4000000x32xf32, #tpu.memory_space<hbm>>
    tpu.wait_indirect_dma semaphore(%arg7 : memref<!tpu.dma_semaphore, #tpu.memory_space<semaphore_mem>>) src(%dma_wait3A_200 : memref<4000000x32xf32, #tpu.memory_space<hbm>>) dst(%dma_wait3A_194 : memref<128x32xf32, #tpu.memory_space<vmem>>)
    %mul3A_201 = arith.constant 50 : i32
    %mul3A_202 = arith.muli %add3A, %mul3A_201 : i32
    %mul3A_203 = arith.constant 128 : i32
    %mul3A_204 = arith.muli %mul3A_202, %mul3A_203 : i32
    %add3A_205 = arith.constant 0 : i32
    %add3A_206 = arith.addi %mul3A_204, %add3A_205 : i32
    "tpu.region"() ({
      %run_scoped3A = tpu.sem_alloc : memref<!tpu.dma_semaphore, #tpu.memory_space<semaphore_mem>>
      %dma_start3A_1031 = arith.constant 0 : i32
      %dma_start3A_1032 = tpu.memref_slice %arg4[%add3A_206, %dma_start3A_1031] : memref<204800x128xf32, #tpu.memory_space<hbm>> -> memref<1280x32xf32, #tpu.memory_space<hbm>>
      %dma_start3A_1033 = arith.constant 0 : i32
      %dma_start3A_1034 = tpu.memref_slice %arg4[%add3A_206, %dma_start3A_1033] : memref<204800x128xf32, #tpu.memory_space<hbm>> -> memref<1280x32xf32, #tpu.memory_space<hbm>>
      tpu.enqueue_dma source(%arg6 : memref<1280x32xf32, #tpu.memory_space<vmem>>) target(%dma_start3A_1034 : memref<1280x32xf32, #tpu.memory_space<hbm>>) target_semaphore(%run_scoped3A : memref<!tpu.dma_semaphore, #tpu.memory_space<semaphore_mem>>)
      %dma_wait3A_1035 = arith.constant 0 : i32
      %dma_wait3A_1036 = tpu.memref_slice %arg4[%add3A_206, %dma_wait3A_1035] : memref<204800x128xf32, #tpu.memory_space<hbm>> -> memref<1280x32xf32, #tpu.memory_space<hbm>>
      %dma_wait3A_1037 = arith.constant 0 : i32
      %dma_wait3A_1038 = tpu.memref_slice %arg4[%add3A_206, %dma_wait3A_1037] : memref<204800x128xf32, #tpu.memory_space<hbm>> -> memref<1280x32xf32, #tpu.memory_space<hbm>>
      tpu.wait_dma2 semaphore(%run_scoped3A : memref<!tpu.dma_semaphore, #tpu.memory_space<semaphore_mem>>) src(%arg6 : memref<1280x32xf32, #tpu.memory_space<vmem>>) dst(%dma_wait3A_1038 : memref<1280x32xf32, #tpu.memory_space<hbm>>)
      tpu.yield
    }) : () -> ()
    %dma_start3A_207 = arith.constant 10 : i32
    %dma_start3A_208 = arith.constant 0 : i32
    %dma_start3A_209 = arith.constant 0 : i32
    %dma_start3A_210 = tpu.memref_slice %arg6[%dma_start3A_208, %dma_start3A_209] : memref<1280x32xf32, #tpu.memory_space<vmem>> -> memref<128x32xf32, #tpu.memory_space<vmem>>
    %dma_start3A_211 = arith.constant 0 : i32
    %dma_start3A_212 = tpu.memref_slice %arg5[%dma_start3A_207, %dma_start3A_211] : memref<50x128xi32, #tpu.memory_space<vmem>> -> memref<1x128xi32, #tpu.memory_space<vmem>>
    %dma_start3A_213 = tpu.memref_squeeze %dma_start3A_212 : memref<1x128xi32, #tpu.memory_space<vmem>> -> memref<128xi32, #tpu.memory_space<vmem>>
    %dma_start3A_214 = arith.constant 0 : i32
    %dma_start3A_215 = arith.constant 0 : i32
    %dma_start3A_216 = tpu.memref_slice %arg2[%dma_start3A_214, %dma_start3A_215] : memref<4000000x32xf32, #tpu.memory_space<hbm>> -> memref<4000000x32xf32, #tpu.memory_space<hbm>>
    tpu.enqueue_indirect_dma source(%dma_start3A_216 : memref<4000000x32xf32, #tpu.memory_space<hbm>>) target(%dma_start3A_210 : memref<128x32xf32, #tpu.memory_space<vmem>>) offsets(%dma_start3A_213 : memref<128xi32, #tpu.memory_space<vmem>>) semaphore(%arg7 : memref<!tpu.dma_semaphore, #tpu.memory_space<semaphore_mem>>)
    %dma_start3A_217 = arith.constant 11 : i32
    %dma_start3A_218 = arith.constant 128 : i32
    %dma_start3A_219 = arith.constant 0 : i32
    %dma_start3A_220 = tpu.memref_slice %arg6[%dma_start3A_218, %dma_start3A_219] : memref<1280x32xf32, #tpu.memory_space<vmem>> -> memref<128x32xf32, #tpu.memory_space<vmem>>
    %dma_start3A_221 = arith.constant 0 : i32
    %dma_start3A_222 = tpu.memref_slice %arg5[%dma_start3A_217, %dma_start3A_221] : memref<50x128xi32, #tpu.memory_space<vmem>> -> memref<1x128xi32, #tpu.memory_space<vmem>>
    %dma_start3A_223 = tpu.memref_squeeze %dma_start3A_222 : memref<1x128xi32, #tpu.memory_space<vmem>> -> memref<128xi32, #tpu.memory_space<vmem>>
    %dma_start3A_224 = arith.constant 0 : i32
    %dma_start3A_225 = arith.constant 0 : i32
    %dma_start3A_226 = tpu.memref_slice %arg2[%dma_start3A_224, %dma_start3A_225] : memref<4000000x32xf32, #tpu.memory_space<hbm>> -> memref<4000000x32xf32, #tpu.memory_space<hbm>>
    tpu.enqueue_indirect_dma source(%dma_start3A_226 : memref<4000000x32xf32, #tpu.memory_space<hbm>>) target(%dma_start3A_220 : memref<128x32xf32, #tpu.memory_space<vmem>>) offsets(%dma_start3A_223 : memref<128xi32, #tpu.memory_space<vmem>>) semaphore(%arg7 : memref<!tpu.dma_semaphore, #tpu.memory_space<semaphore_mem>>)
    %dma_start3A_227 = arith.constant 12 : i32
    %dma_start3A_228 = arith.constant 256 : i32
    %dma_start3A_229 = arith.constant 0 : i32
    %dma_start3A_230 = tpu.memref_slice %arg6[%dma_start3A_228, %dma_start3A_229] : memref<1280x32xf32, #tpu.memory_space<vmem>> -> memref<128x32xf32, #tpu.memory_space<vmem>>
    %dma_start3A_231 = arith.constant 0 : i32
    %dma_start3A_232 = tpu.memref_slice %arg5[%dma_start3A_227, %dma_start3A_231] : memref<50x128xi32, #tpu.memory_space<vmem>> -> memref<1x128xi32, #tpu.memory_space<vmem>>
    %dma_start3A_233 = tpu.memref_squeeze %dma_start3A_232 : memref<1x128xi32, #tpu.memory_space<vmem>> -> memref<128xi32, #tpu.memory_space<vmem>>
    %dma_start3A_234 = arith.constant 0 : i32
    %dma_start3A_235 = arith.constant 0 : i32
    %dma_start3A_236 = tpu.memref_slice %arg2[%dma_start3A_234, %dma_start3A_235] : memref<4000000x32xf32, #tpu.memory_space<hbm>> -> memref<4000000x32xf32, #tpu.memory_space<hbm>>
    tpu.enqueue_indirect_dma source(%dma_start3A_236 : memref<4000000x32xf32, #tpu.memory_space<hbm>>) target(%dma_start3A_230 : memref<128x32xf32, #tpu.memory_space<vmem>>) offsets(%dma_start3A_233 : memref<128xi32, #tpu.memory_space<vmem>>) semaphore(%arg7 : memref<!tpu.dma_semaphore, #tpu.memory_space<semaphore_mem>>)
    %dma_start3A_237 = arith.constant 13 : i32
    %dma_start3A_238 = arith.constant 384 : i32
    %dma_start3A_239 = arith.constant 0 : i32
    %dma_start3A_240 = tpu.memref_slice %arg6[%dma_start3A_238, %dma_start3A_239] : memref<1280x32xf32, #tpu.memory_space<vmem>> -> memref<128x32xf32, #tpu.memory_space<vmem>>
    %dma_start3A_241 = arith.constant 0 : i32
    %dma_start3A_242 = tpu.memref_slice %arg5[%dma_start3A_237, %dma_start3A_241] : memref<50x128xi32, #tpu.memory_space<vmem>> -> memref<1x128xi32, #tpu.memory_space<vmem>>
    %dma_start3A_243 = tpu.memref_squeeze %dma_start3A_242 : memref<1x128xi32, #tpu.memory_space<vmem>> -> memref<128xi32, #tpu.memory_space<vmem>>
    %dma_start3A_244 = arith.constant 0 : i32
    %dma_start3A_245 = arith.constant 0 : i32
    %dma_start3A_246 = tpu.memref_slice %arg2[%dma_start3A_244, %dma_start3A_245] : memref<4000000x32xf32, #tpu.memory_space<hbm>> -> memref<4000000x32xf32, #tpu.memory_space<hbm>>
    tpu.enqueue_indirect_dma source(%dma_start3A_246 : memref<4000000x32xf32, #tpu.memory_space<hbm>>) target(%dma_start3A_240 : memref<128x32xf32, #tpu.memory_space<vmem>>) offsets(%dma_start3A_243 : memref<128xi32, #tpu.memory_space<vmem>>) semaphore(%arg7 : memref<!tpu.dma_semaphore, #tpu.memory_space<semaphore_mem>>)
    %dma_start3A_247 = arith.constant 14 : i32
    %dma_start3A_248 = arith.constant 512 : i32
    %dma_start3A_249 = arith.constant 0 : i32
    %dma_start3A_250 = tpu.memref_slice %arg6[%dma_start3A_248, %dma_start3A_249] : memref<1280x32xf32, #tpu.memory_space<vmem>> -> memref<128x32xf32, #tpu.memory_space<vmem>>
    %dma_start3A_251 = arith.constant 0 : i32
    %dma_start3A_252 = tpu.memref_slice %arg5[%dma_start3A_247, %dma_start3A_251] : memref<50x128xi32, #tpu.memory_space<vmem>> -> memref<1x128xi32, #tpu.memory_space<vmem>>
    %dma_start3A_253 = tpu.memref_squeeze %dma_start3A_252 : memref<1x128xi32, #tpu.memory_space<vmem>> -> memref<128xi32, #tpu.memory_space<vmem>>
    %dma_start3A_254 = arith.constant 0 : i32
    %dma_start3A_255 = arith.constant 0 : i32
    %dma_start3A_256 = tpu.memref_slice %arg2[%dma_start3A_254, %dma_start3A_255] : memref<4000000x32xf32, #tpu.memory_space<hbm>> -> memref<4000000x32xf32, #tpu.memory_space<hbm>>
    tpu.enqueue_indirect_dma source(%dma_start3A_256 : memref<4000000x32xf32, #tpu.memory_space<hbm>>) target(%dma_start3A_250 : memref<128x32xf32, #tpu.memory_space<vmem>>) offsets(%dma_start3A_253 : memref<128xi32, #tpu.memory_space<vmem>>) semaphore(%arg7 : memref<!tpu.dma_semaphore, #tpu.memory_space<semaphore_mem>>)
    %dma_start3A_257 = arith.constant 15 : i32
    %dma_start3A_258 = arith.constant 640 : i32
    %dma_start3A_259 = arith.constant 0 : i32
    %dma_start3A_260 = tpu.memref_slice %arg6[%dma_start3A_258, %dma_start3A_259] : memref<1280x32xf32, #tpu.memory_space<vmem>> -> memref<128x32xf32, #tpu.memory_space<vmem>>
    %dma_start3A_261 = arith.constant 0 : i32
    %dma_start3A_262 = tpu.memref_slice %arg5[%dma_start3A_257, %dma_start3A_261] : memref<50x128xi32, #tpu.memory_space<vmem>> -> memref<1x128xi32, #tpu.memory_space<vmem>>
    %dma_start3A_263 = tpu.memref_squeeze %dma_start3A_262 : memref<1x128xi32, #tpu.memory_space<vmem>> -> memref<128xi32, #tpu.memory_space<vmem>>
    %dma_start3A_264 = arith.constant 0 : i32
    %dma_start3A_265 = arith.constant 0 : i32
    %dma_start3A_266 = tpu.memref_slice %arg2[%dma_start3A_264, %dma_start3A_265] : memref<4000000x32xf32, #tpu.memory_space<hbm>> -> memref<4000000x32xf32, #tpu.memory_space<hbm>>
    tpu.enqueue_indirect_dma source(%dma_start3A_266 : memref<4000000x32xf32, #tpu.memory_space<hbm>>) target(%dma_start3A_260 : memref<128x32xf32, #tpu.memory_space<vmem>>) offsets(%dma_start3A_263 : memref<128xi32, #tpu.memory_space<vmem>>) semaphore(%arg7 : memref<!tpu.dma_semaphore, #tpu.memory_space<semaphore_mem>>)
    %dma_start3A_267 = arith.constant 16 : i32
    %dma_start3A_268 = arith.constant 768 : i32
    %dma_start3A_269 = arith.constant 0 : i32
    %dma_start3A_270 = tpu.memref_slice %arg6[%dma_start3A_268, %dma_start3A_269] : memref<1280x32xf32, #tpu.memory_space<vmem>> -> memref<128x32xf32, #tpu.memory_space<vmem>>
    %dma_start3A_271 = arith.constant 0 : i32
    %dma_start3A_272 = tpu.memref_slice %arg5[%dma_start3A_267, %dma_start3A_271] : memref<50x128xi32, #tpu.memory_space<vmem>> -> memref<1x128xi32, #tpu.memory_space<vmem>>
    %dma_start3A_273 = tpu.memref_squeeze %dma_start3A_272 : memref<1x128xi32, #tpu.memory_space<vmem>> -> memref<128xi32, #tpu.memory_space<vmem>>
    %dma_start3A_274 = arith.constant 0 : i32
    %dma_start3A_275 = arith.constant 0 : i32
    %dma_start3A_276 = tpu.memref_slice %arg2[%dma_start3A_274, %dma_start3A_275] : memref<4000000x32xf32, #tpu.memory_space<hbm>> -> memref<4000000x32xf32, #tpu.memory_space<hbm>>
    tpu.enqueue_indirect_dma source(%dma_start3A_276 : memref<4000000x32xf32, #tpu.memory_space<hbm>>) target(%dma_start3A_270 : memref<128x32xf32, #tpu.memory_space<vmem>>) offsets(%dma_start3A_273 : memref<128xi32, #tpu.memory_space<vmem>>) semaphore(%arg7 : memref<!tpu.dma_semaphore, #tpu.memory_space<semaphore_mem>>)
    %dma_start3A_277 = arith.constant 17 : i32
    %dma_start3A_278 = arith.constant 896 : i32
    %dma_start3A_279 = arith.constant 0 : i32
    %dma_start3A_280 = tpu.memref_slice %arg6[%dma_start3A_278, %dma_start3A_279] : memref<1280x32xf32, #tpu.memory_space<vmem>> -> memref<128x32xf32, #tpu.memory_space<vmem>>
    %dma_start3A_281 = arith.constant 0 : i32
    %dma_start3A_282 = tpu.memref_slice %arg5[%dma_start3A_277, %dma_start3A_281] : memref<50x128xi32, #tpu.memory_space<vmem>> -> memref<1x128xi32, #tpu.memory_space<vmem>>
    %dma_start3A_283 = tpu.memref_squeeze %dma_start3A_282 : memref<1x128xi32, #tpu.memory_space<vmem>> -> memref<128xi32, #tpu.memory_space<vmem>>
    %dma_start3A_284 = arith.constant 0 : i32
    %dma_start3A_285 = arith.constant 0 : i32
    %dma_start3A_286 = tpu.memref_slice %arg2[%dma_start3A_284, %dma_start3A_285] : memref<4000000x32xf32, #tpu.memory_space<hbm>> -> memref<4000000x32xf32, #tpu.memory_space<hbm>>
    tpu.enqueue_indirect_dma source(%dma_start3A_286 : memref<4000000x32xf32, #tpu.memory_space<hbm>>) target(%dma_start3A_280 : memref<128x32xf32, #tpu.memory_space<vmem>>) offsets(%dma_start3A_283 : memref<128xi32, #tpu.memory_space<vmem>>) semaphore(%arg7 : memref<!tpu.dma_semaphore, #tpu.memory_space<semaphore_mem>>)
    %dma_start3A_287 = arith.constant 18 : i32
    %dma_start3A_288 = arith.constant 1024 : i32
    %dma_start3A_289 = arith.constant 0 : i32
    %dma_start3A_290 = tpu.memref_slice %arg6[%dma_start3A_288, %dma_start3A_289] : memref<1280x32xf32, #tpu.memory_space<vmem>> -> memref<128x32xf32, #tpu.memory_space<vmem>>
    %dma_start3A_291 = arith.constant 0 : i32
    %dma_start3A_292 = tpu.memref_slice %arg5[%dma_start3A_287, %dma_start3A_291] : memref<50x128xi32, #tpu.memory_space<vmem>> -> memref<1x128xi32, #tpu.memory_space<vmem>>
    %dma_start3A_293 = tpu.memref_squeeze %dma_start3A_292 : memref<1x128xi32, #tpu.memory_space<vmem>> -> memref<128xi32, #tpu.memory_space<vmem>>
    %dma_start3A_294 = arith.constant 0 : i32
    %dma_start3A_295 = arith.constant 0 : i32
    %dma_start3A_296 = tpu.memref_slice %arg2[%dma_start3A_294, %dma_start3A_295] : memref<4000000x32xf32, #tpu.memory_space<hbm>> -> memref<4000000x32xf32, #tpu.memory_space<hbm>>
    tpu.enqueue_indirect_dma source(%dma_start3A_296 : memref<4000000x32xf32, #tpu.memory_space<hbm>>) target(%dma_start3A_290 : memref<128x32xf32, #tpu.memory_space<vmem>>) offsets(%dma_start3A_293 : memref<128xi32, #tpu.memory_space<vmem>>) semaphore(%arg7 : memref<!tpu.dma_semaphore, #tpu.memory_space<semaphore_mem>>)
    %dma_start3A_297 = arith.constant 19 : i32
    %dma_start3A_298 = arith.constant 1152 : i32
    %dma_start3A_299 = arith.constant 0 : i32
    %dma_start3A_300 = tpu.memref_slice %arg6[%dma_start3A_298, %dma_start3A_299] : memref<1280x32xf32, #tpu.memory_space<vmem>> -> memref<128x32xf32, #tpu.memory_space<vmem>>
    %dma_start3A_301 = arith.constant 0 : i32
    %dma_start3A_302 = tpu.memref_slice %arg5[%dma_start3A_297, %dma_start3A_301] : memref<50x128xi32, #tpu.memory_space<vmem>> -> memref<1x128xi32, #tpu.memory_space<vmem>>
    %dma_start3A_303 = tpu.memref_squeeze %dma_start3A_302 : memref<1x128xi32, #tpu.memory_space<vmem>> -> memref<128xi32, #tpu.memory_space<vmem>>
    %dma_start3A_304 = arith.constant 0 : i32
    %dma_start3A_305 = arith.constant 0 : i32
    %dma_start3A_306 = tpu.memref_slice %arg2[%dma_start3A_304, %dma_start3A_305] : memref<4000000x32xf32, #tpu.memory_space<hbm>> -> memref<4000000x32xf32, #tpu.memory_space<hbm>>
    tpu.enqueue_indirect_dma source(%dma_start3A_306 : memref<4000000x32xf32, #tpu.memory_space<hbm>>) target(%dma_start3A_300 : memref<128x32xf32, #tpu.memory_space<vmem>>) offsets(%dma_start3A_303 : memref<128xi32, #tpu.memory_space<vmem>>) semaphore(%arg7 : memref<!tpu.dma_semaphore, #tpu.memory_space<semaphore_mem>>)
    %dma_wait3A_307 = arith.constant 10 : i32
    %dma_wait3A_308 = arith.constant 0 : i32
    %dma_wait3A_309 = arith.constant 0 : i32
    %dma_wait3A_310 = tpu.memref_slice %arg6[%dma_wait3A_308, %dma_wait3A_309] : memref<1280x32xf32, #tpu.memory_space<vmem>> -> memref<128x32xf32, #tpu.memory_space<vmem>>
    %dma_wait3A_311 = arith.constant 0 : i32
    %dma_wait3A_312 = tpu.memref_slice %arg5[%dma_wait3A_307, %dma_wait3A_311] : memref<50x128xi32, #tpu.memory_space<vmem>> -> memref<1x128xi32, #tpu.memory_space<vmem>>
    %dma_wait3A_313 = tpu.memref_squeeze %dma_wait3A_312 : memref<1x128xi32, #tpu.memory_space<vmem>> -> memref<128xi32, #tpu.memory_space<vmem>>
    %dma_wait3A_314 = arith.constant 0 : i32
    %dma_wait3A_315 = arith.constant 0 : i32
    %dma_wait3A_316 = tpu.memref_slice %arg2[%dma_wait3A_314, %dma_wait3A_315] : memref<4000000x32xf32, #tpu.memory_space<hbm>> -> memref<4000000x32xf32, #tpu.memory_space<hbm>>
    tpu.wait_indirect_dma semaphore(%arg7 : memref<!tpu.dma_semaphore, #tpu.memory_space<semaphore_mem>>) src(%dma_wait3A_316 : memref<4000000x32xf32, #tpu.memory_space<hbm>>) dst(%dma_wait3A_310 : memref<128x32xf32, #tpu.memory_space<vmem>>)
    %dma_wait3A_317 = arith.constant 11 : i32
    %dma_wait3A_318 = arith.constant 128 : i32
    %dma_wait3A_319 = arith.constant 0 : i32
    %dma_wait3A_320 = tpu.memref_slice %arg6[%dma_wait3A_318, %dma_wait3A_319] : memref<1280x32xf32, #tpu.memory_space<vmem>> -> memref<128x32xf32, #tpu.memory_space<vmem>>
    %dma_wait3A_321 = arith.constant 0 : i32
    %dma_wait3A_322 = tpu.memref_slice %arg5[%dma_wait3A_317, %dma_wait3A_321] : memref<50x128xi32, #tpu.memory_space<vmem>> -> memref<1x128xi32, #tpu.memory_space<vmem>>
    %dma_wait3A_323 = tpu.memref_squeeze %dma_wait3A_322 : memref<1x128xi32, #tpu.memory_space<vmem>> -> memref<128xi32, #tpu.memory_space<vmem>>
    %dma_wait3A_324 = arith.constant 0 : i32
    %dma_wait3A_325 = arith.constant 0 : i32
    %dma_wait3A_326 = tpu.memref_slice %arg2[%dma_wait3A_324, %dma_wait3A_325] : memref<4000000x32xf32, #tpu.memory_space<hbm>> -> memref<4000000x32xf32, #tpu.memory_space<hbm>>
    tpu.wait_indirect_dma semaphore(%arg7 : memref<!tpu.dma_semaphore, #tpu.memory_space<semaphore_mem>>) src(%dma_wait3A_326 : memref<4000000x32xf32, #tpu.memory_space<hbm>>) dst(%dma_wait3A_320 : memref<128x32xf32, #tpu.memory_space<vmem>>)
    %dma_wait3A_327 = arith.constant 12 : i32
    %dma_wait3A_328 = arith.constant 256 : i32
    %dma_wait3A_329 = arith.constant 0 : i32
    %dma_wait3A_330 = tpu.memref_slice %arg6[%dma_wait3A_328, %dma_wait3A_329] : memref<1280x32xf32, #tpu.memory_space<vmem>> -> memref<128x32xf32, #tpu.memory_space<vmem>>
    %dma_wait3A_331 = arith.constant 0 : i32
    %dma_wait3A_332 = tpu.memref_slice %arg5[%dma_wait3A_327, %dma_wait3A_331] : memref<50x128xi32, #tpu.memory_space<vmem>> -> memref<1x128xi32, #tpu.memory_space<vmem>>
    %dma_wait3A_333 = tpu.memref_squeeze %dma_wait3A_332 : memref<1x128xi32, #tpu.memory_space<vmem>> -> memref<128xi32, #tpu.memory_space<vmem>>
    %dma_wait3A_334 = arith.constant 0 : i32
    %dma_wait3A_335 = arith.constant 0 : i32
    %dma_wait3A_336 = tpu.memref_slice %arg2[%dma_wait3A_334, %dma_wait3A_335] : memref<4000000x32xf32, #tpu.memory_space<hbm>> -> memref<4000000x32xf32, #tpu.memory_space<hbm>>
    tpu.wait_indirect_dma semaphore(%arg7 : memref<!tpu.dma_semaphore, #tpu.memory_space<semaphore_mem>>) src(%dma_wait3A_336 : memref<4000000x32xf32, #tpu.memory_space<hbm>>) dst(%dma_wait3A_330 : memref<128x32xf32, #tpu.memory_space<vmem>>)
    %dma_wait3A_337 = arith.constant 13 : i32
    %dma_wait3A_338 = arith.constant 384 : i32
    %dma_wait3A_339 = arith.constant 0 : i32
    %dma_wait3A_340 = tpu.memref_slice %arg6[%dma_wait3A_338, %dma_wait3A_339] : memref<1280x32xf32, #tpu.memory_space<vmem>> -> memref<128x32xf32, #tpu.memory_space<vmem>>
    %dma_wait3A_341 = arith.constant 0 : i32
    %dma_wait3A_342 = tpu.memref_slice %arg5[%dma_wait3A_337, %dma_wait3A_341] : memref<50x128xi32, #tpu.memory_space<vmem>> -> memref<1x128xi32, #tpu.memory_space<vmem>>
    %dma_wait3A_343 = tpu.memref_squeeze %dma_wait3A_342 : memref<1x128xi32, #tpu.memory_space<vmem>> -> memref<128xi32, #tpu.memory_space<vmem>>
    %dma_wait3A_344 = arith.constant 0 : i32
    %dma_wait3A_345 = arith.constant 0 : i32
    %dma_wait3A_346 = tpu.memref_slice %arg2[%dma_wait3A_344, %dma_wait3A_345] : memref<4000000x32xf32, #tpu.memory_space<hbm>> -> memref<4000000x32xf32, #tpu.memory_space<hbm>>
    tpu.wait_indirect_dma semaphore(%arg7 : memref<!tpu.dma_semaphore, #tpu.memory_space<semaphore_mem>>) src(%dma_wait3A_346 : memref<4000000x32xf32, #tpu.memory_space<hbm>>) dst(%dma_wait3A_340 : memref<128x32xf32, #tpu.memory_space<vmem>>)
    %dma_wait3A_347 = arith.constant 14 : i32
    %dma_wait3A_348 = arith.constant 512 : i32
    %dma_wait3A_349 = arith.constant 0 : i32
    %dma_wait3A_350 = tpu.memref_slice %arg6[%dma_wait3A_348, %dma_wait3A_349] : memref<1280x32xf32, #tpu.memory_space<vmem>> -> memref<128x32xf32, #tpu.memory_space<vmem>>
    %dma_wait3A_351 = arith.constant 0 : i32
    %dma_wait3A_352 = tpu.memref_slice %arg5[%dma_wait3A_347, %dma_wait3A_351] : memref<50x128xi32, #tpu.memory_space<vmem>> -> memref<1x128xi32, #tpu.memory_space<vmem>>
    %dma_wait3A_353 = tpu.memref_squeeze %dma_wait3A_352 : memref<1x128xi32, #tpu.memory_space<vmem>> -> memref<128xi32, #tpu.memory_space<vmem>>
    %dma_wait3A_354 = arith.constant 0 : i32
    %dma_wait3A_355 = arith.constant 0 : i32
    %dma_wait3A_356 = tpu.memref_slice %arg2[%dma_wait3A_354, %dma_wait3A_355] : memref<4000000x32xf32, #tpu.memory_space<hbm>> -> memref<4000000x32xf32, #tpu.memory_space<hbm>>
    tpu.wait_indirect_dma semaphore(%arg7 : memref<!tpu.dma_semaphore, #tpu.memory_space<semaphore_mem>>) src(%dma_wait3A_356 : memref<4000000x32xf32, #tpu.memory_space<hbm>>) dst(%dma_wait3A_350 : memref<128x32xf32, #tpu.memory_space<vmem>>)
    %dma_wait3A_357 = arith.constant 15 : i32
    %dma_wait3A_358 = arith.constant 640 : i32
    %dma_wait3A_359 = arith.constant 0 : i32
    %dma_wait3A_360 = tpu.memref_slice %arg6[%dma_wait3A_358, %dma_wait3A_359] : memref<1280x32xf32, #tpu.memory_space<vmem>> -> memref<128x32xf32, #tpu.memory_space<vmem>>
    %dma_wait3A_361 = arith.constant 0 : i32
    %dma_wait3A_362 = tpu.memref_slice %arg5[%dma_wait3A_357, %dma_wait3A_361] : memref<50x128xi32, #tpu.memory_space<vmem>> -> memref<1x128xi32, #tpu.memory_space<vmem>>
    %dma_wait3A_363 = tpu.memref_squeeze %dma_wait3A_362 : memref<1x128xi32, #tpu.memory_space<vmem>> -> memref<128xi32, #tpu.memory_space<vmem>>
    %dma_wait3A_364 = arith.constant 0 : i32
    %dma_wait3A_365 = arith.constant 0 : i32
    %dma_wait3A_366 = tpu.memref_slice %arg2[%dma_wait3A_364, %dma_wait3A_365] : memref<4000000x32xf32, #tpu.memory_space<hbm>> -> memref<4000000x32xf32, #tpu.memory_space<hbm>>
    tpu.wait_indirect_dma semaphore(%arg7 : memref<!tpu.dma_semaphore, #tpu.memory_space<semaphore_mem>>) src(%dma_wait3A_366 : memref<4000000x32xf32, #tpu.memory_space<hbm>>) dst(%dma_wait3A_360 : memref<128x32xf32, #tpu.memory_space<vmem>>)
    %dma_wait3A_367 = arith.constant 16 : i32
    %dma_wait3A_368 = arith.constant 768 : i32
    %dma_wait3A_369 = arith.constant 0 : i32
    %dma_wait3A_370 = tpu.memref_slice %arg6[%dma_wait3A_368, %dma_wait3A_369] : memref<1280x32xf32, #tpu.memory_space<vmem>> -> memref<128x32xf32, #tpu.memory_space<vmem>>
    %dma_wait3A_371 = arith.constant 0 : i32
    %dma_wait3A_372 = tpu.memref_slice %arg5[%dma_wait3A_367, %dma_wait3A_371] : memref<50x128xi32, #tpu.memory_space<vmem>> -> memref<1x128xi32, #tpu.memory_space<vmem>>
    %dma_wait3A_373 = tpu.memref_squeeze %dma_wait3A_372 : memref<1x128xi32, #tpu.memory_space<vmem>> -> memref<128xi32, #tpu.memory_space<vmem>>
    %dma_wait3A_374 = arith.constant 0 : i32
    %dma_wait3A_375 = arith.constant 0 : i32
    %dma_wait3A_376 = tpu.memref_slice %arg2[%dma_wait3A_374, %dma_wait3A_375] : memref<4000000x32xf32, #tpu.memory_space<hbm>> -> memref<4000000x32xf32, #tpu.memory_space<hbm>>
    tpu.wait_indirect_dma semaphore(%arg7 : memref<!tpu.dma_semaphore, #tpu.memory_space<semaphore_mem>>) src(%dma_wait3A_376 : memref<4000000x32xf32, #tpu.memory_space<hbm>>) dst(%dma_wait3A_370 : memref<128x32xf32, #tpu.memory_space<vmem>>)
    %dma_wait3A_377 = arith.constant 17 : i32
    %dma_wait3A_378 = arith.constant 896 : i32
    %dma_wait3A_379 = arith.constant 0 : i32
    %dma_wait3A_380 = tpu.memref_slice %arg6[%dma_wait3A_378, %dma_wait3A_379] : memref<1280x32xf32, #tpu.memory_space<vmem>> -> memref<128x32xf32, #tpu.memory_space<vmem>>
    %dma_wait3A_381 = arith.constant 0 : i32
    %dma_wait3A_382 = tpu.memref_slice %arg5[%dma_wait3A_377, %dma_wait3A_381] : memref<50x128xi32, #tpu.memory_space<vmem>> -> memref<1x128xi32, #tpu.memory_space<vmem>>
    %dma_wait3A_383 = tpu.memref_squeeze %dma_wait3A_382 : memref<1x128xi32, #tpu.memory_space<vmem>> -> memref<128xi32, #tpu.memory_space<vmem>>
    %dma_wait3A_384 = arith.constant 0 : i32
    %dma_wait3A_385 = arith.constant 0 : i32
    %dma_wait3A_386 = tpu.memref_slice %arg2[%dma_wait3A_384, %dma_wait3A_385] : memref<4000000x32xf32, #tpu.memory_space<hbm>> -> memref<4000000x32xf32, #tpu.memory_space<hbm>>
    tpu.wait_indirect_dma semaphore(%arg7 : memref<!tpu.dma_semaphore, #tpu.memory_space<semaphore_mem>>) src(%dma_wait3A_386 : memref<4000000x32xf32, #tpu.memory_space<hbm>>) dst(%dma_wait3A_380 : memref<128x32xf32, #tpu.memory_space<vmem>>)
    %dma_wait3A_387 = arith.constant 18 : i32
    %dma_wait3A_388 = arith.constant 1024 : i32
    %dma_wait3A_389 = arith.constant 0 : i32
    %dma_wait3A_390 = tpu.memref_slice %arg6[%dma_wait3A_388, %dma_wait3A_389] : memref<1280x32xf32, #tpu.memory_space<vmem>> -> memref<128x32xf32, #tpu.memory_space<vmem>>
    %dma_wait3A_391 = arith.constant 0 : i32
    %dma_wait3A_392 = tpu.memref_slice %arg5[%dma_wait3A_387, %dma_wait3A_391] : memref<50x128xi32, #tpu.memory_space<vmem>> -> memref<1x128xi32, #tpu.memory_space<vmem>>
    %dma_wait3A_393 = tpu.memref_squeeze %dma_wait3A_392 : memref<1x128xi32, #tpu.memory_space<vmem>> -> memref<128xi32, #tpu.memory_space<vmem>>
    %dma_wait3A_394 = arith.constant 0 : i32
    %dma_wait3A_395 = arith.constant 0 : i32
    %dma_wait3A_396 = tpu.memref_slice %arg2[%dma_wait3A_394, %dma_wait3A_395] : memref<4000000x32xf32, #tpu.memory_space<hbm>> -> memref<4000000x32xf32, #tpu.memory_space<hbm>>
    tpu.wait_indirect_dma semaphore(%arg7 : memref<!tpu.dma_semaphore, #tpu.memory_space<semaphore_mem>>) src(%dma_wait3A_396 : memref<4000000x32xf32, #tpu.memory_space<hbm>>) dst(%dma_wait3A_390 : memref<128x32xf32, #tpu.memory_space<vmem>>)
    %dma_wait3A_397 = arith.constant 19 : i32
    %dma_wait3A_398 = arith.constant 1152 : i32
    %dma_wait3A_399 = arith.constant 0 : i32
    %dma_wait3A_400 = tpu.memref_slice %arg6[%dma_wait3A_398, %dma_wait3A_399] : memref<1280x32xf32, #tpu.memory_space<vmem>> -> memref<128x32xf32, #tpu.memory_space<vmem>>
    %dma_wait3A_401 = arith.constant 0 : i32
    %dma_wait3A_402 = tpu.memref_slice %arg5[%dma_wait3A_397, %dma_wait3A_401] : memref<50x128xi32, #tpu.memory_space<vmem>> -> memref<1x128xi32, #tpu.memory_space<vmem>>
    %dma_wait3A_403 = tpu.memref_squeeze %dma_wait3A_402 : memref<1x128xi32, #tpu.memory_space<vmem>> -> memref<128xi32, #tpu.memory_space<vmem>>
    %dma_wait3A_404 = arith.constant 0 : i32
    %dma_wait3A_405 = arith.constant 0 : i32
    %dma_wait3A_406 = tpu.memref_slice %arg2[%dma_wait3A_404, %dma_wait3A_405] : memref<4000000x32xf32, #tpu.memory_space<hbm>> -> memref<4000000x32xf32, #tpu.memory_space<hbm>>
    tpu.wait_indirect_dma semaphore(%arg7 : memref<!tpu.dma_semaphore, #tpu.memory_space<semaphore_mem>>) src(%dma_wait3A_406 : memref<4000000x32xf32, #tpu.memory_space<hbm>>) dst(%dma_wait3A_400 : memref<128x32xf32, #tpu.memory_space<vmem>>)
    %mul3A_407 = arith.constant 50 : i32
    %mul3A_408 = arith.muli %add3A, %mul3A_407 : i32
    %mul3A_409 = arith.constant 128 : i32
    %mul3A_410 = arith.muli %mul3A_408, %mul3A_409 : i32
    %add3A_411 = arith.constant 1280 : i32
    %add3A_412 = arith.addi %mul3A_410, %add3A_411 : i32
    "tpu.region"() ({
      %run_scoped3A = tpu.sem_alloc : memref<!tpu.dma_semaphore, #tpu.memory_space<semaphore_mem>>
      %dma_start3A_1031 = arith.constant 0 : i32
      %dma_start3A_1032 = tpu.memref_slice %arg4[%add3A_412, %dma_start3A_1031] : memref<204800x128xf32, #tpu.memory_space<hbm>> -> memref<1280x32xf32, #tpu.memory_space<hbm>>
      %dma_start3A_1033 = arith.constant 0 : i32
      %dma_start3A_1034 = tpu.memref_slice %arg4[%add3A_412, %dma_start3A_1033] : memref<204800x128xf32, #tpu.memory_space<hbm>> -> memref<1280x32xf32, #tpu.memory_space<hbm>>
      tpu.enqueue_dma source(%arg6 : memref<1280x32xf32, #tpu.memory_space<vmem>>) target(%dma_start3A_1034 : memref<1280x32xf32, #tpu.memory_space<hbm>>) target_semaphore(%run_scoped3A : memref<!tpu.dma_semaphore, #tpu.memory_space<semaphore_mem>>)
      %dma_wait3A_1035 = arith.constant 0 : i32
      %dma_wait3A_1036 = tpu.memref_slice %arg4[%add3A_412, %dma_wait3A_1035] : memref<204800x128xf32, #tpu.memory_space<hbm>> -> memref<1280x32xf32, #tpu.memory_space<hbm>>
      %dma_wait3A_1037 = arith.constant 0 : i32
      %dma_wait3A_1038 = tpu.memref_slice %arg4[%add3A_412, %dma_wait3A_1037] : memref<204800x128xf32, #tpu.memory_space<hbm>> -> memref<1280x32xf32, #tpu.memory_space<hbm>>
      tpu.wait_dma2 semaphore(%run_scoped3A : memref<!tpu.dma_semaphore, #tpu.memory_space<semaphore_mem>>) src(%arg6 : memref<1280x32xf32, #tpu.memory_space<vmem>>) dst(%dma_wait3A_1038 : memref<1280x32xf32, #tpu.memory_space<hbm>>)
      tpu.yield
    }) : () -> ()
    %dma_start3A_413 = arith.constant 20 : i32
    %dma_start3A_414 = arith.constant 0 : i32
    %dma_start3A_415 = arith.constant 0 : i32
    %dma_start3A_416 = tpu.memref_slice %arg6[%dma_start3A_414, %dma_start3A_415] : memref<1280x32xf32, #tpu.memory_space<vmem>> -> memref<128x32xf32, #tpu.memory_space<vmem>>
    %dma_start3A_417 = arith.constant 0 : i32
    %dma_start3A_418 = tpu.memref_slice %arg5[%dma_start3A_413, %dma_start3A_417] : memref<50x128xi32, #tpu.memory_space<vmem>> -> memref<1x128xi32, #tpu.memory_space<vmem>>
    %dma_start3A_419 = tpu.memref_squeeze %dma_start3A_418 : memref<1x128xi32, #tpu.memory_space<vmem>> -> memref<128xi32, #tpu.memory_space<vmem>>
    %dma_start3A_420 = arith.constant 0 : i32
    %dma_start3A_421 = arith.constant 0 : i32
    %dma_start3A_422 = tpu.memref_slice %arg2[%dma_start3A_420, %dma_start3A_421] : memref<4000000x32xf32, #tpu.memory_space<hbm>> -> memref<4000000x32xf32, #tpu.memory_space<hbm>>
    tpu.enqueue_indirect_dma source(%dma_start3A_422 : memref<4000000x32xf32, #tpu.memory_space<hbm>>) target(%dma_start3A_416 : memref<128x32xf32, #tpu.memory_space<vmem>>) offsets(%dma_start3A_419 : memref<128xi32, #tpu.memory_space<vmem>>) semaphore(%arg7 : memref<!tpu.dma_semaphore, #tpu.memory_space<semaphore_mem>>)
    %dma_start3A_423 = arith.constant 21 : i32
    %dma_start3A_424 = arith.constant 128 : i32
    %dma_start3A_425 = arith.constant 0 : i32
    %dma_start3A_426 = tpu.memref_slice %arg6[%dma_start3A_424, %dma_start3A_425] : memref<1280x32xf32, #tpu.memory_space<vmem>> -> memref<128x32xf32, #tpu.memory_space<vmem>>
    %dma_start3A_427 = arith.constant 0 : i32
    %dma_start3A_428 = tpu.memref_slice %arg5[%dma_start3A_423, %dma_start3A_427] : memref<50x128xi32, #tpu.memory_space<vmem>> -> memref<1x128xi32, #tpu.memory_space<vmem>>
    %dma_start3A_429 = tpu.memref_squeeze %dma_start3A_428 : memref<1x128xi32, #tpu.memory_space<vmem>> -> memref<128xi32, #tpu.memory_space<vmem>>
    %dma_start3A_430 = arith.constant 0 : i32
    %dma_start3A_431 = arith.constant 0 : i32
    %dma_start3A_432 = tpu.memref_slice %arg2[%dma_start3A_430, %dma_start3A_431] : memref<4000000x32xf32, #tpu.memory_space<hbm>> -> memref<4000000x32xf32, #tpu.memory_space<hbm>>
    tpu.enqueue_indirect_dma source(%dma_start3A_432 : memref<4000000x32xf32, #tpu.memory_space<hbm>>) target(%dma_start3A_426 : memref<128x32xf32, #tpu.memory_space<vmem>>) offsets(%dma_start3A_429 : memref<128xi32, #tpu.memory_space<vmem>>) semaphore(%arg7 : memref<!tpu.dma_semaphore, #tpu.memory_space<semaphore_mem>>)
    %dma_start3A_433 = arith.constant 22 : i32
    %dma_start3A_434 = arith.constant 256 : i32
    %dma_start3A_435 = arith.constant 0 : i32
    %dma_start3A_436 = tpu.memref_slice %arg6[%dma_start3A_434, %dma_start3A_435] : memref<1280x32xf32, #tpu.memory_space<vmem>> -> memref<128x32xf32, #tpu.memory_space<vmem>>
    %dma_start3A_437 = arith.constant 0 : i32
    %dma_start3A_438 = tpu.memref_slice %arg5[%dma_start3A_433, %dma_start3A_437] : memref<50x128xi32, #tpu.memory_space<vmem>> -> memref<1x128xi32, #tpu.memory_space<vmem>>
    %dma_start3A_439 = tpu.memref_squeeze %dma_start3A_438 : memref<1x128xi32, #tpu.memory_space<vmem>> -> memref<128xi32, #tpu.memory_space<vmem>>
    %dma_start3A_440 = arith.constant 0 : i32
    %dma_start3A_441 = arith.constant 0 : i32
    %dma_start3A_442 = tpu.memref_slice %arg2[%dma_start3A_440, %dma_start3A_441] : memref<4000000x32xf32, #tpu.memory_space<hbm>> -> memref<4000000x32xf32, #tpu.memory_space<hbm>>
    tpu.enqueue_indirect_dma source(%dma_start3A_442 : memref<4000000x32xf32, #tpu.memory_space<hbm>>) target(%dma_start3A_436 : memref<128x32xf32, #tpu.memory_space<vmem>>) offsets(%dma_start3A_439 : memref<128xi32, #tpu.memory_space<vmem>>) semaphore(%arg7 : memref<!tpu.dma_semaphore, #tpu.memory_space<semaphore_mem>>)
    %dma_start3A_443 = arith.constant 23 : i32
    %dma_start3A_444 = arith.constant 384 : i32
    %dma_start3A_445 = arith.constant 0 : i32
    %dma_start3A_446 = tpu.memref_slice %arg6[%dma_start3A_444, %dma_start3A_445] : memref<1280x32xf32, #tpu.memory_space<vmem>> -> memref<128x32xf32, #tpu.memory_space<vmem>>
    %dma_start3A_447 = arith.constant 0 : i32
    %dma_start3A_448 = tpu.memref_slice %arg5[%dma_start3A_443, %dma_start3A_447] : memref<50x128xi32, #tpu.memory_space<vmem>> -> memref<1x128xi32, #tpu.memory_space<vmem>>
    %dma_start3A_449 = tpu.memref_squeeze %dma_start3A_448 : memref<1x128xi32, #tpu.memory_space<vmem>> -> memref<128xi32, #tpu.memory_space<vmem>>
    %dma_start3A_450 = arith.constant 0 : i32
    %dma_start3A_451 = arith.constant 0 : i32
    %dma_start3A_452 = tpu.memref_slice %arg2[%dma_start3A_450, %dma_start3A_451] : memref<4000000x32xf32, #tpu.memory_space<hbm>> -> memref<4000000x32xf32, #tpu.memory_space<hbm>>
    tpu.enqueue_indirect_dma source(%dma_start3A_452 : memref<4000000x32xf32, #tpu.memory_space<hbm>>) target(%dma_start3A_446 : memref<128x32xf32, #tpu.memory_space<vmem>>) offsets(%dma_start3A_449 : memref<128xi32, #tpu.memory_space<vmem>>) semaphore(%arg7 : memref<!tpu.dma_semaphore, #tpu.memory_space<semaphore_mem>>)
    %dma_start3A_453 = arith.constant 24 : i32
    %dma_start3A_454 = arith.constant 512 : i32
    %dma_start3A_455 = arith.constant 0 : i32
    %dma_start3A_456 = tpu.memref_slice %arg6[%dma_start3A_454, %dma_start3A_455] : memref<1280x32xf32, #tpu.memory_space<vmem>> -> memref<128x32xf32, #tpu.memory_space<vmem>>
    %dma_start3A_457 = arith.constant 0 : i32
    %dma_start3A_458 = tpu.memref_slice %arg5[%dma_start3A_453, %dma_start3A_457] : memref<50x128xi32, #tpu.memory_space<vmem>> -> memref<1x128xi32, #tpu.memory_space<vmem>>
    %dma_start3A_459 = tpu.memref_squeeze %dma_start3A_458 : memref<1x128xi32, #tpu.memory_space<vmem>> -> memref<128xi32, #tpu.memory_space<vmem>>
    %dma_start3A_460 = arith.constant 0 : i32
    %dma_start3A_461 = arith.constant 0 : i32
    %dma_start3A_462 = tpu.memref_slice %arg2[%dma_start3A_460, %dma_start3A_461] : memref<4000000x32xf32, #tpu.memory_space<hbm>> -> memref<4000000x32xf32, #tpu.memory_space<hbm>>
    tpu.enqueue_indirect_dma source(%dma_start3A_462 : memref<4000000x32xf32, #tpu.memory_space<hbm>>) target(%dma_start3A_456 : memref<128x32xf32, #tpu.memory_space<vmem>>) offsets(%dma_start3A_459 : memref<128xi32, #tpu.memory_space<vmem>>) semaphore(%arg7 : memref<!tpu.dma_semaphore, #tpu.memory_space<semaphore_mem>>)
    %dma_start3A_463 = arith.constant 25 : i32
    %dma_start3A_464 = arith.constant 640 : i32
    %dma_start3A_465 = arith.constant 0 : i32
    %dma_start3A_466 = tpu.memref_slice %arg6[%dma_start3A_464, %dma_start3A_465] : memref<1280x32xf32, #tpu.memory_space<vmem>> -> memref<128x32xf32, #tpu.memory_space<vmem>>
    %dma_start3A_467 = arith.constant 0 : i32
    %dma_start3A_468 = tpu.memref_slice %arg5[%dma_start3A_463, %dma_start3A_467] : memref<50x128xi32, #tpu.memory_space<vmem>> -> memref<1x128xi32, #tpu.memory_space<vmem>>
    %dma_start3A_469 = tpu.memref_squeeze %dma_start3A_468 : memref<1x128xi32, #tpu.memory_space<vmem>> -> memref<128xi32, #tpu.memory_space<vmem>>
    %dma_start3A_470 = arith.constant 0 : i32
    %dma_start3A_471 = arith.constant 0 : i32
    %dma_start3A_472 = tpu.memref_slice %arg2[%dma_start3A_470, %dma_start3A_471] : memref<4000000x32xf32, #tpu.memory_space<hbm>> -> memref<4000000x32xf32, #tpu.memory_space<hbm>>
    tpu.enqueue_indirect_dma source(%dma_start3A_472 : memref<4000000x32xf32, #tpu.memory_space<hbm>>) target(%dma_start3A_466 : memref<128x32xf32, #tpu.memory_space<vmem>>) offsets(%dma_start3A_469 : memref<128xi32, #tpu.memory_space<vmem>>) semaphore(%arg7 : memref<!tpu.dma_semaphore, #tpu.memory_space<semaphore_mem>>)
    %dma_start3A_473 = arith.constant 26 : i32
    %dma_start3A_474 = arith.constant 768 : i32
    %dma_start3A_475 = arith.constant 0 : i32
    %dma_start3A_476 = tpu.memref_slice %arg6[%dma_start3A_474, %dma_start3A_475] : memref<1280x32xf32, #tpu.memory_space<vmem>> -> memref<128x32xf32, #tpu.memory_space<vmem>>
    %dma_start3A_477 = arith.constant 0 : i32
    %dma_start3A_478 = tpu.memref_slice %arg5[%dma_start3A_473, %dma_start3A_477] : memref<50x128xi32, #tpu.memory_space<vmem>> -> memref<1x128xi32, #tpu.memory_space<vmem>>
    %dma_start3A_479 = tpu.memref_squeeze %dma_start3A_478 : memref<1x128xi32, #tpu.memory_space<vmem>> -> memref<128xi32, #tpu.memory_space<vmem>>
    %dma_start3A_480 = arith.constant 0 : i32
    %dma_start3A_481 = arith.constant 0 : i32
    %dma_start3A_482 = tpu.memref_slice %arg2[%dma_start3A_480, %dma_start3A_481] : memref<4000000x32xf32, #tpu.memory_space<hbm>> -> memref<4000000x32xf32, #tpu.memory_space<hbm>>
    tpu.enqueue_indirect_dma source(%dma_start3A_482 : memref<4000000x32xf32, #tpu.memory_space<hbm>>) target(%dma_start3A_476 : memref<128x32xf32, #tpu.memory_space<vmem>>) offsets(%dma_start3A_479 : memref<128xi32, #tpu.memory_space<vmem>>) semaphore(%arg7 : memref<!tpu.dma_semaphore, #tpu.memory_space<semaphore_mem>>)
    %dma_start3A_483 = arith.constant 27 : i32
    %dma_start3A_484 = arith.constant 896 : i32
    %dma_start3A_485 = arith.constant 0 : i32
    %dma_start3A_486 = tpu.memref_slice %arg6[%dma_start3A_484, %dma_start3A_485] : memref<1280x32xf32, #tpu.memory_space<vmem>> -> memref<128x32xf32, #tpu.memory_space<vmem>>
    %dma_start3A_487 = arith.constant 0 : i32
    %dma_start3A_488 = tpu.memref_slice %arg5[%dma_start3A_483, %dma_start3A_487] : memref<50x128xi32, #tpu.memory_space<vmem>> -> memref<1x128xi32, #tpu.memory_space<vmem>>
    %dma_start3A_489 = tpu.memref_squeeze %dma_start3A_488 : memref<1x128xi32, #tpu.memory_space<vmem>> -> memref<128xi32, #tpu.memory_space<vmem>>
    %dma_start3A_490 = arith.constant 0 : i32
    %dma_start3A_491 = arith.constant 0 : i32
    %dma_start3A_492 = tpu.memref_slice %arg2[%dma_start3A_490, %dma_start3A_491] : memref<4000000x32xf32, #tpu.memory_space<hbm>> -> memref<4000000x32xf32, #tpu.memory_space<hbm>>
    tpu.enqueue_indirect_dma source(%dma_start3A_492 : memref<4000000x32xf32, #tpu.memory_space<hbm>>) target(%dma_start3A_486 : memref<128x32xf32, #tpu.memory_space<vmem>>) offsets(%dma_start3A_489 : memref<128xi32, #tpu.memory_space<vmem>>) semaphore(%arg7 : memref<!tpu.dma_semaphore, #tpu.memory_space<semaphore_mem>>)
    %dma_start3A_493 = arith.constant 28 : i32
    %dma_start3A_494 = arith.constant 1024 : i32
    %dma_start3A_495 = arith.constant 0 : i32
    %dma_start3A_496 = tpu.memref_slice %arg6[%dma_start3A_494, %dma_start3A_495] : memref<1280x32xf32, #tpu.memory_space<vmem>> -> memref<128x32xf32, #tpu.memory_space<vmem>>
    %dma_start3A_497 = arith.constant 0 : i32
    %dma_start3A_498 = tpu.memref_slice %arg5[%dma_start3A_493, %dma_start3A_497] : memref<50x128xi32, #tpu.memory_space<vmem>> -> memref<1x128xi32, #tpu.memory_space<vmem>>
    %dma_start3A_499 = tpu.memref_squeeze %dma_start3A_498 : memref<1x128xi32, #tpu.memory_space<vmem>> -> memref<128xi32, #tpu.memory_space<vmem>>
    %dma_start3A_500 = arith.constant 0 : i32
    %dma_start3A_501 = arith.constant 0 : i32
    %dma_start3A_502 = tpu.memref_slice %arg2[%dma_start3A_500, %dma_start3A_501] : memref<4000000x32xf32, #tpu.memory_space<hbm>> -> memref<4000000x32xf32, #tpu.memory_space<hbm>>
    tpu.enqueue_indirect_dma source(%dma_start3A_502 : memref<4000000x32xf32, #tpu.memory_space<hbm>>) target(%dma_start3A_496 : memref<128x32xf32, #tpu.memory_space<vmem>>) offsets(%dma_start3A_499 : memref<128xi32, #tpu.memory_space<vmem>>) semaphore(%arg7 : memref<!tpu.dma_semaphore, #tpu.memory_space<semaphore_mem>>)
    %dma_start3A_503 = arith.constant 29 : i32
    %dma_start3A_504 = arith.constant 1152 : i32
    %dma_start3A_505 = arith.constant 0 : i32
    %dma_start3A_506 = tpu.memref_slice %arg6[%dma_start3A_504, %dma_start3A_505] : memref<1280x32xf32, #tpu.memory_space<vmem>> -> memref<128x32xf32, #tpu.memory_space<vmem>>
    %dma_start3A_507 = arith.constant 0 : i32
    %dma_start3A_508 = tpu.memref_slice %arg5[%dma_start3A_503, %dma_start3A_507] : memref<50x128xi32, #tpu.memory_space<vmem>> -> memref<1x128xi32, #tpu.memory_space<vmem>>
    %dma_start3A_509 = tpu.memref_squeeze %dma_start3A_508 : memref<1x128xi32, #tpu.memory_space<vmem>> -> memref<128xi32, #tpu.memory_space<vmem>>
    %dma_start3A_510 = arith.constant 0 : i32
    %dma_start3A_511 = arith.constant 0 : i32
    %dma_start3A_512 = tpu.memref_slice %arg2[%dma_start3A_510, %dma_start3A_511] : memref<4000000x32xf32, #tpu.memory_space<hbm>> -> memref<4000000x32xf32, #tpu.memory_space<hbm>>
    tpu.enqueue_indirect_dma source(%dma_start3A_512 : memref<4000000x32xf32, #tpu.memory_space<hbm>>) target(%dma_start3A_506 : memref<128x32xf32, #tpu.memory_space<vmem>>) offsets(%dma_start3A_509 : memref<128xi32, #tpu.memory_space<vmem>>) semaphore(%arg7 : memref<!tpu.dma_semaphore, #tpu.memory_space<semaphore_mem>>)
    %dma_wait3A_513 = arith.constant 20 : i32
    %dma_wait3A_514 = arith.constant 0 : i32
    %dma_wait3A_515 = arith.constant 0 : i32
    %dma_wait3A_516 = tpu.memref_slice %arg6[%dma_wait3A_514, %dma_wait3A_515] : memref<1280x32xf32, #tpu.memory_space<vmem>> -> memref<128x32xf32, #tpu.memory_space<vmem>>
    %dma_wait3A_517 = arith.constant 0 : i32
    %dma_wait3A_518 = tpu.memref_slice %arg5[%dma_wait3A_513, %dma_wait3A_517] : memref<50x128xi32, #tpu.memory_space<vmem>> -> memref<1x128xi32, #tpu.memory_space<vmem>>
    %dma_wait3A_519 = tpu.memref_squeeze %dma_wait3A_518 : memref<1x128xi32, #tpu.memory_space<vmem>> -> memref<128xi32, #tpu.memory_space<vmem>>
    %dma_wait3A_520 = arith.constant 0 : i32
    %dma_wait3A_521 = arith.constant 0 : i32
    %dma_wait3A_522 = tpu.memref_slice %arg2[%dma_wait3A_520, %dma_wait3A_521] : memref<4000000x32xf32, #tpu.memory_space<hbm>> -> memref<4000000x32xf32, #tpu.memory_space<hbm>>
    tpu.wait_indirect_dma semaphore(%arg7 : memref<!tpu.dma_semaphore, #tpu.memory_space<semaphore_mem>>) src(%dma_wait3A_522 : memref<4000000x32xf32, #tpu.memory_space<hbm>>) dst(%dma_wait3A_516 : memref<128x32xf32, #tpu.memory_space<vmem>>)
    %dma_wait3A_523 = arith.constant 21 : i32
    %dma_wait3A_524 = arith.constant 128 : i32
    %dma_wait3A_525 = arith.constant 0 : i32
    %dma_wait3A_526 = tpu.memref_slice %arg6[%dma_wait3A_524, %dma_wait3A_525] : memref<1280x32xf32, #tpu.memory_space<vmem>> -> memref<128x32xf32, #tpu.memory_space<vmem>>
    %dma_wait3A_527 = arith.constant 0 : i32
    %dma_wait3A_528 = tpu.memref_slice %arg5[%dma_wait3A_523, %dma_wait3A_527] : memref<50x128xi32, #tpu.memory_space<vmem>> -> memref<1x128xi32, #tpu.memory_space<vmem>>
    %dma_wait3A_529 = tpu.memref_squeeze %dma_wait3A_528 : memref<1x128xi32, #tpu.memory_space<vmem>> -> memref<128xi32, #tpu.memory_space<vmem>>
    %dma_wait3A_530 = arith.constant 0 : i32
    %dma_wait3A_531 = arith.constant 0 : i32
    %dma_wait3A_532 = tpu.memref_slice %arg2[%dma_wait3A_530, %dma_wait3A_531] : memref<4000000x32xf32, #tpu.memory_space<hbm>> -> memref<4000000x32xf32, #tpu.memory_space<hbm>>
    tpu.wait_indirect_dma semaphore(%arg7 : memref<!tpu.dma_semaphore, #tpu.memory_space<semaphore_mem>>) src(%dma_wait3A_532 : memref<4000000x32xf32, #tpu.memory_space<hbm>>) dst(%dma_wait3A_526 : memref<128x32xf32, #tpu.memory_space<vmem>>)
    %dma_wait3A_533 = arith.constant 22 : i32
    %dma_wait3A_534 = arith.constant 256 : i32
    %dma_wait3A_535 = arith.constant 0 : i32
    %dma_wait3A_536 = tpu.memref_slice %arg6[%dma_wait3A_534, %dma_wait3A_535] : memref<1280x32xf32, #tpu.memory_space<vmem>> -> memref<128x32xf32, #tpu.memory_space<vmem>>
    %dma_wait3A_537 = arith.constant 0 : i32
    %dma_wait3A_538 = tpu.memref_slice %arg5[%dma_wait3A_533, %dma_wait3A_537] : memref<50x128xi32, #tpu.memory_space<vmem>> -> memref<1x128xi32, #tpu.memory_space<vmem>>
    %dma_wait3A_539 = tpu.memref_squeeze %dma_wait3A_538 : memref<1x128xi32, #tpu.memory_space<vmem>> -> memref<128xi32, #tpu.memory_space<vmem>>
    %dma_wait3A_540 = arith.constant 0 : i32
    %dma_wait3A_541 = arith.constant 0 : i32
    %dma_wait3A_542 = tpu.memref_slice %arg2[%dma_wait3A_540, %dma_wait3A_541] : memref<4000000x32xf32, #tpu.memory_space<hbm>> -> memref<4000000x32xf32, #tpu.memory_space<hbm>>
    tpu.wait_indirect_dma semaphore(%arg7 : memref<!tpu.dma_semaphore, #tpu.memory_space<semaphore_mem>>) src(%dma_wait3A_542 : memref<4000000x32xf32, #tpu.memory_space<hbm>>) dst(%dma_wait3A_536 : memref<128x32xf32, #tpu.memory_space<vmem>>)
    %dma_wait3A_543 = arith.constant 23 : i32
    %dma_wait3A_544 = arith.constant 384 : i32
    %dma_wait3A_545 = arith.constant 0 : i32
    %dma_wait3A_546 = tpu.memref_slice %arg6[%dma_wait3A_544, %dma_wait3A_545] : memref<1280x32xf32, #tpu.memory_space<vmem>> -> memref<128x32xf32, #tpu.memory_space<vmem>>
    %dma_wait3A_547 = arith.constant 0 : i32
    %dma_wait3A_548 = tpu.memref_slice %arg5[%dma_wait3A_543, %dma_wait3A_547] : memref<50x128xi32, #tpu.memory_space<vmem>> -> memref<1x128xi32, #tpu.memory_space<vmem>>
    %dma_wait3A_549 = tpu.memref_squeeze %dma_wait3A_548 : memref<1x128xi32, #tpu.memory_space<vmem>> -> memref<128xi32, #tpu.memory_space<vmem>>
    %dma_wait3A_550 = arith.constant 0 : i32
    %dma_wait3A_551 = arith.constant 0 : i32
    %dma_wait3A_552 = tpu.memref_slice %arg2[%dma_wait3A_550, %dma_wait3A_551] : memref<4000000x32xf32, #tpu.memory_space<hbm>> -> memref<4000000x32xf32, #tpu.memory_space<hbm>>
    tpu.wait_indirect_dma semaphore(%arg7 : memref<!tpu.dma_semaphore, #tpu.memory_space<semaphore_mem>>) src(%dma_wait3A_552 : memref<4000000x32xf32, #tpu.memory_space<hbm>>) dst(%dma_wait3A_546 : memref<128x32xf32, #tpu.memory_space<vmem>>)
    %dma_wait3A_553 = arith.constant 24 : i32
    %dma_wait3A_554 = arith.constant 512 : i32
    %dma_wait3A_555 = arith.constant 0 : i32
    %dma_wait3A_556 = tpu.memref_slice %arg6[%dma_wait3A_554, %dma_wait3A_555] : memref<1280x32xf32, #tpu.memory_space<vmem>> -> memref<128x32xf32, #tpu.memory_space<vmem>>
    %dma_wait3A_557 = arith.constant 0 : i32
    %dma_wait3A_558 = tpu.memref_slice %arg5[%dma_wait3A_553, %dma_wait3A_557] : memref<50x128xi32, #tpu.memory_space<vmem>> -> memref<1x128xi32, #tpu.memory_space<vmem>>
    %dma_wait3A_559 = tpu.memref_squeeze %dma_wait3A_558 : memref<1x128xi32, #tpu.memory_space<vmem>> -> memref<128xi32, #tpu.memory_space<vmem>>
    %dma_wait3A_560 = arith.constant 0 : i32
    %dma_wait3A_561 = arith.constant 0 : i32
    %dma_wait3A_562 = tpu.memref_slice %arg2[%dma_wait3A_560, %dma_wait3A_561] : memref<4000000x32xf32, #tpu.memory_space<hbm>> -> memref<4000000x32xf32, #tpu.memory_space<hbm>>
    tpu.wait_indirect_dma semaphore(%arg7 : memref<!tpu.dma_semaphore, #tpu.memory_space<semaphore_mem>>) src(%dma_wait3A_562 : memref<4000000x32xf32, #tpu.memory_space<hbm>>) dst(%dma_wait3A_556 : memref<128x32xf32, #tpu.memory_space<vmem>>)
    %dma_wait3A_563 = arith.constant 25 : i32
    %dma_wait3A_564 = arith.constant 640 : i32
    %dma_wait3A_565 = arith.constant 0 : i32
    %dma_wait3A_566 = tpu.memref_slice %arg6[%dma_wait3A_564, %dma_wait3A_565] : memref<1280x32xf32, #tpu.memory_space<vmem>> -> memref<128x32xf32, #tpu.memory_space<vmem>>
    %dma_wait3A_567 = arith.constant 0 : i32
    %dma_wait3A_568 = tpu.memref_slice %arg5[%dma_wait3A_563, %dma_wait3A_567] : memref<50x128xi32, #tpu.memory_space<vmem>> -> memref<1x128xi32, #tpu.memory_space<vmem>>
    %dma_wait3A_569 = tpu.memref_squeeze %dma_wait3A_568 : memref<1x128xi32, #tpu.memory_space<vmem>> -> memref<128xi32, #tpu.memory_space<vmem>>
    %dma_wait3A_570 = arith.constant 0 : i32
    %dma_wait3A_571 = arith.constant 0 : i32
    %dma_wait3A_572 = tpu.memref_slice %arg2[%dma_wait3A_570, %dma_wait3A_571] : memref<4000000x32xf32, #tpu.memory_space<hbm>> -> memref<4000000x32xf32, #tpu.memory_space<hbm>>
    tpu.wait_indirect_dma semaphore(%arg7 : memref<!tpu.dma_semaphore, #tpu.memory_space<semaphore_mem>>) src(%dma_wait3A_572 : memref<4000000x32xf32, #tpu.memory_space<hbm>>) dst(%dma_wait3A_566 : memref<128x32xf32, #tpu.memory_space<vmem>>)
    %dma_wait3A_573 = arith.constant 26 : i32
    %dma_wait3A_574 = arith.constant 768 : i32
    %dma_wait3A_575 = arith.constant 0 : i32
    %dma_wait3A_576 = tpu.memref_slice %arg6[%dma_wait3A_574, %dma_wait3A_575] : memref<1280x32xf32, #tpu.memory_space<vmem>> -> memref<128x32xf32, #tpu.memory_space<vmem>>
    %dma_wait3A_577 = arith.constant 0 : i32
    %dma_wait3A_578 = tpu.memref_slice %arg5[%dma_wait3A_573, %dma_wait3A_577] : memref<50x128xi32, #tpu.memory_space<vmem>> -> memref<1x128xi32, #tpu.memory_space<vmem>>
    %dma_wait3A_579 = tpu.memref_squeeze %dma_wait3A_578 : memref<1x128xi32, #tpu.memory_space<vmem>> -> memref<128xi32, #tpu.memory_space<vmem>>
    %dma_wait3A_580 = arith.constant 0 : i32
    %dma_wait3A_581 = arith.constant 0 : i32
    %dma_wait3A_582 = tpu.memref_slice %arg2[%dma_wait3A_580, %dma_wait3A_581] : memref<4000000x32xf32, #tpu.memory_space<hbm>> -> memref<4000000x32xf32, #tpu.memory_space<hbm>>
    tpu.wait_indirect_dma semaphore(%arg7 : memref<!tpu.dma_semaphore, #tpu.memory_space<semaphore_mem>>) src(%dma_wait3A_582 : memref<4000000x32xf32, #tpu.memory_space<hbm>>) dst(%dma_wait3A_576 : memref<128x32xf32, #tpu.memory_space<vmem>>)
    %dma_wait3A_583 = arith.constant 27 : i32
    %dma_wait3A_584 = arith.constant 896 : i32
    %dma_wait3A_585 = arith.constant 0 : i32
    %dma_wait3A_586 = tpu.memref_slice %arg6[%dma_wait3A_584, %dma_wait3A_585] : memref<1280x32xf32, #tpu.memory_space<vmem>> -> memref<128x32xf32, #tpu.memory_space<vmem>>
    %dma_wait3A_587 = arith.constant 0 : i32
    %dma_wait3A_588 = tpu.memref_slice %arg5[%dma_wait3A_583, %dma_wait3A_587] : memref<50x128xi32, #tpu.memory_space<vmem>> -> memref<1x128xi32, #tpu.memory_space<vmem>>
    %dma_wait3A_589 = tpu.memref_squeeze %dma_wait3A_588 : memref<1x128xi32, #tpu.memory_space<vmem>> -> memref<128xi32, #tpu.memory_space<vmem>>
    %dma_wait3A_590 = arith.constant 0 : i32
    %dma_wait3A_591 = arith.constant 0 : i32
    %dma_wait3A_592 = tpu.memref_slice %arg2[%dma_wait3A_590, %dma_wait3A_591] : memref<4000000x32xf32, #tpu.memory_space<hbm>> -> memref<4000000x32xf32, #tpu.memory_space<hbm>>
    tpu.wait_indirect_dma semaphore(%arg7 : memref<!tpu.dma_semaphore, #tpu.memory_space<semaphore_mem>>) src(%dma_wait3A_592 : memref<4000000x32xf32, #tpu.memory_space<hbm>>) dst(%dma_wait3A_586 : memref<128x32xf32, #tpu.memory_space<vmem>>)
    %dma_wait3A_593 = arith.constant 28 : i32
    %dma_wait3A_594 = arith.constant 1024 : i32
    %dma_wait3A_595 = arith.constant 0 : i32
    %dma_wait3A_596 = tpu.memref_slice %arg6[%dma_wait3A_594, %dma_wait3A_595] : memref<1280x32xf32, #tpu.memory_space<vmem>> -> memref<128x32xf32, #tpu.memory_space<vmem>>
    %dma_wait3A_597 = arith.constant 0 : i32
    %dma_wait3A_598 = tpu.memref_slice %arg5[%dma_wait3A_593, %dma_wait3A_597] : memref<50x128xi32, #tpu.memory_space<vmem>> -> memref<1x128xi32, #tpu.memory_space<vmem>>
    %dma_wait3A_599 = tpu.memref_squeeze %dma_wait3A_598 : memref<1x128xi32, #tpu.memory_space<vmem>> -> memref<128xi32, #tpu.memory_space<vmem>>
    %dma_wait3A_600 = arith.constant 0 : i32
    %dma_wait3A_601 = arith.constant 0 : i32
    %dma_wait3A_602 = tpu.memref_slice %arg2[%dma_wait3A_600, %dma_wait3A_601] : memref<4000000x32xf32, #tpu.memory_space<hbm>> -> memref<4000000x32xf32, #tpu.memory_space<hbm>>
    tpu.wait_indirect_dma semaphore(%arg7 : memref<!tpu.dma_semaphore, #tpu.memory_space<semaphore_mem>>) src(%dma_wait3A_602 : memref<4000000x32xf32, #tpu.memory_space<hbm>>) dst(%dma_wait3A_596 : memref<128x32xf32, #tpu.memory_space<vmem>>)
    %dma_wait3A_603 = arith.constant 29 : i32
    %dma_wait3A_604 = arith.constant 1152 : i32
    %dma_wait3A_605 = arith.constant 0 : i32
    %dma_wait3A_606 = tpu.memref_slice %arg6[%dma_wait3A_604, %dma_wait3A_605] : memref<1280x32xf32, #tpu.memory_space<vmem>> -> memref<128x32xf32, #tpu.memory_space<vmem>>
    %dma_wait3A_607 = arith.constant 0 : i32
    %dma_wait3A_608 = tpu.memref_slice %arg5[%dma_wait3A_603, %dma_wait3A_607] : memref<50x128xi32, #tpu.memory_space<vmem>> -> memref<1x128xi32, #tpu.memory_space<vmem>>
    %dma_wait3A_609 = tpu.memref_squeeze %dma_wait3A_608 : memref<1x128xi32, #tpu.memory_space<vmem>> -> memref<128xi32, #tpu.memory_space<vmem>>
    %dma_wait3A_610 = arith.constant 0 : i32
    %dma_wait3A_611 = arith.constant 0 : i32
    %dma_wait3A_612 = tpu.memref_slice %arg2[%dma_wait3A_610, %dma_wait3A_611] : memref<4000000x32xf32, #tpu.memory_space<hbm>> -> memref<4000000x32xf32, #tpu.memory_space<hbm>>
    tpu.wait_indirect_dma semaphore(%arg7 : memref<!tpu.dma_semaphore, #tpu.memory_space<semaphore_mem>>) src(%dma_wait3A_612 : memref<4000000x32xf32, #tpu.memory_space<hbm>>) dst(%dma_wait3A_606 : memref<128x32xf32, #tpu.memory_space<vmem>>)
    %mul3A_613 = arith.constant 50 : i32
    %mul3A_614 = arith.muli %add3A, %mul3A_613 : i32
    %mul3A_615 = arith.constant 128 : i32
    %mul3A_616 = arith.muli %mul3A_614, %mul3A_615 : i32
    %add3A_617 = arith.constant 2560 : i32
    %add3A_618 = arith.addi %mul3A_616, %add3A_617 : i32
    "tpu.region"() ({
      %run_scoped3A = tpu.sem_alloc : memref<!tpu.dma_semaphore, #tpu.memory_space<semaphore_mem>>
      %dma_start3A_1031 = arith.constant 0 : i32
      %dma_start3A_1032 = tpu.memref_slice %arg4[%add3A_618, %dma_start3A_1031] : memref<204800x128xf32, #tpu.memory_space<hbm>> -> memref<1280x32xf32, #tpu.memory_space<hbm>>
      %dma_start3A_1033 = arith.constant 0 : i32
      %dma_start3A_1034 = tpu.memref_slice %arg4[%add3A_618, %dma_start3A_1033] : memref<204800x128xf32, #tpu.memory_space<hbm>> -> memref<1280x32xf32, #tpu.memory_space<hbm>>
      tpu.enqueue_dma source(%arg6 : memref<1280x32xf32, #tpu.memory_space<vmem>>) target(%dma_start3A_1034 : memref<1280x32xf32, #tpu.memory_space<hbm>>) target_semaphore(%run_scoped3A : memref<!tpu.dma_semaphore, #tpu.memory_space<semaphore_mem>>)
      %dma_wait3A_1035 = arith.constant 0 : i32
      %dma_wait3A_1036 = tpu.memref_slice %arg4[%add3A_618, %dma_wait3A_1035] : memref<204800x128xf32, #tpu.memory_space<hbm>> -> memref<1280x32xf32, #tpu.memory_space<hbm>>
      %dma_wait3A_1037 = arith.constant 0 : i32
      %dma_wait3A_1038 = tpu.memref_slice %arg4[%add3A_618, %dma_wait3A_1037] : memref<204800x128xf32, #tpu.memory_space<hbm>> -> memref<1280x32xf32, #tpu.memory_space<hbm>>
      tpu.wait_dma2 semaphore(%run_scoped3A : memref<!tpu.dma_semaphore, #tpu.memory_space<semaphore_mem>>) src(%arg6 : memref<1280x32xf32, #tpu.memory_space<vmem>>) dst(%dma_wait3A_1038 : memref<1280x32xf32, #tpu.memory_space<hbm>>)
      tpu.yield
    }) : () -> ()
    %dma_start3A_619 = arith.constant 30 : i32
    %dma_start3A_620 = arith.constant 0 : i32
    %dma_start3A_621 = arith.constant 0 : i32
    %dma_start3A_622 = tpu.memref_slice %arg6[%dma_start3A_620, %dma_start3A_621] : memref<1280x32xf32, #tpu.memory_space<vmem>> -> memref<128x32xf32, #tpu.memory_space<vmem>>
    %dma_start3A_623 = arith.constant 0 : i32
    %dma_start3A_624 = tpu.memref_slice %arg5[%dma_start3A_619, %dma_start3A_623] : memref<50x128xi32, #tpu.memory_space<vmem>> -> memref<1x128xi32, #tpu.memory_space<vmem>>
    %dma_start3A_625 = tpu.memref_squeeze %dma_start3A_624 : memref<1x128xi32, #tpu.memory_space<vmem>> -> memref<128xi32, #tpu.memory_space<vmem>>
    %dma_start3A_626 = arith.constant 0 : i32
    %dma_start3A_627 = arith.constant 0 : i32
    %dma_start3A_628 = tpu.memref_slice %arg2[%dma_start3A_626, %dma_start3A_627] : memref<4000000x32xf32, #tpu.memory_space<hbm>> -> memref<4000000x32xf32, #tpu.memory_space<hbm>>
    tpu.enqueue_indirect_dma source(%dma_start3A_628 : memref<4000000x32xf32, #tpu.memory_space<hbm>>) target(%dma_start3A_622 : memref<128x32xf32, #tpu.memory_space<vmem>>) offsets(%dma_start3A_625 : memref<128xi32, #tpu.memory_space<vmem>>) semaphore(%arg7 : memref<!tpu.dma_semaphore, #tpu.memory_space<semaphore_mem>>)
    %dma_start3A_629 = arith.constant 31 : i32
    %dma_start3A_630 = arith.constant 128 : i32
    %dma_start3A_631 = arith.constant 0 : i32
    %dma_start3A_632 = tpu.memref_slice %arg6[%dma_start3A_630, %dma_start3A_631] : memref<1280x32xf32, #tpu.memory_space<vmem>> -> memref<128x32xf32, #tpu.memory_space<vmem>>
    %dma_start3A_633 = arith.constant 0 : i32
    %dma_start3A_634 = tpu.memref_slice %arg5[%dma_start3A_629, %dma_start3A_633] : memref<50x128xi32, #tpu.memory_space<vmem>> -> memref<1x128xi32, #tpu.memory_space<vmem>>
    %dma_start3A_635 = tpu.memref_squeeze %dma_start3A_634 : memref<1x128xi32, #tpu.memory_space<vmem>> -> memref<128xi32, #tpu.memory_space<vmem>>
    %dma_start3A_636 = arith.constant 0 : i32
    %dma_start3A_637 = arith.constant 0 : i32
    %dma_start3A_638 = tpu.memref_slice %arg2[%dma_start3A_636, %dma_start3A_637] : memref<4000000x32xf32, #tpu.memory_space<hbm>> -> memref<4000000x32xf32, #tpu.memory_space<hbm>>
    tpu.enqueue_indirect_dma source(%dma_start3A_638 : memref<4000000x32xf32, #tpu.memory_space<hbm>>) target(%dma_start3A_632 : memref<128x32xf32, #tpu.memory_space<vmem>>) offsets(%dma_start3A_635 : memref<128xi32, #tpu.memory_space<vmem>>) semaphore(%arg7 : memref<!tpu.dma_semaphore, #tpu.memory_space<semaphore_mem>>)
    %dma_start3A_639 = arith.constant 32 : i32
    %dma_start3A_640 = arith.constant 256 : i32
    %dma_start3A_641 = arith.constant 0 : i32
    %dma_start3A_642 = tpu.memref_slice %arg6[%dma_start3A_640, %dma_start3A_641] : memref<1280x32xf32, #tpu.memory_space<vmem>> -> memref<128x32xf32, #tpu.memory_space<vmem>>
    %dma_start3A_643 = arith.constant 0 : i32
    %dma_start3A_644 = tpu.memref_slice %arg5[%dma_start3A_639, %dma_start3A_643] : memref<50x128xi32, #tpu.memory_space<vmem>> -> memref<1x128xi32, #tpu.memory_space<vmem>>
    %dma_start3A_645 = tpu.memref_squeeze %dma_start3A_644 : memref<1x128xi32, #tpu.memory_space<vmem>> -> memref<128xi32, #tpu.memory_space<vmem>>
    %dma_start3A_646 = arith.constant 0 : i32
    %dma_start3A_647 = arith.constant 0 : i32
    %dma_start3A_648 = tpu.memref_slice %arg2[%dma_start3A_646, %dma_start3A_647] : memref<4000000x32xf32, #tpu.memory_space<hbm>> -> memref<4000000x32xf32, #tpu.memory_space<hbm>>
    tpu.enqueue_indirect_dma source(%dma_start3A_648 : memref<4000000x32xf32, #tpu.memory_space<hbm>>) target(%dma_start3A_642 : memref<128x32xf32, #tpu.memory_space<vmem>>) offsets(%dma_start3A_645 : memref<128xi32, #tpu.memory_space<vmem>>) semaphore(%arg7 : memref<!tpu.dma_semaphore, #tpu.memory_space<semaphore_mem>>)
    %dma_start3A_649 = arith.constant 33 : i32
    %dma_start3A_650 = arith.constant 384 : i32
    %dma_start3A_651 = arith.constant 0 : i32
    %dma_start3A_652 = tpu.memref_slice %arg6[%dma_start3A_650, %dma_start3A_651] : memref<1280x32xf32, #tpu.memory_space<vmem>> -> memref<128x32xf32, #tpu.memory_space<vmem>>
    %dma_start3A_653 = arith.constant 0 : i32
    %dma_start3A_654 = tpu.memref_slice %arg5[%dma_start3A_649, %dma_start3A_653] : memref<50x128xi32, #tpu.memory_space<vmem>> -> memref<1x128xi32, #tpu.memory_space<vmem>>
    %dma_start3A_655 = tpu.memref_squeeze %dma_start3A_654 : memref<1x128xi32, #tpu.memory_space<vmem>> -> memref<128xi32, #tpu.memory_space<vmem>>
    %dma_start3A_656 = arith.constant 0 : i32
    %dma_start3A_657 = arith.constant 0 : i32
    %dma_start3A_658 = tpu.memref_slice %arg2[%dma_start3A_656, %dma_start3A_657] : memref<4000000x32xf32, #tpu.memory_space<hbm>> -> memref<4000000x32xf32, #tpu.memory_space<hbm>>
    tpu.enqueue_indirect_dma source(%dma_start3A_658 : memref<4000000x32xf32, #tpu.memory_space<hbm>>) target(%dma_start3A_652 : memref<128x32xf32, #tpu.memory_space<vmem>>) offsets(%dma_start3A_655 : memref<128xi32, #tpu.memory_space<vmem>>) semaphore(%arg7 : memref<!tpu.dma_semaphore, #tpu.memory_space<semaphore_mem>>)
    %dma_start3A_659 = arith.constant 34 : i32
    %dma_start3A_660 = arith.constant 512 : i32
    %dma_start3A_661 = arith.constant 0 : i32
    %dma_start3A_662 = tpu.memref_slice %arg6[%dma_start3A_660, %dma_start3A_661] : memref<1280x32xf32, #tpu.memory_space<vmem>> -> memref<128x32xf32, #tpu.memory_space<vmem>>
    %dma_start3A_663 = arith.constant 0 : i32
    %dma_start3A_664 = tpu.memref_slice %arg5[%dma_start3A_659, %dma_start3A_663] : memref<50x128xi32, #tpu.memory_space<vmem>> -> memref<1x128xi32, #tpu.memory_space<vmem>>
    %dma_start3A_665 = tpu.memref_squeeze %dma_start3A_664 : memref<1x128xi32, #tpu.memory_space<vmem>> -> memref<128xi32, #tpu.memory_space<vmem>>
    %dma_start3A_666 = arith.constant 0 : i32
    %dma_start3A_667 = arith.constant 0 : i32
    %dma_start3A_668 = tpu.memref_slice %arg2[%dma_start3A_666, %dma_start3A_667] : memref<4000000x32xf32, #tpu.memory_space<hbm>> -> memref<4000000x32xf32, #tpu.memory_space<hbm>>
    tpu.enqueue_indirect_dma source(%dma_start3A_668 : memref<4000000x32xf32, #tpu.memory_space<hbm>>) target(%dma_start3A_662 : memref<128x32xf32, #tpu.memory_space<vmem>>) offsets(%dma_start3A_665 : memref<128xi32, #tpu.memory_space<vmem>>) semaphore(%arg7 : memref<!tpu.dma_semaphore, #tpu.memory_space<semaphore_mem>>)
    %dma_start3A_669 = arith.constant 35 : i32
    %dma_start3A_670 = arith.constant 640 : i32
    %dma_start3A_671 = arith.constant 0 : i32
    %dma_start3A_672 = tpu.memref_slice %arg6[%dma_start3A_670, %dma_start3A_671] : memref<1280x32xf32, #tpu.memory_space<vmem>> -> memref<128x32xf32, #tpu.memory_space<vmem>>
    %dma_start3A_673 = arith.constant 0 : i32
    %dma_start3A_674 = tpu.memref_slice %arg5[%dma_start3A_669, %dma_start3A_673] : memref<50x128xi32, #tpu.memory_space<vmem>> -> memref<1x128xi32, #tpu.memory_space<vmem>>
    %dma_start3A_675 = tpu.memref_squeeze %dma_start3A_674 : memref<1x128xi32, #tpu.memory_space<vmem>> -> memref<128xi32, #tpu.memory_space<vmem>>
    %dma_start3A_676 = arith.constant 0 : i32
    %dma_start3A_677 = arith.constant 0 : i32
    %dma_start3A_678 = tpu.memref_slice %arg2[%dma_start3A_676, %dma_start3A_677] : memref<4000000x32xf32, #tpu.memory_space<hbm>> -> memref<4000000x32xf32, #tpu.memory_space<hbm>>
    tpu.enqueue_indirect_dma source(%dma_start3A_678 : memref<4000000x32xf32, #tpu.memory_space<hbm>>) target(%dma_start3A_672 : memref<128x32xf32, #tpu.memory_space<vmem>>) offsets(%dma_start3A_675 : memref<128xi32, #tpu.memory_space<vmem>>) semaphore(%arg7 : memref<!tpu.dma_semaphore, #tpu.memory_space<semaphore_mem>>)
    %dma_start3A_679 = arith.constant 36 : i32
    %dma_start3A_680 = arith.constant 768 : i32
    %dma_start3A_681 = arith.constant 0 : i32
    %dma_start3A_682 = tpu.memref_slice %arg6[%dma_start3A_680, %dma_start3A_681] : memref<1280x32xf32, #tpu.memory_space<vmem>> -> memref<128x32xf32, #tpu.memory_space<vmem>>
    %dma_start3A_683 = arith.constant 0 : i32
    %dma_start3A_684 = tpu.memref_slice %arg5[%dma_start3A_679, %dma_start3A_683] : memref<50x128xi32, #tpu.memory_space<vmem>> -> memref<1x128xi32, #tpu.memory_space<vmem>>
    %dma_start3A_685 = tpu.memref_squeeze %dma_start3A_684 : memref<1x128xi32, #tpu.memory_space<vmem>> -> memref<128xi32, #tpu.memory_space<vmem>>
    %dma_start3A_686 = arith.constant 0 : i32
    %dma_start3A_687 = arith.constant 0 : i32
    %dma_start3A_688 = tpu.memref_slice %arg2[%dma_start3A_686, %dma_start3A_687] : memref<4000000x32xf32, #tpu.memory_space<hbm>> -> memref<4000000x32xf32, #tpu.memory_space<hbm>>
    tpu.enqueue_indirect_dma source(%dma_start3A_688 : memref<4000000x32xf32, #tpu.memory_space<hbm>>) target(%dma_start3A_682 : memref<128x32xf32, #tpu.memory_space<vmem>>) offsets(%dma_start3A_685 : memref<128xi32, #tpu.memory_space<vmem>>) semaphore(%arg7 : memref<!tpu.dma_semaphore, #tpu.memory_space<semaphore_mem>>)
    %dma_start3A_689 = arith.constant 37 : i32
    %dma_start3A_690 = arith.constant 896 : i32
    %dma_start3A_691 = arith.constant 0 : i32
    %dma_start3A_692 = tpu.memref_slice %arg6[%dma_start3A_690, %dma_start3A_691] : memref<1280x32xf32, #tpu.memory_space<vmem>> -> memref<128x32xf32, #tpu.memory_space<vmem>>
    %dma_start3A_693 = arith.constant 0 : i32
    %dma_start3A_694 = tpu.memref_slice %arg5[%dma_start3A_689, %dma_start3A_693] : memref<50x128xi32, #tpu.memory_space<vmem>> -> memref<1x128xi32, #tpu.memory_space<vmem>>
    %dma_start3A_695 = tpu.memref_squeeze %dma_start3A_694 : memref<1x128xi32, #tpu.memory_space<vmem>> -> memref<128xi32, #tpu.memory_space<vmem>>
    %dma_start3A_696 = arith.constant 0 : i32
    %dma_start3A_697 = arith.constant 0 : i32
    %dma_start3A_698 = tpu.memref_slice %arg2[%dma_start3A_696, %dma_start3A_697] : memref<4000000x32xf32, #tpu.memory_space<hbm>> -> memref<4000000x32xf32, #tpu.memory_space<hbm>>
    tpu.enqueue_indirect_dma source(%dma_start3A_698 : memref<4000000x32xf32, #tpu.memory_space<hbm>>) target(%dma_start3A_692 : memref<128x32xf32, #tpu.memory_space<vmem>>) offsets(%dma_start3A_695 : memref<128xi32, #tpu.memory_space<vmem>>) semaphore(%arg7 : memref<!tpu.dma_semaphore, #tpu.memory_space<semaphore_mem>>)
    %dma_start3A_699 = arith.constant 38 : i32
    %dma_start3A_700 = arith.constant 1024 : i32
    %dma_start3A_701 = arith.constant 0 : i32
    %dma_start3A_702 = tpu.memref_slice %arg6[%dma_start3A_700, %dma_start3A_701] : memref<1280x32xf32, #tpu.memory_space<vmem>> -> memref<128x32xf32, #tpu.memory_space<vmem>>
    %dma_start3A_703 = arith.constant 0 : i32
    %dma_start3A_704 = tpu.memref_slice %arg5[%dma_start3A_699, %dma_start3A_703] : memref<50x128xi32, #tpu.memory_space<vmem>> -> memref<1x128xi32, #tpu.memory_space<vmem>>
    %dma_start3A_705 = tpu.memref_squeeze %dma_start3A_704 : memref<1x128xi32, #tpu.memory_space<vmem>> -> memref<128xi32, #tpu.memory_space<vmem>>
    %dma_start3A_706 = arith.constant 0 : i32
    %dma_start3A_707 = arith.constant 0 : i32
    %dma_start3A_708 = tpu.memref_slice %arg2[%dma_start3A_706, %dma_start3A_707] : memref<4000000x32xf32, #tpu.memory_space<hbm>> -> memref<4000000x32xf32, #tpu.memory_space<hbm>>
    tpu.enqueue_indirect_dma source(%dma_start3A_708 : memref<4000000x32xf32, #tpu.memory_space<hbm>>) target(%dma_start3A_702 : memref<128x32xf32, #tpu.memory_space<vmem>>) offsets(%dma_start3A_705 : memref<128xi32, #tpu.memory_space<vmem>>) semaphore(%arg7 : memref<!tpu.dma_semaphore, #tpu.memory_space<semaphore_mem>>)
    %dma_start3A_709 = arith.constant 39 : i32
    %dma_start3A_710 = arith.constant 1152 : i32
    %dma_start3A_711 = arith.constant 0 : i32
    %dma_start3A_712 = tpu.memref_slice %arg6[%dma_start3A_710, %dma_start3A_711] : memref<1280x32xf32, #tpu.memory_space<vmem>> -> memref<128x32xf32, #tpu.memory_space<vmem>>
    %dma_start3A_713 = arith.constant 0 : i32
    %dma_start3A_714 = tpu.memref_slice %arg5[%dma_start3A_709, %dma_start3A_713] : memref<50x128xi32, #tpu.memory_space<vmem>> -> memref<1x128xi32, #tpu.memory_space<vmem>>
    %dma_start3A_715 = tpu.memref_squeeze %dma_start3A_714 : memref<1x128xi32, #tpu.memory_space<vmem>> -> memref<128xi32, #tpu.memory_space<vmem>>
    %dma_start3A_716 = arith.constant 0 : i32
    %dma_start3A_717 = arith.constant 0 : i32
    %dma_start3A_718 = tpu.memref_slice %arg2[%dma_start3A_716, %dma_start3A_717] : memref<4000000x32xf32, #tpu.memory_space<hbm>> -> memref<4000000x32xf32, #tpu.memory_space<hbm>>
    tpu.enqueue_indirect_dma source(%dma_start3A_718 : memref<4000000x32xf32, #tpu.memory_space<hbm>>) target(%dma_start3A_712 : memref<128x32xf32, #tpu.memory_space<vmem>>) offsets(%dma_start3A_715 : memref<128xi32, #tpu.memory_space<vmem>>) semaphore(%arg7 : memref<!tpu.dma_semaphore, #tpu.memory_space<semaphore_mem>>)
    %dma_wait3A_719 = arith.constant 30 : i32
    %dma_wait3A_720 = arith.constant 0 : i32
    %dma_wait3A_721 = arith.constant 0 : i32
    %dma_wait3A_722 = tpu.memref_slice %arg6[%dma_wait3A_720, %dma_wait3A_721] : memref<1280x32xf32, #tpu.memory_space<vmem>> -> memref<128x32xf32, #tpu.memory_space<vmem>>
    %dma_wait3A_723 = arith.constant 0 : i32
    %dma_wait3A_724 = tpu.memref_slice %arg5[%dma_wait3A_719, %dma_wait3A_723] : memref<50x128xi32, #tpu.memory_space<vmem>> -> memref<1x128xi32, #tpu.memory_space<vmem>>
    %dma_wait3A_725 = tpu.memref_squeeze %dma_wait3A_724 : memref<1x128xi32, #tpu.memory_space<vmem>> -> memref<128xi32, #tpu.memory_space<vmem>>
    %dma_wait3A_726 = arith.constant 0 : i32
    %dma_wait3A_727 = arith.constant 0 : i32
    %dma_wait3A_728 = tpu.memref_slice %arg2[%dma_wait3A_726, %dma_wait3A_727] : memref<4000000x32xf32, #tpu.memory_space<hbm>> -> memref<4000000x32xf32, #tpu.memory_space<hbm>>
    tpu.wait_indirect_dma semaphore(%arg7 : memref<!tpu.dma_semaphore, #tpu.memory_space<semaphore_mem>>) src(%dma_wait3A_728 : memref<4000000x32xf32, #tpu.memory_space<hbm>>) dst(%dma_wait3A_722 : memref<128x32xf32, #tpu.memory_space<vmem>>)
    %dma_wait3A_729 = arith.constant 31 : i32
    %dma_wait3A_730 = arith.constant 128 : i32
    %dma_wait3A_731 = arith.constant 0 : i32
    %dma_wait3A_732 = tpu.memref_slice %arg6[%dma_wait3A_730, %dma_wait3A_731] : memref<1280x32xf32, #tpu.memory_space<vmem>> -> memref<128x32xf32, #tpu.memory_space<vmem>>
    %dma_wait3A_733 = arith.constant 0 : i32
    %dma_wait3A_734 = tpu.memref_slice %arg5[%dma_wait3A_729, %dma_wait3A_733] : memref<50x128xi32, #tpu.memory_space<vmem>> -> memref<1x128xi32, #tpu.memory_space<vmem>>
    %dma_wait3A_735 = tpu.memref_squeeze %dma_wait3A_734 : memref<1x128xi32, #tpu.memory_space<vmem>> -> memref<128xi32, #tpu.memory_space<vmem>>
    %dma_wait3A_736 = arith.constant 0 : i32
    %dma_wait3A_737 = arith.constant 0 : i32
    %dma_wait3A_738 = tpu.memref_slice %arg2[%dma_wait3A_736, %dma_wait3A_737] : memref<4000000x32xf32, #tpu.memory_space<hbm>> -> memref<4000000x32xf32, #tpu.memory_space<hbm>>
    tpu.wait_indirect_dma semaphore(%arg7 : memref<!tpu.dma_semaphore, #tpu.memory_space<semaphore_mem>>) src(%dma_wait3A_738 : memref<4000000x32xf32, #tpu.memory_space<hbm>>) dst(%dma_wait3A_732 : memref<128x32xf32, #tpu.memory_space<vmem>>)
    %dma_wait3A_739 = arith.constant 32 : i32
    %dma_wait3A_740 = arith.constant 256 : i32
    %dma_wait3A_741 = arith.constant 0 : i32
    %dma_wait3A_742 = tpu.memref_slice %arg6[%dma_wait3A_740, %dma_wait3A_741] : memref<1280x32xf32, #tpu.memory_space<vmem>> -> memref<128x32xf32, #tpu.memory_space<vmem>>
    %dma_wait3A_743 = arith.constant 0 : i32
    %dma_wait3A_744 = tpu.memref_slice %arg5[%dma_wait3A_739, %dma_wait3A_743] : memref<50x128xi32, #tpu.memory_space<vmem>> -> memref<1x128xi32, #tpu.memory_space<vmem>>
    %dma_wait3A_745 = tpu.memref_squeeze %dma_wait3A_744 : memref<1x128xi32, #tpu.memory_space<vmem>> -> memref<128xi32, #tpu.memory_space<vmem>>
    %dma_wait3A_746 = arith.constant 0 : i32
    %dma_wait3A_747 = arith.constant 0 : i32
    %dma_wait3A_748 = tpu.memref_slice %arg2[%dma_wait3A_746, %dma_wait3A_747] : memref<4000000x32xf32, #tpu.memory_space<hbm>> -> memref<4000000x32xf32, #tpu.memory_space<hbm>>
    tpu.wait_indirect_dma semaphore(%arg7 : memref<!tpu.dma_semaphore, #tpu.memory_space<semaphore_mem>>) src(%dma_wait3A_748 : memref<4000000x32xf32, #tpu.memory_space<hbm>>) dst(%dma_wait3A_742 : memref<128x32xf32, #tpu.memory_space<vmem>>)
    %dma_wait3A_749 = arith.constant 33 : i32
    %dma_wait3A_750 = arith.constant 384 : i32
    %dma_wait3A_751 = arith.constant 0 : i32
    %dma_wait3A_752 = tpu.memref_slice %arg6[%dma_wait3A_750, %dma_wait3A_751] : memref<1280x32xf32, #tpu.memory_space<vmem>> -> memref<128x32xf32, #tpu.memory_space<vmem>>
    %dma_wait3A_753 = arith.constant 0 : i32
    %dma_wait3A_754 = tpu.memref_slice %arg5[%dma_wait3A_749, %dma_wait3A_753] : memref<50x128xi32, #tpu.memory_space<vmem>> -> memref<1x128xi32, #tpu.memory_space<vmem>>
    %dma_wait3A_755 = tpu.memref_squeeze %dma_wait3A_754 : memref<1x128xi32, #tpu.memory_space<vmem>> -> memref<128xi32, #tpu.memory_space<vmem>>
    %dma_wait3A_756 = arith.constant 0 : i32
    %dma_wait3A_757 = arith.constant 0 : i32
    %dma_wait3A_758 = tpu.memref_slice %arg2[%dma_wait3A_756, %dma_wait3A_757] : memref<4000000x32xf32, #tpu.memory_space<hbm>> -> memref<4000000x32xf32, #tpu.memory_space<hbm>>
    tpu.wait_indirect_dma semaphore(%arg7 : memref<!tpu.dma_semaphore, #tpu.memory_space<semaphore_mem>>) src(%dma_wait3A_758 : memref<4000000x32xf32, #tpu.memory_space<hbm>>) dst(%dma_wait3A_752 : memref<128x32xf32, #tpu.memory_space<vmem>>)
    %dma_wait3A_759 = arith.constant 34 : i32
    %dma_wait3A_760 = arith.constant 512 : i32
    %dma_wait3A_761 = arith.constant 0 : i32
    %dma_wait3A_762 = tpu.memref_slice %arg6[%dma_wait3A_760, %dma_wait3A_761] : memref<1280x32xf32, #tpu.memory_space<vmem>> -> memref<128x32xf32, #tpu.memory_space<vmem>>
    %dma_wait3A_763 = arith.constant 0 : i32
    %dma_wait3A_764 = tpu.memref_slice %arg5[%dma_wait3A_759, %dma_wait3A_763] : memref<50x128xi32, #tpu.memory_space<vmem>> -> memref<1x128xi32, #tpu.memory_space<vmem>>
    %dma_wait3A_765 = tpu.memref_squeeze %dma_wait3A_764 : memref<1x128xi32, #tpu.memory_space<vmem>> -> memref<128xi32, #tpu.memory_space<vmem>>
    %dma_wait3A_766 = arith.constant 0 : i32
    %dma_wait3A_767 = arith.constant 0 : i32
    %dma_wait3A_768 = tpu.memref_slice %arg2[%dma_wait3A_766, %dma_wait3A_767] : memref<4000000x32xf32, #tpu.memory_space<hbm>> -> memref<4000000x32xf32, #tpu.memory_space<hbm>>
    tpu.wait_indirect_dma semaphore(%arg7 : memref<!tpu.dma_semaphore, #tpu.memory_space<semaphore_mem>>) src(%dma_wait3A_768 : memref<4000000x32xf32, #tpu.memory_space<hbm>>) dst(%dma_wait3A_762 : memref<128x32xf32, #tpu.memory_space<vmem>>)
    %dma_wait3A_769 = arith.constant 35 : i32
    %dma_wait3A_770 = arith.constant 640 : i32
    %dma_wait3A_771 = arith.constant 0 : i32
    %dma_wait3A_772 = tpu.memref_slice %arg6[%dma_wait3A_770, %dma_wait3A_771] : memref<1280x32xf32, #tpu.memory_space<vmem>> -> memref<128x32xf32, #tpu.memory_space<vmem>>
    %dma_wait3A_773 = arith.constant 0 : i32
    %dma_wait3A_774 = tpu.memref_slice %arg5[%dma_wait3A_769, %dma_wait3A_773] : memref<50x128xi32, #tpu.memory_space<vmem>> -> memref<1x128xi32, #tpu.memory_space<vmem>>
    %dma_wait3A_775 = tpu.memref_squeeze %dma_wait3A_774 : memref<1x128xi32, #tpu.memory_space<vmem>> -> memref<128xi32, #tpu.memory_space<vmem>>
    %dma_wait3A_776 = arith.constant 0 : i32
    %dma_wait3A_777 = arith.constant 0 : i32
    %dma_wait3A_778 = tpu.memref_slice %arg2[%dma_wait3A_776, %dma_wait3A_777] : memref<4000000x32xf32, #tpu.memory_space<hbm>> -> memref<4000000x32xf32, #tpu.memory_space<hbm>>
    tpu.wait_indirect_dma semaphore(%arg7 : memref<!tpu.dma_semaphore, #tpu.memory_space<semaphore_mem>>) src(%dma_wait3A_778 : memref<4000000x32xf32, #tpu.memory_space<hbm>>) dst(%dma_wait3A_772 : memref<128x32xf32, #tpu.memory_space<vmem>>)
    %dma_wait3A_779 = arith.constant 36 : i32
    %dma_wait3A_780 = arith.constant 768 : i32
    %dma_wait3A_781 = arith.constant 0 : i32
    %dma_wait3A_782 = tpu.memref_slice %arg6[%dma_wait3A_780, %dma_wait3A_781] : memref<1280x32xf32, #tpu.memory_space<vmem>> -> memref<128x32xf32, #tpu.memory_space<vmem>>
    %dma_wait3A_783 = arith.constant 0 : i32
    %dma_wait3A_784 = tpu.memref_slice %arg5[%dma_wait3A_779, %dma_wait3A_783] : memref<50x128xi32, #tpu.memory_space<vmem>> -> memref<1x128xi32, #tpu.memory_space<vmem>>
    %dma_wait3A_785 = tpu.memref_squeeze %dma_wait3A_784 : memref<1x128xi32, #tpu.memory_space<vmem>> -> memref<128xi32, #tpu.memory_space<vmem>>
    %dma_wait3A_786 = arith.constant 0 : i32
    %dma_wait3A_787 = arith.constant 0 : i32
    %dma_wait3A_788 = tpu.memref_slice %arg2[%dma_wait3A_786, %dma_wait3A_787] : memref<4000000x32xf32, #tpu.memory_space<hbm>> -> memref<4000000x32xf32, #tpu.memory_space<hbm>>
    tpu.wait_indirect_dma semaphore(%arg7 : memref<!tpu.dma_semaphore, #tpu.memory_space<semaphore_mem>>) src(%dma_wait3A_788 : memref<4000000x32xf32, #tpu.memory_space<hbm>>) dst(%dma_wait3A_782 : memref<128x32xf32, #tpu.memory_space<vmem>>)
    %dma_wait3A_789 = arith.constant 37 : i32
    %dma_wait3A_790 = arith.constant 896 : i32
    %dma_wait3A_791 = arith.constant 0 : i32
    %dma_wait3A_792 = tpu.memref_slice %arg6[%dma_wait3A_790, %dma_wait3A_791] : memref<1280x32xf32, #tpu.memory_space<vmem>> -> memref<128x32xf32, #tpu.memory_space<vmem>>
    %dma_wait3A_793 = arith.constant 0 : i32
    %dma_wait3A_794 = tpu.memref_slice %arg5[%dma_wait3A_789, %dma_wait3A_793] : memref<50x128xi32, #tpu.memory_space<vmem>> -> memref<1x128xi32, #tpu.memory_space<vmem>>
    %dma_wait3A_795 = tpu.memref_squeeze %dma_wait3A_794 : memref<1x128xi32, #tpu.memory_space<vmem>> -> memref<128xi32, #tpu.memory_space<vmem>>
    %dma_wait3A_796 = arith.constant 0 : i32
    %dma_wait3A_797 = arith.constant 0 : i32
    %dma_wait3A_798 = tpu.memref_slice %arg2[%dma_wait3A_796, %dma_wait3A_797] : memref<4000000x32xf32, #tpu.memory_space<hbm>> -> memref<4000000x32xf32, #tpu.memory_space<hbm>>
    tpu.wait_indirect_dma semaphore(%arg7 : memref<!tpu.dma_semaphore, #tpu.memory_space<semaphore_mem>>) src(%dma_wait3A_798 : memref<4000000x32xf32, #tpu.memory_space<hbm>>) dst(%dma_wait3A_792 : memref<128x32xf32, #tpu.memory_space<vmem>>)
    %dma_wait3A_799 = arith.constant 38 : i32
    %dma_wait3A_800 = arith.constant 1024 : i32
    %dma_wait3A_801 = arith.constant 0 : i32
    %dma_wait3A_802 = tpu.memref_slice %arg6[%dma_wait3A_800, %dma_wait3A_801] : memref<1280x32xf32, #tpu.memory_space<vmem>> -> memref<128x32xf32, #tpu.memory_space<vmem>>
    %dma_wait3A_803 = arith.constant 0 : i32
    %dma_wait3A_804 = tpu.memref_slice %arg5[%dma_wait3A_799, %dma_wait3A_803] : memref<50x128xi32, #tpu.memory_space<vmem>> -> memref<1x128xi32, #tpu.memory_space<vmem>>
    %dma_wait3A_805 = tpu.memref_squeeze %dma_wait3A_804 : memref<1x128xi32, #tpu.memory_space<vmem>> -> memref<128xi32, #tpu.memory_space<vmem>>
    %dma_wait3A_806 = arith.constant 0 : i32
    %dma_wait3A_807 = arith.constant 0 : i32
    %dma_wait3A_808 = tpu.memref_slice %arg2[%dma_wait3A_806, %dma_wait3A_807] : memref<4000000x32xf32, #tpu.memory_space<hbm>> -> memref<4000000x32xf32, #tpu.memory_space<hbm>>
    tpu.wait_indirect_dma semaphore(%arg7 : memref<!tpu.dma_semaphore, #tpu.memory_space<semaphore_mem>>) src(%dma_wait3A_808 : memref<4000000x32xf32, #tpu.memory_space<hbm>>) dst(%dma_wait3A_802 : memref<128x32xf32, #tpu.memory_space<vmem>>)
    %dma_wait3A_809 = arith.constant 39 : i32
    %dma_wait3A_810 = arith.constant 1152 : i32
    %dma_wait3A_811 = arith.constant 0 : i32
    %dma_wait3A_812 = tpu.memref_slice %arg6[%dma_wait3A_810, %dma_wait3A_811] : memref<1280x32xf32, #tpu.memory_space<vmem>> -> memref<128x32xf32, #tpu.memory_space<vmem>>
    %dma_wait3A_813 = arith.constant 0 : i32
    %dma_wait3A_814 = tpu.memref_slice %arg5[%dma_wait3A_809, %dma_wait3A_813] : memref<50x128xi32, #tpu.memory_space<vmem>> -> memref<1x128xi32, #tpu.memory_space<vmem>>
    %dma_wait3A_815 = tpu.memref_squeeze %dma_wait3A_814 : memref<1x128xi32, #tpu.memory_space<vmem>> -> memref<128xi32, #tpu.memory_space<vmem>>
    %dma_wait3A_816 = arith.constant 0 : i32
    %dma_wait3A_817 = arith.constant 0 : i32
    %dma_wait3A_818 = tpu.memref_slice %arg2[%dma_wait3A_816, %dma_wait3A_817] : memref<4000000x32xf32, #tpu.memory_space<hbm>> -> memref<4000000x32xf32, #tpu.memory_space<hbm>>
    tpu.wait_indirect_dma semaphore(%arg7 : memref<!tpu.dma_semaphore, #tpu.memory_space<semaphore_mem>>) src(%dma_wait3A_818 : memref<4000000x32xf32, #tpu.memory_space<hbm>>) dst(%dma_wait3A_812 : memref<128x32xf32, #tpu.memory_space<vmem>>)
    %mul3A_819 = arith.constant 50 : i32
    %mul3A_820 = arith.muli %add3A, %mul3A_819 : i32
    %mul3A_821 = arith.constant 128 : i32
    %mul3A_822 = arith.muli %mul3A_820, %mul3A_821 : i32
    %add3A_823 = arith.constant 3840 : i32
    %add3A_824 = arith.addi %mul3A_822, %add3A_823 : i32
    "tpu.region"() ({
      %run_scoped3A = tpu.sem_alloc : memref<!tpu.dma_semaphore, #tpu.memory_space<semaphore_mem>>
      %dma_start3A_1031 = arith.constant 0 : i32
      %dma_start3A_1032 = tpu.memref_slice %arg4[%add3A_824, %dma_start3A_1031] : memref<204800x128xf32, #tpu.memory_space<hbm>> -> memref<1280x32xf32, #tpu.memory_space<hbm>>
      %dma_start3A_1033 = arith.constant 0 : i32
      %dma_start3A_1034 = tpu.memref_slice %arg4[%add3A_824, %dma_start3A_1033] : memref<204800x128xf32, #tpu.memory_space<hbm>> -> memref<1280x32xf32, #tpu.memory_space<hbm>>
      tpu.enqueue_dma source(%arg6 : memref<1280x32xf32, #tpu.memory_space<vmem>>) target(%dma_start3A_1034 : memref<1280x32xf32, #tpu.memory_space<hbm>>) target_semaphore(%run_scoped3A : memref<!tpu.dma_semaphore, #tpu.memory_space<semaphore_mem>>)
      %dma_wait3A_1035 = arith.constant 0 : i32
      %dma_wait3A_1036 = tpu.memref_slice %arg4[%add3A_824, %dma_wait3A_1035] : memref<204800x128xf32, #tpu.memory_space<hbm>> -> memref<1280x32xf32, #tpu.memory_space<hbm>>
      %dma_wait3A_1037 = arith.constant 0 : i32
      %dma_wait3A_1038 = tpu.memref_slice %arg4[%add3A_824, %dma_wait3A_1037] : memref<204800x128xf32, #tpu.memory_space<hbm>> -> memref<1280x32xf32, #tpu.memory_space<hbm>>
      tpu.wait_dma2 semaphore(%run_scoped3A : memref<!tpu.dma_semaphore, #tpu.memory_space<semaphore_mem>>) src(%arg6 : memref<1280x32xf32, #tpu.memory_space<vmem>>) dst(%dma_wait3A_1038 : memref<1280x32xf32, #tpu.memory_space<hbm>>)
      tpu.yield
    }) : () -> ()
    %dma_start3A_825 = arith.constant 40 : i32
    %dma_start3A_826 = arith.constant 0 : i32
    %dma_start3A_827 = arith.constant 0 : i32
    %dma_start3A_828 = tpu.memref_slice %arg6[%dma_start3A_826, %dma_start3A_827] : memref<1280x32xf32, #tpu.memory_space<vmem>> -> memref<128x32xf32, #tpu.memory_space<vmem>>
    %dma_start3A_829 = arith.constant 0 : i32
    %dma_start3A_830 = tpu.memref_slice %arg5[%dma_start3A_825, %dma_start3A_829] : memref<50x128xi32, #tpu.memory_space<vmem>> -> memref<1x128xi32, #tpu.memory_space<vmem>>
    %dma_start3A_831 = tpu.memref_squeeze %dma_start3A_830 : memref<1x128xi32, #tpu.memory_space<vmem>> -> memref<128xi32, #tpu.memory_space<vmem>>
    %dma_start3A_832 = arith.constant 0 : i32
    %dma_start3A_833 = arith.constant 0 : i32
    %dma_start3A_834 = tpu.memref_slice %arg2[%dma_start3A_832, %dma_start3A_833] : memref<4000000x32xf32, #tpu.memory_space<hbm>> -> memref<4000000x32xf32, #tpu.memory_space<hbm>>
    tpu.enqueue_indirect_dma source(%dma_start3A_834 : memref<4000000x32xf32, #tpu.memory_space<hbm>>) target(%dma_start3A_828 : memref<128x32xf32, #tpu.memory_space<vmem>>) offsets(%dma_start3A_831 : memref<128xi32, #tpu.memory_space<vmem>>) semaphore(%arg7 : memref<!tpu.dma_semaphore, #tpu.memory_space<semaphore_mem>>)
    %dma_start3A_835 = arith.constant 41 : i32
    %dma_start3A_836 = arith.constant 128 : i32
    %dma_start3A_837 = arith.constant 0 : i32
    %dma_start3A_838 = tpu.memref_slice %arg6[%dma_start3A_836, %dma_start3A_837] : memref<1280x32xf32, #tpu.memory_space<vmem>> -> memref<128x32xf32, #tpu.memory_space<vmem>>
    %dma_start3A_839 = arith.constant 0 : i32
    %dma_start3A_840 = tpu.memref_slice %arg5[%dma_start3A_835, %dma_start3A_839] : memref<50x128xi32, #tpu.memory_space<vmem>> -> memref<1x128xi32, #tpu.memory_space<vmem>>
    %dma_start3A_841 = tpu.memref_squeeze %dma_start3A_840 : memref<1x128xi32, #tpu.memory_space<vmem>> -> memref<128xi32, #tpu.memory_space<vmem>>
    %dma_start3A_842 = arith.constant 0 : i32
    %dma_start3A_843 = arith.constant 0 : i32
    %dma_start3A_844 = tpu.memref_slice %arg2[%dma_start3A_842, %dma_start3A_843] : memref<4000000x32xf32, #tpu.memory_space<hbm>> -> memref<4000000x32xf32, #tpu.memory_space<hbm>>
    tpu.enqueue_indirect_dma source(%dma_start3A_844 : memref<4000000x32xf32, #tpu.memory_space<hbm>>) target(%dma_start3A_838 : memref<128x32xf32, #tpu.memory_space<vmem>>) offsets(%dma_start3A_841 : memref<128xi32, #tpu.memory_space<vmem>>) semaphore(%arg7 : memref<!tpu.dma_semaphore, #tpu.memory_space<semaphore_mem>>)
    %dma_start3A_845 = arith.constant 42 : i32
    %dma_start3A_846 = arith.constant 256 : i32
    %dma_start3A_847 = arith.constant 0 : i32
    %dma_start3A_848 = tpu.memref_slice %arg6[%dma_start3A_846, %dma_start3A_847] : memref<1280x32xf32, #tpu.memory_space<vmem>> -> memref<128x32xf32, #tpu.memory_space<vmem>>
    %dma_start3A_849 = arith.constant 0 : i32
    %dma_start3A_850 = tpu.memref_slice %arg5[%dma_start3A_845, %dma_start3A_849] : memref<50x128xi32, #tpu.memory_space<vmem>> -> memref<1x128xi32, #tpu.memory_space<vmem>>
    %dma_start3A_851 = tpu.memref_squeeze %dma_start3A_850 : memref<1x128xi32, #tpu.memory_space<vmem>> -> memref<128xi32, #tpu.memory_space<vmem>>
    %dma_start3A_852 = arith.constant 0 : i32
    %dma_start3A_853 = arith.constant 0 : i32
    %dma_start3A_854 = tpu.memref_slice %arg2[%dma_start3A_852, %dma_start3A_853] : memref<4000000x32xf32, #tpu.memory_space<hbm>> -> memref<4000000x32xf32, #tpu.memory_space<hbm>>
    tpu.enqueue_indirect_dma source(%dma_start3A_854 : memref<4000000x32xf32, #tpu.memory_space<hbm>>) target(%dma_start3A_848 : memref<128x32xf32, #tpu.memory_space<vmem>>) offsets(%dma_start3A_851 : memref<128xi32, #tpu.memory_space<vmem>>) semaphore(%arg7 : memref<!tpu.dma_semaphore, #tpu.memory_space<semaphore_mem>>)
    %dma_start3A_855 = arith.constant 43 : i32
    %dma_start3A_856 = arith.constant 384 : i32
    %dma_start3A_857 = arith.constant 0 : i32
    %dma_start3A_858 = tpu.memref_slice %arg6[%dma_start3A_856, %dma_start3A_857] : memref<1280x32xf32, #tpu.memory_space<vmem>> -> memref<128x32xf32, #tpu.memory_space<vmem>>
    %dma_start3A_859 = arith.constant 0 : i32
    %dma_start3A_860 = tpu.memref_slice %arg5[%dma_start3A_855, %dma_start3A_859] : memref<50x128xi32, #tpu.memory_space<vmem>> -> memref<1x128xi32, #tpu.memory_space<vmem>>
    %dma_start3A_861 = tpu.memref_squeeze %dma_start3A_860 : memref<1x128xi32, #tpu.memory_space<vmem>> -> memref<128xi32, #tpu.memory_space<vmem>>
    %dma_start3A_862 = arith.constant 0 : i32
    %dma_start3A_863 = arith.constant 0 : i32
    %dma_start3A_864 = tpu.memref_slice %arg2[%dma_start3A_862, %dma_start3A_863] : memref<4000000x32xf32, #tpu.memory_space<hbm>> -> memref<4000000x32xf32, #tpu.memory_space<hbm>>
    tpu.enqueue_indirect_dma source(%dma_start3A_864 : memref<4000000x32xf32, #tpu.memory_space<hbm>>) target(%dma_start3A_858 : memref<128x32xf32, #tpu.memory_space<vmem>>) offsets(%dma_start3A_861 : memref<128xi32, #tpu.memory_space<vmem>>) semaphore(%arg7 : memref<!tpu.dma_semaphore, #tpu.memory_space<semaphore_mem>>)
    %dma_start3A_865 = arith.constant 44 : i32
    %dma_start3A_866 = arith.constant 512 : i32
    %dma_start3A_867 = arith.constant 0 : i32
    %dma_start3A_868 = tpu.memref_slice %arg6[%dma_start3A_866, %dma_start3A_867] : memref<1280x32xf32, #tpu.memory_space<vmem>> -> memref<128x32xf32, #tpu.memory_space<vmem>>
    %dma_start3A_869 = arith.constant 0 : i32
    %dma_start3A_870 = tpu.memref_slice %arg5[%dma_start3A_865, %dma_start3A_869] : memref<50x128xi32, #tpu.memory_space<vmem>> -> memref<1x128xi32, #tpu.memory_space<vmem>>
    %dma_start3A_871 = tpu.memref_squeeze %dma_start3A_870 : memref<1x128xi32, #tpu.memory_space<vmem>> -> memref<128xi32, #tpu.memory_space<vmem>>
    %dma_start3A_872 = arith.constant 0 : i32
    %dma_start3A_873 = arith.constant 0 : i32
    %dma_start3A_874 = tpu.memref_slice %arg2[%dma_start3A_872, %dma_start3A_873] : memref<4000000x32xf32, #tpu.memory_space<hbm>> -> memref<4000000x32xf32, #tpu.memory_space<hbm>>
    tpu.enqueue_indirect_dma source(%dma_start3A_874 : memref<4000000x32xf32, #tpu.memory_space<hbm>>) target(%dma_start3A_868 : memref<128x32xf32, #tpu.memory_space<vmem>>) offsets(%dma_start3A_871 : memref<128xi32, #tpu.memory_space<vmem>>) semaphore(%arg7 : memref<!tpu.dma_semaphore, #tpu.memory_space<semaphore_mem>>)
    %dma_start3A_875 = arith.constant 45 : i32
    %dma_start3A_876 = arith.constant 640 : i32
    %dma_start3A_877 = arith.constant 0 : i32
    %dma_start3A_878 = tpu.memref_slice %arg6[%dma_start3A_876, %dma_start3A_877] : memref<1280x32xf32, #tpu.memory_space<vmem>> -> memref<128x32xf32, #tpu.memory_space<vmem>>
    %dma_start3A_879 = arith.constant 0 : i32
    %dma_start3A_880 = tpu.memref_slice %arg5[%dma_start3A_875, %dma_start3A_879] : memref<50x128xi32, #tpu.memory_space<vmem>> -> memref<1x128xi32, #tpu.memory_space<vmem>>
    %dma_start3A_881 = tpu.memref_squeeze %dma_start3A_880 : memref<1x128xi32, #tpu.memory_space<vmem>> -> memref<128xi32, #tpu.memory_space<vmem>>
    %dma_start3A_882 = arith.constant 0 : i32
    %dma_start3A_883 = arith.constant 0 : i32
    %dma_start3A_884 = tpu.memref_slice %arg2[%dma_start3A_882, %dma_start3A_883] : memref<4000000x32xf32, #tpu.memory_space<hbm>> -> memref<4000000x32xf32, #tpu.memory_space<hbm>>
    tpu.enqueue_indirect_dma source(%dma_start3A_884 : memref<4000000x32xf32, #tpu.memory_space<hbm>>) target(%dma_start3A_878 : memref<128x32xf32, #tpu.memory_space<vmem>>) offsets(%dma_start3A_881 : memref<128xi32, #tpu.memory_space<vmem>>) semaphore(%arg7 : memref<!tpu.dma_semaphore, #tpu.memory_space<semaphore_mem>>)
    %dma_start3A_885 = arith.constant 46 : i32
    %dma_start3A_886 = arith.constant 768 : i32
    %dma_start3A_887 = arith.constant 0 : i32
    %dma_start3A_888 = tpu.memref_slice %arg6[%dma_start3A_886, %dma_start3A_887] : memref<1280x32xf32, #tpu.memory_space<vmem>> -> memref<128x32xf32, #tpu.memory_space<vmem>>
    %dma_start3A_889 = arith.constant 0 : i32
    %dma_start3A_890 = tpu.memref_slice %arg5[%dma_start3A_885, %dma_start3A_889] : memref<50x128xi32, #tpu.memory_space<vmem>> -> memref<1x128xi32, #tpu.memory_space<vmem>>
    %dma_start3A_891 = tpu.memref_squeeze %dma_start3A_890 : memref<1x128xi32, #tpu.memory_space<vmem>> -> memref<128xi32, #tpu.memory_space<vmem>>
    %dma_start3A_892 = arith.constant 0 : i32
    %dma_start3A_893 = arith.constant 0 : i32
    %dma_start3A_894 = tpu.memref_slice %arg2[%dma_start3A_892, %dma_start3A_893] : memref<4000000x32xf32, #tpu.memory_space<hbm>> -> memref<4000000x32xf32, #tpu.memory_space<hbm>>
    tpu.enqueue_indirect_dma source(%dma_start3A_894 : memref<4000000x32xf32, #tpu.memory_space<hbm>>) target(%dma_start3A_888 : memref<128x32xf32, #tpu.memory_space<vmem>>) offsets(%dma_start3A_891 : memref<128xi32, #tpu.memory_space<vmem>>) semaphore(%arg7 : memref<!tpu.dma_semaphore, #tpu.memory_space<semaphore_mem>>)
    %dma_start3A_895 = arith.constant 47 : i32
    %dma_start3A_896 = arith.constant 896 : i32
    %dma_start3A_897 = arith.constant 0 : i32
    %dma_start3A_898 = tpu.memref_slice %arg6[%dma_start3A_896, %dma_start3A_897] : memref<1280x32xf32, #tpu.memory_space<vmem>> -> memref<128x32xf32, #tpu.memory_space<vmem>>
    %dma_start3A_899 = arith.constant 0 : i32
    %dma_start3A_900 = tpu.memref_slice %arg5[%dma_start3A_895, %dma_start3A_899] : memref<50x128xi32, #tpu.memory_space<vmem>> -> memref<1x128xi32, #tpu.memory_space<vmem>>
    %dma_start3A_901 = tpu.memref_squeeze %dma_start3A_900 : memref<1x128xi32, #tpu.memory_space<vmem>> -> memref<128xi32, #tpu.memory_space<vmem>>
    %dma_start3A_902 = arith.constant 0 : i32
    %dma_start3A_903 = arith.constant 0 : i32
    %dma_start3A_904 = tpu.memref_slice %arg2[%dma_start3A_902, %dma_start3A_903] : memref<4000000x32xf32, #tpu.memory_space<hbm>> -> memref<4000000x32xf32, #tpu.memory_space<hbm>>
    tpu.enqueue_indirect_dma source(%dma_start3A_904 : memref<4000000x32xf32, #tpu.memory_space<hbm>>) target(%dma_start3A_898 : memref<128x32xf32, #tpu.memory_space<vmem>>) offsets(%dma_start3A_901 : memref<128xi32, #tpu.memory_space<vmem>>) semaphore(%arg7 : memref<!tpu.dma_semaphore, #tpu.memory_space<semaphore_mem>>)
    %dma_start3A_905 = arith.constant 48 : i32
    %dma_start3A_906 = arith.constant 1024 : i32
    %dma_start3A_907 = arith.constant 0 : i32
    %dma_start3A_908 = tpu.memref_slice %arg6[%dma_start3A_906, %dma_start3A_907] : memref<1280x32xf32, #tpu.memory_space<vmem>> -> memref<128x32xf32, #tpu.memory_space<vmem>>
    %dma_start3A_909 = arith.constant 0 : i32
    %dma_start3A_910 = tpu.memref_slice %arg5[%dma_start3A_905, %dma_start3A_909] : memref<50x128xi32, #tpu.memory_space<vmem>> -> memref<1x128xi32, #tpu.memory_space<vmem>>
    %dma_start3A_911 = tpu.memref_squeeze %dma_start3A_910 : memref<1x128xi32, #tpu.memory_space<vmem>> -> memref<128xi32, #tpu.memory_space<vmem>>
    %dma_start3A_912 = arith.constant 0 : i32
    %dma_start3A_913 = arith.constant 0 : i32
    %dma_start3A_914 = tpu.memref_slice %arg2[%dma_start3A_912, %dma_start3A_913] : memref<4000000x32xf32, #tpu.memory_space<hbm>> -> memref<4000000x32xf32, #tpu.memory_space<hbm>>
    tpu.enqueue_indirect_dma source(%dma_start3A_914 : memref<4000000x32xf32, #tpu.memory_space<hbm>>) target(%dma_start3A_908 : memref<128x32xf32, #tpu.memory_space<vmem>>) offsets(%dma_start3A_911 : memref<128xi32, #tpu.memory_space<vmem>>) semaphore(%arg7 : memref<!tpu.dma_semaphore, #tpu.memory_space<semaphore_mem>>)
    %dma_start3A_915 = arith.constant 49 : i32
    %dma_start3A_916 = arith.constant 1152 : i32
    %dma_start3A_917 = arith.constant 0 : i32
    %dma_start3A_918 = tpu.memref_slice %arg6[%dma_start3A_916, %dma_start3A_917] : memref<1280x32xf32, #tpu.memory_space<vmem>> -> memref<128x32xf32, #tpu.memory_space<vmem>>
    %dma_start3A_919 = arith.constant 0 : i32
    %dma_start3A_920 = tpu.memref_slice %arg5[%dma_start3A_915, %dma_start3A_919] : memref<50x128xi32, #tpu.memory_space<vmem>> -> memref<1x128xi32, #tpu.memory_space<vmem>>
    %dma_start3A_921 = tpu.memref_squeeze %dma_start3A_920 : memref<1x128xi32, #tpu.memory_space<vmem>> -> memref<128xi32, #tpu.memory_space<vmem>>
    %dma_start3A_922 = arith.constant 0 : i32
    %dma_start3A_923 = arith.constant 0 : i32
    %dma_start3A_924 = tpu.memref_slice %arg2[%dma_start3A_922, %dma_start3A_923] : memref<4000000x32xf32, #tpu.memory_space<hbm>> -> memref<4000000x32xf32, #tpu.memory_space<hbm>>
    tpu.enqueue_indirect_dma source(%dma_start3A_924 : memref<4000000x32xf32, #tpu.memory_space<hbm>>) target(%dma_start3A_918 : memref<128x32xf32, #tpu.memory_space<vmem>>) offsets(%dma_start3A_921 : memref<128xi32, #tpu.memory_space<vmem>>) semaphore(%arg7 : memref<!tpu.dma_semaphore, #tpu.memory_space<semaphore_mem>>)
    %dma_wait3A_925 = arith.constant 40 : i32
    %dma_wait3A_926 = arith.constant 0 : i32
    %dma_wait3A_927 = arith.constant 0 : i32
    %dma_wait3A_928 = tpu.memref_slice %arg6[%dma_wait3A_926, %dma_wait3A_927] : memref<1280x32xf32, #tpu.memory_space<vmem>> -> memref<128x32xf32, #tpu.memory_space<vmem>>
    %dma_wait3A_929 = arith.constant 0 : i32
    %dma_wait3A_930 = tpu.memref_slice %arg5[%dma_wait3A_925, %dma_wait3A_929] : memref<50x128xi32, #tpu.memory_space<vmem>> -> memref<1x128xi32, #tpu.memory_space<vmem>>
    %dma_wait3A_931 = tpu.memref_squeeze %dma_wait3A_930 : memref<1x128xi32, #tpu.memory_space<vmem>> -> memref<128xi32, #tpu.memory_space<vmem>>
    %dma_wait3A_932 = arith.constant 0 : i32
    %dma_wait3A_933 = arith.constant 0 : i32
    %dma_wait3A_934 = tpu.memref_slice %arg2[%dma_wait3A_932, %dma_wait3A_933] : memref<4000000x32xf32, #tpu.memory_space<hbm>> -> memref<4000000x32xf32, #tpu.memory_space<hbm>>
    tpu.wait_indirect_dma semaphore(%arg7 : memref<!tpu.dma_semaphore, #tpu.memory_space<semaphore_mem>>) src(%dma_wait3A_934 : memref<4000000x32xf32, #tpu.memory_space<hbm>>) dst(%dma_wait3A_928 : memref<128x32xf32, #tpu.memory_space<vmem>>)
    %dma_wait3A_935 = arith.constant 41 : i32
    %dma_wait3A_936 = arith.constant 128 : i32
    %dma_wait3A_937 = arith.constant 0 : i32
    %dma_wait3A_938 = tpu.memref_slice %arg6[%dma_wait3A_936, %dma_wait3A_937] : memref<1280x32xf32, #tpu.memory_space<vmem>> -> memref<128x32xf32, #tpu.memory_space<vmem>>
    %dma_wait3A_939 = arith.constant 0 : i32
    %dma_wait3A_940 = tpu.memref_slice %arg5[%dma_wait3A_935, %dma_wait3A_939] : memref<50x128xi32, #tpu.memory_space<vmem>> -> memref<1x128xi32, #tpu.memory_space<vmem>>
    %dma_wait3A_941 = tpu.memref_squeeze %dma_wait3A_940 : memref<1x128xi32, #tpu.memory_space<vmem>> -> memref<128xi32, #tpu.memory_space<vmem>>
    %dma_wait3A_942 = arith.constant 0 : i32
    %dma_wait3A_943 = arith.constant 0 : i32
    %dma_wait3A_944 = tpu.memref_slice %arg2[%dma_wait3A_942, %dma_wait3A_943] : memref<4000000x32xf32, #tpu.memory_space<hbm>> -> memref<4000000x32xf32, #tpu.memory_space<hbm>>
    tpu.wait_indirect_dma semaphore(%arg7 : memref<!tpu.dma_semaphore, #tpu.memory_space<semaphore_mem>>) src(%dma_wait3A_944 : memref<4000000x32xf32, #tpu.memory_space<hbm>>) dst(%dma_wait3A_938 : memref<128x32xf32, #tpu.memory_space<vmem>>)
    %dma_wait3A_945 = arith.constant 42 : i32
    %dma_wait3A_946 = arith.constant 256 : i32
    %dma_wait3A_947 = arith.constant 0 : i32
    %dma_wait3A_948 = tpu.memref_slice %arg6[%dma_wait3A_946, %dma_wait3A_947] : memref<1280x32xf32, #tpu.memory_space<vmem>> -> memref<128x32xf32, #tpu.memory_space<vmem>>
    %dma_wait3A_949 = arith.constant 0 : i32
    %dma_wait3A_950 = tpu.memref_slice %arg5[%dma_wait3A_945, %dma_wait3A_949] : memref<50x128xi32, #tpu.memory_space<vmem>> -> memref<1x128xi32, #tpu.memory_space<vmem>>
    %dma_wait3A_951 = tpu.memref_squeeze %dma_wait3A_950 : memref<1x128xi32, #tpu.memory_space<vmem>> -> memref<128xi32, #tpu.memory_space<vmem>>
    %dma_wait3A_952 = arith.constant 0 : i32
    %dma_wait3A_953 = arith.constant 0 : i32
    %dma_wait3A_954 = tpu.memref_slice %arg2[%dma_wait3A_952, %dma_wait3A_953] : memref<4000000x32xf32, #tpu.memory_space<hbm>> -> memref<4000000x32xf32, #tpu.memory_space<hbm>>
    tpu.wait_indirect_dma semaphore(%arg7 : memref<!tpu.dma_semaphore, #tpu.memory_space<semaphore_mem>>) src(%dma_wait3A_954 : memref<4000000x32xf32, #tpu.memory_space<hbm>>) dst(%dma_wait3A_948 : memref<128x32xf32, #tpu.memory_space<vmem>>)
    %dma_wait3A_955 = arith.constant 43 : i32
    %dma_wait3A_956 = arith.constant 384 : i32
    %dma_wait3A_957 = arith.constant 0 : i32
    %dma_wait3A_958 = tpu.memref_slice %arg6[%dma_wait3A_956, %dma_wait3A_957] : memref<1280x32xf32, #tpu.memory_space<vmem>> -> memref<128x32xf32, #tpu.memory_space<vmem>>
    %dma_wait3A_959 = arith.constant 0 : i32
    %dma_wait3A_960 = tpu.memref_slice %arg5[%dma_wait3A_955, %dma_wait3A_959] : memref<50x128xi32, #tpu.memory_space<vmem>> -> memref<1x128xi32, #tpu.memory_space<vmem>>
    %dma_wait3A_961 = tpu.memref_squeeze %dma_wait3A_960 : memref<1x128xi32, #tpu.memory_space<vmem>> -> memref<128xi32, #tpu.memory_space<vmem>>
    %dma_wait3A_962 = arith.constant 0 : i32
    %dma_wait3A_963 = arith.constant 0 : i32
    %dma_wait3A_964 = tpu.memref_slice %arg2[%dma_wait3A_962, %dma_wait3A_963] : memref<4000000x32xf32, #tpu.memory_space<hbm>> -> memref<4000000x32xf32, #tpu.memory_space<hbm>>
    tpu.wait_indirect_dma semaphore(%arg7 : memref<!tpu.dma_semaphore, #tpu.memory_space<semaphore_mem>>) src(%dma_wait3A_964 : memref<4000000x32xf32, #tpu.memory_space<hbm>>) dst(%dma_wait3A_958 : memref<128x32xf32, #tpu.memory_space<vmem>>)
    %dma_wait3A_965 = arith.constant 44 : i32
    %dma_wait3A_966 = arith.constant 512 : i32
    %dma_wait3A_967 = arith.constant 0 : i32
    %dma_wait3A_968 = tpu.memref_slice %arg6[%dma_wait3A_966, %dma_wait3A_967] : memref<1280x32xf32, #tpu.memory_space<vmem>> -> memref<128x32xf32, #tpu.memory_space<vmem>>
    %dma_wait3A_969 = arith.constant 0 : i32
    %dma_wait3A_970 = tpu.memref_slice %arg5[%dma_wait3A_965, %dma_wait3A_969] : memref<50x128xi32, #tpu.memory_space<vmem>> -> memref<1x128xi32, #tpu.memory_space<vmem>>
    %dma_wait3A_971 = tpu.memref_squeeze %dma_wait3A_970 : memref<1x128xi32, #tpu.memory_space<vmem>> -> memref<128xi32, #tpu.memory_space<vmem>>
    %dma_wait3A_972 = arith.constant 0 : i32
    %dma_wait3A_973 = arith.constant 0 : i32
    %dma_wait3A_974 = tpu.memref_slice %arg2[%dma_wait3A_972, %dma_wait3A_973] : memref<4000000x32xf32, #tpu.memory_space<hbm>> -> memref<4000000x32xf32, #tpu.memory_space<hbm>>
    tpu.wait_indirect_dma semaphore(%arg7 : memref<!tpu.dma_semaphore, #tpu.memory_space<semaphore_mem>>) src(%dma_wait3A_974 : memref<4000000x32xf32, #tpu.memory_space<hbm>>) dst(%dma_wait3A_968 : memref<128x32xf32, #tpu.memory_space<vmem>>)
    %dma_wait3A_975 = arith.constant 45 : i32
    %dma_wait3A_976 = arith.constant 640 : i32
    %dma_wait3A_977 = arith.constant 0 : i32
    %dma_wait3A_978 = tpu.memref_slice %arg6[%dma_wait3A_976, %dma_wait3A_977] : memref<1280x32xf32, #tpu.memory_space<vmem>> -> memref<128x32xf32, #tpu.memory_space<vmem>>
    %dma_wait3A_979 = arith.constant 0 : i32
    %dma_wait3A_980 = tpu.memref_slice %arg5[%dma_wait3A_975, %dma_wait3A_979] : memref<50x128xi32, #tpu.memory_space<vmem>> -> memref<1x128xi32, #tpu.memory_space<vmem>>
    %dma_wait3A_981 = tpu.memref_squeeze %dma_wait3A_980 : memref<1x128xi32, #tpu.memory_space<vmem>> -> memref<128xi32, #tpu.memory_space<vmem>>
    %dma_wait3A_982 = arith.constant 0 : i32
    %dma_wait3A_983 = arith.constant 0 : i32
    %dma_wait3A_984 = tpu.memref_slice %arg2[%dma_wait3A_982, %dma_wait3A_983] : memref<4000000x32xf32, #tpu.memory_space<hbm>> -> memref<4000000x32xf32, #tpu.memory_space<hbm>>
    tpu.wait_indirect_dma semaphore(%arg7 : memref<!tpu.dma_semaphore, #tpu.memory_space<semaphore_mem>>) src(%dma_wait3A_984 : memref<4000000x32xf32, #tpu.memory_space<hbm>>) dst(%dma_wait3A_978 : memref<128x32xf32, #tpu.memory_space<vmem>>)
    %dma_wait3A_985 = arith.constant 46 : i32
    %dma_wait3A_986 = arith.constant 768 : i32
    %dma_wait3A_987 = arith.constant 0 : i32
    %dma_wait3A_988 = tpu.memref_slice %arg6[%dma_wait3A_986, %dma_wait3A_987] : memref<1280x32xf32, #tpu.memory_space<vmem>> -> memref<128x32xf32, #tpu.memory_space<vmem>>
    %dma_wait3A_989 = arith.constant 0 : i32
    %dma_wait3A_990 = tpu.memref_slice %arg5[%dma_wait3A_985, %dma_wait3A_989] : memref<50x128xi32, #tpu.memory_space<vmem>> -> memref<1x128xi32, #tpu.memory_space<vmem>>
    %dma_wait3A_991 = tpu.memref_squeeze %dma_wait3A_990 : memref<1x128xi32, #tpu.memory_space<vmem>> -> memref<128xi32, #tpu.memory_space<vmem>>
    %dma_wait3A_992 = arith.constant 0 : i32
    %dma_wait3A_993 = arith.constant 0 : i32
    %dma_wait3A_994 = tpu.memref_slice %arg2[%dma_wait3A_992, %dma_wait3A_993] : memref<4000000x32xf32, #tpu.memory_space<hbm>> -> memref<4000000x32xf32, #tpu.memory_space<hbm>>
    tpu.wait_indirect_dma semaphore(%arg7 : memref<!tpu.dma_semaphore, #tpu.memory_space<semaphore_mem>>) src(%dma_wait3A_994 : memref<4000000x32xf32, #tpu.memory_space<hbm>>) dst(%dma_wait3A_988 : memref<128x32xf32, #tpu.memory_space<vmem>>)
    %dma_wait3A_995 = arith.constant 47 : i32
    %dma_wait3A_996 = arith.constant 896 : i32
    %dma_wait3A_997 = arith.constant 0 : i32
    %dma_wait3A_998 = tpu.memref_slice %arg6[%dma_wait3A_996, %dma_wait3A_997] : memref<1280x32xf32, #tpu.memory_space<vmem>> -> memref<128x32xf32, #tpu.memory_space<vmem>>
    %dma_wait3A_999 = arith.constant 0 : i32
    %dma_wait3A_1000 = tpu.memref_slice %arg5[%dma_wait3A_995, %dma_wait3A_999] : memref<50x128xi32, #tpu.memory_space<vmem>> -> memref<1x128xi32, #tpu.memory_space<vmem>>
    %dma_wait3A_1001 = tpu.memref_squeeze %dma_wait3A_1000 : memref<1x128xi32, #tpu.memory_space<vmem>> -> memref<128xi32, #tpu.memory_space<vmem>>
    %dma_wait3A_1002 = arith.constant 0 : i32
    %dma_wait3A_1003 = arith.constant 0 : i32
    %dma_wait3A_1004 = tpu.memref_slice %arg2[%dma_wait3A_1002, %dma_wait3A_1003] : memref<4000000x32xf32, #tpu.memory_space<hbm>> -> memref<4000000x32xf32, #tpu.memory_space<hbm>>
    tpu.wait_indirect_dma semaphore(%arg7 : memref<!tpu.dma_semaphore, #tpu.memory_space<semaphore_mem>>) src(%dma_wait3A_1004 : memref<4000000x32xf32, #tpu.memory_space<hbm>>) dst(%dma_wait3A_998 : memref<128x32xf32, #tpu.memory_space<vmem>>)
    %dma_wait3A_1005 = arith.constant 48 : i32
    %dma_wait3A_1006 = arith.constant 1024 : i32
    %dma_wait3A_1007 = arith.constant 0 : i32
    %dma_wait3A_1008 = tpu.memref_slice %arg6[%dma_wait3A_1006, %dma_wait3A_1007] : memref<1280x32xf32, #tpu.memory_space<vmem>> -> memref<128x32xf32, #tpu.memory_space<vmem>>
    %dma_wait3A_1009 = arith.constant 0 : i32
    %dma_wait3A_1010 = tpu.memref_slice %arg5[%dma_wait3A_1005, %dma_wait3A_1009] : memref<50x128xi32, #tpu.memory_space<vmem>> -> memref<1x128xi32, #tpu.memory_space<vmem>>
    %dma_wait3A_1011 = tpu.memref_squeeze %dma_wait3A_1010 : memref<1x128xi32, #tpu.memory_space<vmem>> -> memref<128xi32, #tpu.memory_space<vmem>>
    %dma_wait3A_1012 = arith.constant 0 : i32
    %dma_wait3A_1013 = arith.constant 0 : i32
    %dma_wait3A_1014 = tpu.memref_slice %arg2[%dma_wait3A_1012, %dma_wait3A_1013] : memref<4000000x32xf32, #tpu.memory_space<hbm>> -> memref<4000000x32xf32, #tpu.memory_space<hbm>>
    tpu.wait_indirect_dma semaphore(%arg7 : memref<!tpu.dma_semaphore, #tpu.memory_space<semaphore_mem>>) src(%dma_wait3A_1014 : memref<4000000x32xf32, #tpu.memory_space<hbm>>) dst(%dma_wait3A_1008 : memref<128x32xf32, #tpu.memory_space<vmem>>)
    %dma_wait3A_1015 = arith.constant 49 : i32
    %dma_wait3A_1016 = arith.constant 1152 : i32
    %dma_wait3A_1017 = arith.constant 0 : i32
    %dma_wait3A_1018 = tpu.memref_slice %arg6[%dma_wait3A_1016, %dma_wait3A_1017] : memref<1280x32xf32, #tpu.memory_space<vmem>> -> memref<128x32xf32, #tpu.memory_space<vmem>>
    %dma_wait3A_1019 = arith.constant 0 : i32
    %dma_wait3A_1020 = tpu.memref_slice %arg5[%dma_wait3A_1015, %dma_wait3A_1019] : memref<50x128xi32, #tpu.memory_space<vmem>> -> memref<1x128xi32, #tpu.memory_space<vmem>>
    %dma_wait3A_1021 = tpu.memref_squeeze %dma_wait3A_1020 : memref<1x128xi32, #tpu.memory_space<vmem>> -> memref<128xi32, #tpu.memory_space<vmem>>
    %dma_wait3A_1022 = arith.constant 0 : i32
    %dma_wait3A_1023 = arith.constant 0 : i32
    %dma_wait3A_1024 = tpu.memref_slice %arg2[%dma_wait3A_1022, %dma_wait3A_1023] : memref<4000000x32xf32, #tpu.memory_space<hbm>> -> memref<4000000x32xf32, #tpu.memory_space<hbm>>
    tpu.wait_indirect_dma semaphore(%arg7 : memref<!tpu.dma_semaphore, #tpu.memory_space<semaphore_mem>>) src(%dma_wait3A_1024 : memref<4000000x32xf32, #tpu.memory_space<hbm>>) dst(%dma_wait3A_1018 : memref<128x32xf32, #tpu.memory_space<vmem>>)
    %mul3A_1025 = arith.constant 50 : i32
    %mul3A_1026 = arith.muli %add3A, %mul3A_1025 : i32
    %mul3A_1027 = arith.constant 128 : i32
    %mul3A_1028 = arith.muli %mul3A_1026, %mul3A_1027 : i32
    %add3A_1029 = arith.constant 5120 : i32
    %add3A_1030 = arith.addi %mul3A_1028, %add3A_1029 : i32
    "tpu.region"() ({
      %run_scoped3A = tpu.sem_alloc : memref<!tpu.dma_semaphore, #tpu.memory_space<semaphore_mem>>
      %dma_start3A_1031 = arith.constant 0 : i32
      %dma_start3A_1032 = tpu.memref_slice %arg4[%add3A_1030, %dma_start3A_1031] : memref<204800x128xf32, #tpu.memory_space<hbm>> -> memref<1280x32xf32, #tpu.memory_space<hbm>>
      %dma_start3A_1033 = arith.constant 0 : i32
      %dma_start3A_1034 = tpu.memref_slice %arg4[%add3A_1030, %dma_start3A_1033] : memref<204800x128xf32, #tpu.memory_space<hbm>> -> memref<1280x32xf32, #tpu.memory_space<hbm>>
      tpu.enqueue_dma source(%arg6 : memref<1280x32xf32, #tpu.memory_space<vmem>>) target(%dma_start3A_1034 : memref<1280x32xf32, #tpu.memory_space<hbm>>) target_semaphore(%run_scoped3A : memref<!tpu.dma_semaphore, #tpu.memory_space<semaphore_mem>>)
      %dma_wait3A_1035 = arith.constant 0 : i32
      %dma_wait3A_1036 = tpu.memref_slice %arg4[%add3A_1030, %dma_wait3A_1035] : memref<204800x128xf32, #tpu.memory_space<hbm>> -> memref<1280x32xf32, #tpu.memory_space<hbm>>
      %dma_wait3A_1037 = arith.constant 0 : i32
      %dma_wait3A_1038 = tpu.memref_slice %arg4[%add3A_1030, %dma_wait3A_1037] : memref<204800x128xf32, #tpu.memory_space<hbm>> -> memref<1280x32xf32, #tpu.memory_space<hbm>>
      tpu.wait_dma2 semaphore(%run_scoped3A : memref<!tpu.dma_semaphore, #tpu.memory_space<semaphore_mem>>) src(%arg6 : memref<1280x32xf32, #tpu.memory_space<vmem>>) dst(%dma_wait3A_1038 : memref<1280x32xf32, #tpu.memory_space<hbm>>)
      tpu.yield
    }) : () -> ()
    return
  }
}

module attributes {stable_mosaic.version = 14 : i64} {
  func.func @_t_body(%arg0: i32, %arg1: memref<32x4096xf32, #tpu.memory_space<vmem>>, %arg2: memref<32x32xf32, #tpu.memory_space<vmem>>, %arg3: memref<4096x128xf32, #tpu.memory_space<vmem>>) attributes {dimension_semantics = [#tpu.dimension_semantics<arbitrary>], iteration_bounds = array<i64: 245>, scalar_prefetch = 0 : i64, scratch_operands = 0 : i64, tpu.core_type = #tpu.core_type<tc>, window_params = [{transform_indices = @transform_0, window_bounds = array<i64: 32, 4096>}, {pipeline_mode = #tpu.pipeline_mode<synchronous>, transform_indices = @transform_1, window_bounds = array<i64: 32, 32>}, {transform_indices = @transform_2, window_bounds = array<i64: 4096, 128>}]} {
    %get3A = arith.constant 0 : index
    %get3A_0 = arith.constant 0 : index
    %get3A_1 = vector.load %arg1[%get3A, %get3A_0] : memref<32x4096xf32, #tpu.memory_space<vmem>>, vector<32x4096xf32>
    %get3A_2 = arith.constant 0 : index
    %get3A_3 = arith.constant 0 : index
    %get3A_4 = vector.load %arg2[%get3A_2, %get3A_3] : memref<32x32xf32, #tpu.memory_space<vmem>>, vector<32x32xf32>
    %dot_general3A = arith.constant dense<0.000000e+00> : vector<4096x32xf32>
    %dot_general3A_5 = tpu.matmul %get3A_1, %get3A_4, %dot_general3A {dimension_numbers = #tpu.dot_dimension_numbers<[0], [0], [1], [1], [0, 1, 1, 1], [], []>, transpose_lhs_hint = false} : vector<32x4096xf32>, vector<32x32xf32>, vector<4096x32xf32> -> vector<4096x32xf32>
    %swap3A = arith.constant 0 : index
    %swap3A_6 = arith.constant 0 : index
    %swap3A_7 = vector.load %arg3[%swap3A, %swap3A_6] : memref<4096x128xf32, #tpu.memory_space<vmem>>, vector<4096x32xf32>
    tpu.vector_store %arg3[%swap3A, %swap3A_6], %dot_general3A_5 {strides = array<i32>} : memref<4096x128xf32, #tpu.memory_space<vmem>>, vector<4096x32xf32>,
    return
  }
  func.func @transform_0(%arg0: i32) -> (i32, i32) {
    %c0_i32 = arith.constant 0 : i32
    %c0_i32_0 = arith.constant 0 : i32
    return %c0_i32, %arg0 : i32, i32
  }
  func.func @transform_1(%arg0: i32) -> (i32, i32) {
    %c0_i32 = arith.constant 0 : i32
    %c0_i32_0 = arith.constant 0 : i32
    %c0_i32_1 = arith.constant 0 : i32
    return %c0_i32, %c0_i32_0 : i32, i32
  }
  func.func @transform_2(%arg0: i32) -> (i32, i32) {
    %c0_i32 = arith.constant 0 : i32
    %c0_i32_0 = arith.constant 0 : i32
    return %arg0, %c0_i32 : i32, i32
  }
}

module attributes {stable_mosaic.version = 14 : i64} {
  func.func @_proj_body(%arg0: i32, %arg1: memref<6400x128xf32, #tpu.memory_space<vmem>>, %arg2: memref<32x128xf32, #tpu.memory_space<vmem>>, %arg3: memref<1x128xf32, #tpu.memory_space<vmem>>, %arg4: memref<6400x128xf32, #tpu.memory_space<vmem>>) attributes {dimension_semantics = [#tpu.dimension_semantics<arbitrary>], iteration_bounds = array<i64: 32>, scalar_prefetch = 0 : i64, scratch_operands = 0 : i64, tpu.core_type = #tpu.core_type<tc>, window_params = [{transform_indices = @transform_0, window_bounds = array<i64: 6400, 128>}, {pipeline_mode = #tpu.pipeline_mode<synchronous>, transform_indices = @transform_1, window_bounds = array<i64: 32, 128>}, {pipeline_mode = #tpu.pipeline_mode<synchronous>, transform_indices = @transform_2, window_bounds = array<i64: 1, 128>}, {transform_indices = @transform_3, window_bounds = array<i64: 6400, 128>}]} {
    %get3A = arith.constant 0 : index
    %get3A_0 = arith.constant 0 : index
    %get3A_1 = vector.load %arg1[%get3A, %get3A_0] : memref<6400x128xf32, #tpu.memory_space<vmem>>, vector<6400x32xf32>
    %get3A_2 = arith.constant 0 : index
    %get3A_3 = arith.constant 0 : index
    %get3A_4 = vector.load %arg2[%get3A_2, %get3A_3] : memref<32x128xf32, #tpu.memory_space<vmem>>, vector<32x128xf32>
    %dot_general3A = arith.constant dense<0.000000e+00> : vector<6400x128xf32>
    %dot_general3A_5 = tpu.matmul %get3A_1, %get3A_4, %dot_general3A {dimension_numbers = #tpu.dot_dimension_numbers<[1], [0], [0], [1], [0, 0, 1, 1], [], []>, transpose_lhs_hint = false} : vector<6400x32xf32>, vector<32x128xf32>, vector<6400x128xf32> -> vector<6400x128xf32>
    %get3A_6 = arith.constant 0 : index
    %get3A_7 = arith.constant 0 : index
    %get3A_8 = vector.load %arg3[%get3A_6, %get3A_7] : memref<1x128xf32, #tpu.memory_space<vmem>>, vector<1x128xf32>
    %add3A = vector.broadcast %get3A_8 : vector<1x128xf32> to vector<6400x128xf32>
    %add3A_9 = arith.addf %dot_general3A_5, %add3A : vector<6400x128xf32>
    %swap3A = arith.constant 0 : index
    %swap3A_10 = arith.constant 0 : index
    %swap3A_11 = vector.load %arg4[%swap3A, %swap3A_10] : memref<6400x128xf32, #tpu.memory_space<vmem>>, vector<6400x128xf32>
    tpu.vector_store %arg4[%swap3A, %swap3A_10], %add3A_9 {strides = array<i32>} : memref<6400x128xf32, #tpu.memory_space<vmem>>, vector<6400x128xf32>,
    return
  }
  func.func @transform_0(%arg0: i32) -> (i32, i32) {
    %c0_i32 = arith.constant 0 : i32
    %c0_i32_0 = arith.constant 0 : i32
    return %arg0, %c0_i32 : i32, i32
  }
  func.func @transform_1(%arg0: i32) -> (i32, i32) {
    %c0_i32 = arith.constant 0 : i32
    %c0_i32_0 = arith.constant 0 : i32
    %c0_i32_1 = arith.constant 0 : i32
    return %c0_i32, %c0_i32_0 : i32, i32
  }
  func.func @transform_2(%arg0: i32) -> (i32, i32) {
    %c0_i32 = arith.constant 0 : i32
    %c0_i32_0 = arith.constant 0 : i32
    %c0_i32_1 = arith.constant 0 : i32
    return %c0_i32, %c0_i32_0 : i32, i32
  }
  func.func @transform_3(%arg0: i32) -> (i32, i32) {
    %c0_i32 = arith.constant 0 : i32
    %c0_i32_0 = arith.constant 0 : i32
    return %arg0, %c0_i32 : i32, i32
  }
}

</mosaic_0001>

<sc_bundles>
// kernel: kernel.5.cloned.1.call-start
scs
__scs_entry_jumppad:
0x0: {  	(pc) =	sbr.rel $0x88, $3  }
0x1: {  	(tag) =	ssettag $0x0;
	lr =	simm.s32 $0x1  }
0x2: {  	[smem:$0x3F9D] =	sst lr;
	_ =	strace $0xD0000000  }
0x3: {  	_ = 	snop  }
0x4: {  	_ = 	snop  }
0x5: {  	_ = 	snop  }
0x6: {  	_ = 	snop  }
0x7: {  	_ = 	snop  }
__scs_overlays_trampoline_lowered:
0x8: {  	[smem:$0x3FAC] =	sst s0  }
0x9: {  	[smem:$0x3FAD] =	sst s1  }
0xa: {  	[smem:$0x3FAE] =	sst s2  }
0xb: {  	[smem:$0x3FAF] =	sst s3  }
0xc: {  	[smem:$0x3FB0] =	sst s4  }
0xd: {  	[smem:$0x3FB1] =	sst s5  }
0xe: {  	[smem:$0x3FB2] =	sst s6  }
0xf: {  	[smem:$0x3FB3] =	sst s7  }
0x10: {  	[smem:$0x3FB4] =	sst s8  }
0x11: {  	[smem:$0x3FB5] =	sst s9;
	s0 =	simm.s32 @!p0 $0x0  }
0x12: {  	s1 =	sld [smem:$0x3F9B];
	s0 =	simm.s32 @p0 $0x1  }
0x13: {  	[smem:$0x3FB6] =	sst s0;
	s0 =	simm.s32 @!p1 $0x0  }
0x14: {  	s2 =	sld [smem:$0x3F9A];
	s0 =	simm.s32 @p1 $0x1  }
0x15: {  	[smem:$0x3FB7] =	sst s0;
	s0 =	simm.s32 @!p2 $0x0  }
0x16: {  	s3 =	sld [smem:$0x3FDB];
	s0 =	simm.s32 @p2 $0x1  }
0x17: {  	s4 =	simm.s32 $0x1BF5;
	[smem:$0x3FB9] =	sst s0  }
0x18: {  	s0 =	sld [smem:$0x3F9C];
	_ =	swait.ge [sflag:s4], $0x0  }
0x19: {  	s7 =	sld [smem:$0x3F9D]  }
0x1a: {  	s8 =	sadd.s32 $0xFFFFE003, lr  }
0x1b: {  	s9 =	sadd.s32 $0xFFFFFEF7, lr;
	s5 =	simm.s32 $0xFFFFFFFF;
	p2 =	slt.u32 s8, $0xFFFFF086  }
0x1c: {  	p1 =	slt.u32 s9, $0xF7A;
	s5 =	simm.s32 @!p2 $0x0  }
0x1d: {  	s5 =	simm.s32 @p1 $0x1;
	p0 =	seq.s32 s7, s2  }
0x1e: {  	s7 =	smul.u32 @!p0 $0xF7A, s2;
	p2 =	seq.s32 @!p0 s5, $0x0  }
0x1f: {  	s9 =	smul.u32 $0xF7A, s1;
	s8 =	simm.s32 @!p0 $0x1BF5;
	p2 =	por !p2, p0  }
0x20: {  	[sflag:s8] =	ssyncset.s32 @!p0 $0xFFFFF086;
	s6 =	sadd.s32 @!p0 s3, s7;
	s7 =	simm.s32 @!p0 $0x108  }
0x21: {  	s3 =	sadd.s32 s3, s9;
	s6 =	sadd.s32 @!p0 $0x88, s6;
	s7 =	simm.s32 @p2 $0x1082  }
0x22: {  	[simem:s7], [sflag:s8] =	dma.local @!p0 [hbm:s6], $0xF7A  }
0x23: {  	s9 =	sor.u32 $0xD0000000, s2;
	s6 =	simm.s32 $0x108;
	_ =	swait.ge @!p0 [sflag:s8], $0x0  }
0x24: {  	s3 =	sadd.s32 $0x88, s3;
	s6 =	simm.s32 @!p1 $0x1082;
	[sflag:s4] =	ssyncset.s32 $0xFFFFF086  }
0x25: {  	[simem:s6], [sflag:s4] =	dma.local [hbm:s3], $0xF7A  }
0x26: {  	[smem:$0x3F9D] =	sst s1;
	(tag) =	ssettag s2;
	_ =	strace s9  }
0x27: {  	s1 =	sld [smem:$0x3FAD]  }
0x28: {  	s2 =	sld [smem:$0x3FAE]  }
0x29: {  	s4 =	sld [smem:$0x3FB0]  }
0x2a: {  	p0 =	seq.s32 s5, $0x0;
	s5 =	sld [smem:$0x3FB1]  }
0x2b: {  	s6 =	sld [smem:$0x3FB2]  }
0x2c: {  	s7 =	sld [smem:$0x3FB3]  }
0x2d: {  	s3 =	simm.s32 $0x108;
	s8 =	sld [smem:$0x3FB4]  }
0x2e: {  	s3 =	simm.s32 @!p0 $0x1082;
	s9 =	sld [smem:$0x3FB5]  }
0x2f: {  	lr =	sadd.s32 s0, s3;
	s0 =	sld [smem:$0x3FAC]  }
0x30: {  	s3 =	sld [smem:$0x3FAF]  }
0x31: {  	[smem:$0x3FB8] =	sst s10  }
0x32: {  	s10 =	sld [smem:$0x3FB6];
	_ =	sdelay $0x3  }
0x33: {  	p0 =	seq.s32 s10, $0x1;
	s10 =	sld [smem:$0x3FB8];
	_ =	sdelay $0x3  }
0x34: {  	[smem:$0x3FB8] =	sst s10  }
0x35: {  	s10 =	sld [smem:$0x3FB7];
	_ =	sdelay $0x3  }
0x36: {  	p1 =	seq.s32 s10, $0x1;
	s10 =	sld [smem:$0x3FB8];
	_ =	sdelay $0x3  }
0x37: {  	[smem:$0x3FB8] =	sst s10  }
0x38: {  	s10 =	sld [smem:$0x3FB9]  }
0x39: {  	_ = 	snop;
	(pc) =	sbr.ind lr, $3  }
0x3a: {  	_ = 	snop  }
0x3b: {  	_ = 	snop  }
0x3c: {  	p2 =	seq.s32 s10, $0x1;
	s10 =	sld [smem:$0x3FB8]  }
0x3d: {  	_ =	shalt  }
0x3e: {  	_ =	shalt  }
0x3f: {  	_ =	shalt  }
0x40: {  	_ =	shalt  }
0x41: {  	_ =	shalt  }
0x42: {  	_ =	shalt  }
0x43: {  	_ =	shalt  }
0x44: {  	_ =	shalt  }
0x45: {  	_ =	shalt  }
0x46: {  	_ =	shalt  }
0x47: {  	_ =	shalt  }
0x48: {  	_ =	shalt  }
0x49: {  	_ =	shalt  }
0x4a: {  	_ =	shalt  }
0x4b: {  	_ =	shalt  }
0x4c: {  	_ =	shalt  }
0x4d: {  	_ =	shalt  }
0x4e: {  	_ =	shalt  }
0x4f: {  	_ =	shalt  }
0x50: {  	_ =	shalt  }
0x51: {  	_ =	shalt  }
0x52: {  	_ =	shalt  }
0x53: {  	_ =	shalt  }
0x54: {  	_ =	shalt  }
0x55: {  	_ =	shalt  }
0x56: {  	_ =	shalt  }
0x57: {  	_ =	shalt  }
0x58: {  	_ =	shalt  }
0x59: {  	_ =	shalt  }
0x5a: {  	_ =	shalt  }
0x5b: {  	_ =	shalt  }
0x5c: {  	_ =	shalt  }
0x5d: {  	_ =	shalt  }
0x5e: {  	_ =	shalt  }
0x5f: {  	_ =	shalt  }
0x60: {  	_ =	shalt  }
0x61: {  	_ =	shalt  }
0x62: {  	_ =	shalt  }
0x63: {  	_ =	shalt  }
0x64: {  	_ =	shalt  }
0x65: {  	_ =	shalt  }
0x66: {  	_ =	shalt  }
0x67: {  	_ =	shalt  }
0x68: {  	_ =	shalt  }
0x69: {  	_ =	shalt  }
0x6a: {  	_ =	shalt  }
0x6b: {  	_ =	shalt  }
0x6c: {  	_ =	shalt  }
0x6d: {  	_ =	shalt  }
0x6e: {  	_ =	shalt  }
0x6f: {  	_ =	shalt  }
0x70: {  	_ =	shalt  }
0x71: {  	_ =	shalt  }
0x72: {  	_ =	shalt  }
0x73: {  	_ =	shalt  }
0x74: {  	_ =	shalt  }
0x75: {  	_ =	shalt  }
0x76: {  	_ =	shalt  }
0x77: {  	_ =	shalt  }
0x78: {  	_ =	shalt  }
0x79: {  	_ =	shalt  }
0x7a: {  	_ =	shalt  }
0x7b: {  	_ =	shalt  }
0x7c: {  	_ =	shalt  }
0x7d: {  	_ =	shalt  }
0x7e: {  	_ =	shalt  }
0x7f: {  	_ =	shalt  }
0x80: {  	_ =	shalt  }
0x81: {  	_ =	shalt  }
0x82: {  	_ =	shalt  }
0x83: {  	_ =	shalt  }
0x84: {  	_ =	shalt  }
0x85: {  	_ =	shalt  }
0x86: {  	_ =	shalt  }
0x87: {  	_ =	shalt  }
.Lfunc_end0:
.L_simem_size_0:
called_computation_lowered:
.L_overlay_start_0:
0x88: {  	s2 =	sld [smem:$0x3FD9]  }
0x89: {  	s3 =	sld [smem:$0x3FFE];
	_ =	sdelay $0x1  }
0x8a: {  	s1 =	srdreg.scid  }
0x8b: {  	s0 =	sand.u32 $0x1, s1  }
0x8c: {  	s17 =	sshll.u32 s0, $0xA;
	s2 =	sadd.s32 s3, s2  }
0x8d: {  	s2 =	sadd.s32 s2, s17  }
0x8e: {  	[smem:$0x3FC4] =	sst s2  }
0x8f: {  	_ = 	snop  }
0x90: {  	s2 =	sld [smem:$0x3FD0];
	(tm) =	ssettm $0x1  }
0x91: {  	s18 =	sld [smem:$0x3FFB];
	_ =	sdelay $0x3  }
0x92: {  	_ =	strace s18  }
0x93: {  	s3 =	sld [smem:$0x3FFC];
	_ =	sdelay $0x3  }
0x94: {  	_ =	strace s3  }
0x95: {  	s3 =	sld [smem:$0x3FFD];
	_ =	sdelay $0x3  }
0x96: {  	_ =	strace s3  }
0x97: {  	_ =	strace $0x8FFFFFFF  }
0x98: {  	s19 =	sld [smem:$0x3FDB];
	_ =	sdelay $0x1  }
0x99: {  	s4 =	simm.s32 $_scs_section_size  }
0x9a: {  	s5 =	simm.s32 $_size__tile_overlayer_lowered;
	s6 =	simm.s32 $_tile_overlayer_lowered  }
0x9b: {  	s22 =	simm.s32 $0x1BFF;
	s21 =	sshll.u32 s6, $0x1;
	s3 =	sadd.s32 s4, s19  }
0x9c: {  	s7 =	simm.s32 $0x0;
	s20 =	sshll.u32 s5, $0x1;
	s5 =	sadd.s32 s21, s3  }
0x9d: {  	[timem:s7], [sflag:s22] =	dma.local [hbm:s5], s20  }
0x9e: {  	_ =	swait.ge [sflag:s22], s20  }
0x9f: {  	s4 =	ssub.s32 $0x0, s20;
	[sflag:s22] =	ssyncset.done $0x0  }
0xa0: {  	[sflag:s22] =	ssyncadd.s32 s4;
	_ =	sdelay $0x1  }
0xa1: {  	s23 =	simm.s32 $0x1B8B  }
0xa2: {  	_ =	swait.ge [sflag:s23], $0x1  }
0xa3: {  	[sflag:s23] =	ssyncset.done $0x0  }
0xa4: {  	s25 =	simm.s32 $0x1B8E;
	s24 =	sld [smem:$0x3FFE];
	[sflag:s23] =	ssyncadd.s32 $0xFFFFFFFF  }
0xa5: {  	s26 =	simm.s32 $execute0_lowered;
	[smem:$0x3FD2] =	sst s25  }
0xa6: {  	s5 =	sshll.u32 s26, $0x1;
	_ =	strace $0x80000046;
	[dreg:$0x1] =	wrdreg $0xFFFFFFFF  }
0xa7: {  	s28 =	simm.s32 $_size_execute0_lowered;
	s3 =	sadd.s32 s3, s5;
	[dreg:$0x0] =	wrdreg $0x0  }
0xa8: {  	s5 =	sshll.u32 s28, $0x1;
	[dreg:$0x2] =	wrdreg s3  }
0xa9: {  	[dreg:$0x3] =	wrdreg s5  }
0xaa: {  	[dreg:$0x4] =	wrdreg $0xC0  }
0xab: {  	_ =	task [dreg:s7], $0x5FFFF  }
0xac: {  	[dreg:$0x1] =	wrdreg $0xFFFFFFFF  }
0xad: {  	[dreg:$0x0] =	wrdreg $0x60  }
0xae: {  	[dreg:$0x2] =	wrdreg s24  }
0xaf: {  	[dreg:$0x3] =	wrdreg s2  }
0xb0: {  	[dreg:$0x4] =	wrdreg $0x9  }
0xb1: {  	_ =	task.clear_ibuf [dreg:s7], $0x5FFFF;
	_ =	strace $0x90000046  }
0xb2: {  	s29 =	simm.s32 $0x9;
	_ =	strace $0x80000048  }
0xb3: {  	_ =	swait.ge [sflag:s29], $0x1  }
0xb4: {  	[sflag:s29] =	ssyncadd.s32 $0xFFFFFFFF  }
0xb5: {  	_ =	strace $0x90000048  }
0xb6: {  	_ =	sfence  }
0xb7: {  	s30 =	sld [smem:$0x0];
	_ =	sdelay $0x2  }
0xb8: {  	s31 =	sshll.u32 s1, $0xD;
	s1 =	sshrl.u32 s1, $0x2  }
0xb9: {  	s3 =	sand.u32 $0x4000, s31;
	s1 =	sadd.s32 s1, s30  }
0xba: {  	s0 =	sor.u32 s3, s0;
	s1 =	sshll.u32 s1, $0x11  }
0xbb: {  	s0 =	sor.u32 s1, s0  }
0xbc: {  	s0 =	sadd.s32 $0x8F2B, s0  }
0xbd: {  	[sflag:s0] =	ssyncadd.remote.s32 $0x1  }
0xbe: {  	_ =	sfence.sel $0xFFFF  }
0xbf: {  	[dreg:$0x0] =	wrdreg $0xFFFFFFFF;
	(pc) =	sbr.abs _section_cstart, $3  }
0xc0: {  	[dreg:$0x1] =	wrdreg $0xFFFFFFFF  }
0xc1: {  	_ =	task.clear_ibuf [dreg:s7], $0x2FFFF;
	_ =	strace $0x9FFFFFFF  }
0xc2: {  	(tm) =	ssettm $0x7FFFFFFF  }
0xc3: {  	_ =	shalt  }
tec
execute0_lowered:
.L_overlay_start_1:
0x0: {  	(tag) =	ssettag $0x1  }
0x1: {  	s1 =	rddreg [dreg:$0x0]  }
0x2: {  	s3 =	rddreg [dreg:$0x1];
	s31 =	simm.s32 $0x0  }
0x3: {  	s12 =	simm.s32 $0x100;
	[smem:$0x7FF] =	sst s31  }
0x4: {  	s13 =	simm.s32 $0x180;
	_ =	strace $0x80000047;
	[dreg:$0x9] =	wrdreg s12  }
0x5: {  	s14 =	simm.s32 $0x200;
	[dreg:$0xa] =	wrdreg s13  }
0x6: {  	s15 =	simm.s32 $0x280;
	[dreg:$0xb] =	wrdreg s14  }
0x7: {  	s16 =	simm.s32 $0x300;
	[dreg:$0xc] =	wrdreg s15  }
0x8: {  	s18 =	simm.s32 $0x380;
	[dreg:$0xd] =	wrdreg s16  }
0x9: {  	s19 =	simm.s32 $0x400;
	[dreg:$0xe] =	wrdreg s18  }
0xa: {  	s20 =	simm.s32 $0x480;
	[dreg:$0xf] =	wrdreg s19  }
0xb: {  	s21 =	simm.s32 $0x500;
	[dreg:$0x10] =	wrdreg s20  }
0xc: {  	s22 =	simm.s32 $0x580;
	[dreg:$0x11] =	wrdreg s21  }
0xd: {  	s23 =	simm.s32 $0x600;
	[dreg:$0x12] =	wrdreg s22  }
0xe: {  	s0 =	srdreg.scid;
	s24 =	simm.s32 $0x680;
	[dreg:$0x13] =	wrdreg s23  }
0xf: {  	s17 =	stileid.u32;
	s25 =	simm.s32 $0x700;
	[dreg:$0x14] =	wrdreg s24  }
0x10: {  	s26 =	simm.s32 $0x780;
	s29 =	simm.s32 $0x1280;
	[dreg:$0x15] =	wrdreg s25  }
0x11: {  	s30 =	simm.s32 $0x1300;
	[dreg:$0x16] =	wrdreg s26;
	s12 =	simm.s32 $0xB80  }
0x12: {  	p0 =	por $0x0, $0x0;
	s13 =	simm.s32 $0xC00;
	[dreg:$0x1e] =	wrdreg s12  }
0x13: {  	s28 =	simm.s32 $0x1880;
	s14 =	simm.s32 $0xC80;
	[dreg:$0x1f] =	wrdreg s13  }
0x14: {  	s0 =	sand.u32 $0x1, s0;
	s15 =	simm.s32 $0xD00;
	[smem:$0x7F2] =	sst s14  }
0x15: {  	s2 =	sshll.u32 s17, $0x1;
	s16 =	simm.s32 $0xD80;
	[smem:$0x7F3] =	sst s15  }
0x16: {  	s6 =	sadd.s32 $0xF42C00, s1;
	s18 =	simm.s32 $0xE00;
	[smem:$0x7F4] =	sst s16  }
0x17: {  	s2 =	sor.u32 s0, s2;
	s19 =	simm.s32 $0xE80;
	[smem:$0x7F5] =	sst s18  }
0x18: {  	s0 =	ssub.s32 $0x2, s0;
	s20 =	simm.s32 $0xF00;
	[smem:$0x7F6] =	sst s19  }
0x19: {  	s21 =	simm.s32 $0xF80;
	s22 =	simm.s32 $0x1000;
	[smem:$0x7F7] =	sst s20  }
0x1a: {  	s23 =	simm.s32 $0x1080;
	s24 =	simm.s32 $0x1100;
	[smem:$0x7F8] =	sst s21  }
0x1b: {  	s25 =	simm.s32 $0x1180;
	s4 =	smul.u32 $0x320, s2;
	[smem:$0x7F9] =	sst s22  }
0x1c: {  	s26 =	simm.s32 $0x1200;
	s5 =	smul.u32 $0xC8000, s2;
	[smem:$0x7FA] =	sst s23  }
0x1d: {  	s2 =	smul.u32 $0x19000, s2;
	s12 =	simm.s32 $0x6900;
	[smem:$0x7FB] =	sst s24  }
0x1e: {  	s13 =	simm.s32 $0x7900;
	s14 =	simm.s32 $0x8900;
	[smem:$0x7FC] =	sst s25  }
0x1f: {  	s15 =	simm.s32 $0x9900;
	s16 =	simm.s32 $0xA900;
	[smem:$0x7FD] =	sst s26  }
0x20: {  	s18 =	simm.s32 $0x1380;
	s19 =	simm.s32 $0x1480;
	s20 =	simm.s32 $0x1500  }
0x21: {  	s21 =	simm.s32 $0x1580;
	s22 =	simm.s32 $0x1600;
	s23 =	simm.s32 $0x1680  }
0x22: {  	s24 =	simm.s32 $0x1700;
	s25 =	simm.s32 $0x1780;
	s3 =	sadd.s32 s3, s4  }
0x23: {  	s26 =	simm.s32 $0x1800;
	s2 =	sadd.s32 s6, s2;
	[dreg:$0x3] =	wrdreg s3  }
0x24: {  	s5 =	sshrl.u32 s5, $0x3;
	s4 =	simm.s32 $0x880;
	[dreg:$0x4] =	wrdreg s2  }
0x25: {  	s7 =	sadd.s32 s6, s5;
	s3 =	simm.s32 $0x800;
	[dreg:$0x18] =	wrdreg s4  }
0x26: {  	s5 =	sadd.s32 $0x800, s1;
	s6 =	simm.s32 $0x900;
	[dreg:$0x17] =	wrdreg s3  }
0x27: {  	s2 =	simm.s32 $0x2;
	s8 =	sadd.s32 $0x5000, s7;
	[dreg:$0x19] =	wrdreg s6  }
0x28: {  	s4 =	simm.s32 $0x1900;
	s9 =	sadd.s32 $0xA000, s7;
	[dreg:$0x5] =	wrdreg s8  }
0x29: {  	s10 =	sadd.s32 $0xF000, s7;
	[dreg:$0x6] =	wrdreg s9;
	s8 =	sshrl.u32 s0, $0x1  }
0x2a: {  	s11 =	sadd.s32 $0x14000, s7;
	[dreg:$0x7] =	wrdreg s10;
	s0 =	ssub.s32 s0, s8  }
0x2b: {  	s7 =	simm.s32 $0x980;
	[dreg:$0x8] =	wrdreg s11;
	s0 =	smax.u32 s0, $0x1  }
0x2c: {  	[dreg:$0x1a] =	wrdreg s7;
	s9 =	simm.s32 $0xA00;
	p1 =	sne.s32 s0, $0x1  }
.Ltmp0:
0x2d: {  	s10 =	simm.s32 $0xA80;
	[dreg:$0x1b] =	wrdreg s9;
	(pc) =	sbr.rel @!p1 .LBB2_1-.Ltmp0, $4  }
0x2e: {  	s3 =	simm.s32 $0x80;
	s11 =	simm.s32 $0xB00;
	[dreg:$0x1c] =	wrdreg s10  }
0x2f: {  	s6 =	simm.s32 $0x1;
	s7 =	simm.s32 $0x20;
	[dreg:$0x1d] =	wrdreg s11  }
0x30: {  	s8 =	simm.s32 $0x2900;
	s9 =	simm.s32 $0x3900;
	s10 =	simm.s32 $0x4900  }
0x31: {  	s11 =	simm.s32 $0x5900;
	s1 =	sadd.s32 $0xFFFFFFFF, s0;
	s0 =	rddreg [dreg:$0x3]  }
0x32: {  	[tilespmem:s31], [sflag:$0x2] =	stream.linear.gather [hbm4b:s0+s31], $0x1900, $0x38;
	[tilespmem:$0xB900] =	vst v63  }
0x33: {  	_ =	swait.ge [sflag:s2], $0x1900  }
0x34: {  	[sflag:s2] =	ssyncset.done $0x0  }
0x35: {  	[sflag:s2] =	ssyncadd.s32 $0xFFFFE700  }
0x36: {  	[tilespmem:s4], [sflag:$0x1] =	stream.indirect.gather [hbm4b:s5+s3], $0x20, s31, s3, $0xb8;
	[tilespmem:$0xB900] =	vst v63  }
0x37: {  	_ = 	snop  }
0x38: {  	[tilespmem:s8], [sflag:$0x1] =	stream.indirect.gather [hbm4b:s5+s3], $0x20, s3, s3, $0xb8;
	[tilespmem:$0xB900] =	vst v63  }
0x39: {  	s0 =	rddreg [dreg:$0x9]  }
0x3a: {  	[tilespmem:s9], [sflag:$0x1] =	stream.indirect.gather [hbm4b:s5+s3], $0x20, s0, s3, $0xb8;
	[tilespmem:$0xB900] =	vst v63  }
0x3b: {  	s17 =	smov.u32 s1;
	s1 =	rddreg [dreg:$0xa]  }
0x3c: {  	[tilespmem:s10], [sflag:$0x1] =	stream.indirect.gather [hbm4b:s5+s3], $0x20, s1, s3, $0xb8;
	[tilespmem:$0xB900] =	vst v63  }
0x3d: {  	s0 =	rddreg [dreg:$0xb]  }
0x3e: {  	[tilespmem:s11], [sflag:$0x1] =	stream.indirect.gather [hbm4b:s5+s3], $0x20, s0, s3, $0xb8;
	[tilespmem:$0xB900] =	vst v63  }
0x3f: {  	s1 =	rddreg [dreg:$0xc]  }
0x40: {  	[tilespmem:s12], [sflag:$0x1] =	stream.indirect.gather [hbm4b:s5+s3], $0x20, s1, s3, $0xb8;
	[tilespmem:$0xB900] =	vst v63  }
0x41: {  	s0 =	rddreg [dreg:$0xd]  }
0x42: {  	[tilespmem:s13], [sflag:$0x1] =	stream.indirect.gather [hbm4b:s5+s3], $0x20, s0, s3, $0xb8;
	[tilespmem:$0xB900] =	vst v63  }
0x43: {  	s1 =	rddreg [dreg:$0xe]  }
0x44: {  	[tilespmem:s14], [sflag:$0x1] =	stream.indirect.gather [hbm4b:s5+s3], $0x20, s1, s3, $0xb8;
	[tilespmem:$0xB900] =	vst v63  }
0x45: {  	s0 =	rddreg [dreg:$0xf]  }
0x46: {  	[tilespmem:s15], [sflag:$0x1] =	stream.indirect.gather [hbm4b:s5+s3], $0x20, s0, s3, $0xb8;
	[tilespmem:$0xB900] =	vst v63  }
0x47: {  	s1 =	rddreg [dreg:$0x10]  }
0x48: {  	[tilespmem:s16], [sflag:$0x1] =	stream.indirect.gather [hbm4b:s5+s3], $0x20, s1, s3, $0xb8;
	[tilespmem:$0xB900] =	vst v63  }
0x49: {  	_ =	swait.ge [sflag:s6], $0x1000  }
0x4a: {  	[sflag:s6] =	ssyncset.done $0x0  }
0x4b: {  	[sflag:s6] =	ssyncadd.s32 $0xFFFFF000  }
0x4c: {  	_ =	swait.ge [sflag:s6], $0x1000  }
0x4d: {  	[sflag:s6] =	ssyncset.done $0x0  }
0x4e: {  	[sflag:s6] =	ssyncadd.s32 $0xFFFFF000  }
0x4f: {  	_ =	swait.ge [sflag:s6], $0x1000  }
0x50: {  	[sflag:s6] =	ssyncset.done $0x0  }
0x51: {  	[sflag:s6] =	ssyncadd.s32 $0xFFFFF000  }
0x52: {  	_ =	swait.ge [sflag:s6], $0x1000  }
0x53: {  	[sflag:s6] =	ssyncset.done $0x0  }
0x54: {  	[sflag:s6] =	ssyncadd.s32 $0xFFFFF000  }
0x55: {  	_ =	swait.ge [sflag:s6], $0x1000  }
0x56: {  	[sflag:s6] =	ssyncset.done $0x0  }
0x57: {  	[sflag:s6] =	ssyncadd.s32 $0xFFFFF000  }
0x58: {  	_ =	swait.ge [sflag:s6], $0x1000  }
0x59: {  	[sflag:s6] =	ssyncset.done $0x0  }
0x5a: {  	[sflag:s6] =	ssyncadd.s32 $0xFFFFF000  }
0x5b: {  	_ =	swait.ge [sflag:s6], $0x1000  }
0x5c: {  	[sflag:s6] =	ssyncset.done $0x0  }
0x5d: {  	[sflag:s6] =	ssyncadd.s32 $0xFFFFF000  }
0x5e: {  	_ =	swait.ge [sflag:s6], $0x1000  }
0x5f: {  	[sflag:s6] =	ssyncset.done $0x0  }
0x60: {  	[sflag:s6] =	ssyncadd.s32 $0xFFFFF000  }
0x61: {  	_ =	swait.ge [sflag:s6], $0x1000  }
0x62: {  	[sflag:s6] =	ssyncset.done $0x0  }
0x63: {  	[sflag:s6] =	ssyncadd.s32 $0xFFFFF000  }
0x64: {  	_ =	swait.ge [sflag:s6], $0x1000  }
0x65: {  	[sflag:s6] =	ssyncset.done $0x0  }
0x66: {  	s1 =	rddreg [dreg:$0x4];
	[sflag:s6] =	ssyncadd.s32 $0xFFFFF000  }
0x67: {  	[hbm4b:s1+s7] =	stream.strided.scatter [tilespmem:s4], [sflag:$0x2], $0xA000, s3, s7, $0x38;
	[tilespmem:$0xB900] =	vst v63  }
0x68: {  	_ =	swait.ge [sflag:s2], $0xA000  }
0x69: {  	[sflag:s2] =	ssyncset.done $0x0  }
0x6a: {  	s0 =	rddreg [dreg:$0x11];
	[sflag:s2] =	ssyncadd.s32 $0xFFFF6000  }
0x6b: {  	[tilespmem:s4], [sflag:$0x1] =	stream.indirect.gather [hbm4b:s5+s3], $0x20, s0, s3, $0xb8;
	[tilespmem:$0xB900] =	vst v63  }
0x6c: {  	s1 =	rddreg [dreg:$0x12]  }
0x6d: {  	[tilespmem:s8], [sflag:$0x1] =	stream.indirect.gather [hbm4b:s5+s3], $0x20, s1, s3, $0xb8;
	[tilespmem:$0xB900] =	vst v63  }
0x6e: {  	s0 =	rddreg [dreg:$0x13]  }
0x6f: {  	[tilespmem:s9], [sflag:$0x1] =	stream.indirect.gather [hbm4b:s5+s3], $0x20, s0, s3, $0xb8;
	[tilespmem:$0xB900] =	vst v63  }
0x70: {  	s1 =	rddreg [dreg:$0x14]  }
0x71: {  	[tilespmem:s10], [sflag:$0x1] =	stream.indirect.gather [hbm4b:s5+s3], $0x20, s1, s3, $0xb8;
	[tilespmem:$0xB900] =	vst v63  }
0x72: {  	s0 =	rddreg [dreg:$0x15]  }
0x73: {  	[tilespmem:s11], [sflag:$0x1] =	stream.indirect.gather [hbm4b:s5+s3], $0x20, s0, s3, $0xb8;
	[tilespmem:$0xB900] =	vst v63  }
0x74: {  	s1 =	rddreg [dreg:$0x16]  }
0x75: {  	[tilespmem:s12], [sflag:$0x1] =	stream.indirect.gather [hbm4b:s5+s3], $0x20, s1, s3, $0xb8;
	[tilespmem:$0xB900] =	vst v63  }
0x76: {  	s0 =	rddreg [dreg:$0x17]  }
0x77: {  	[tilespmem:s13], [sflag:$0x1] =	stream.indirect.gather [hbm4b:s5+s3], $0x20, s0, s3, $0xb8;
	[tilespmem:$0xB900] =	vst v63  }
0x78: {  	s1 =	rddreg [dreg:$0x18]  }
0x79: {  	[tilespmem:s14], [sflag:$0x1] =	stream.indirect.gather [hbm4b:s5+s3], $0x20, s1, s3, $0xb8;
	[tilespmem:$0xB900] =	vst v63  }
0x7a: {  	s0 =	rddreg [dreg:$0x19]  }
0x7b: {  	[tilespmem:s15], [sflag:$0x1] =	stream.indirect.gather [hbm4b:s5+s3], $0x20, s0, s3, $0xb8;
	[tilespmem:$0xB900] =	vst v63  }
0x7c: {  	s1 =	rddreg [dreg:$0x1a]  }
0x7d: {  	[tilespmem:s16], [sflag:$0x1] =	stream.indirect.gather [hbm4b:s5+s3], $0x20, s1, s3, $0xb8;
	[tilespmem:$0xB900] =	vst v63  }
0x7e: {  	_ =	swait.ge [sflag:s6], $0x1000  }
0x7f: {  	[sflag:s6] =	ssyncset.done $0x0  }
0x80: {  	[sflag:s6] =	ssyncadd.s32 $0xFFFFF000  }
0x81: {  	_ =	swait.ge [sflag:s6], $0x1000  }
0x82: {  	[sflag:s6] =	ssyncset.done $0x0  }
0x83: {  	[sflag:s6] =	ssyncadd.s32 $0xFFFFF000  }
0x84: {  	_ =	swait.ge [sflag:s6], $0x1000  }
0x85: {  	[sflag:s6] =	ssyncset.done $0x0  }
0x86: {  	[sflag:s6] =	ssyncadd.s32 $0xFFFFF000  }
0x87: {  	_ =	swait.ge [sflag:s6], $0x1000  }
0x88: {  	[sflag:s6] =	ssyncset.done $0x0  }
0x89: {  	[sflag:s6] =	ssyncadd.s32 $0xFFFFF000  }
0x8a: {  	_ =	swait.ge [sflag:s6], $0x1000  }
0x8b: {  	[sflag:s6] =	ssyncset.done $0x0  }
0x8c: {  	[sflag:s6] =	ssyncadd.s32 $0xFFFFF000  }
0x8d: {  	_ =	swait.ge [sflag:s6], $0x1000  }
0x8e: {  	[sflag:s6] =	ssyncset.done $0x0  }
0x8f: {  	[sflag:s6] =	ssyncadd.s32 $0xFFFFF000  }
0x90: {  	_ =	swait.ge [sflag:s6], $0x1000  }
0x91: {  	[sflag:s6] =	ssyncset.done $0x0  }
0x92: {  	[sflag:s6] =	ssyncadd.s32 $0xFFFFF000  }
0x93: {  	_ =	swait.ge [sflag:s6], $0x1000  }
0x94: {  	[sflag:s6] =	ssyncset.done $0x0  }
0x95: {  	[sflag:s6] =	ssyncadd.s32 $0xFFFFF000  }
0x96: {  	_ =	swait.ge [sflag:s6], $0x1000  }
0x97: {  	[sflag:s6] =	ssyncset.done $0x0  }
0x98: {  	[sflag:s6] =	ssyncadd.s32 $0xFFFFF000  }
0x99: {  	_ =	swait.ge [sflag:s6], $0x1000  }
0x9a: {  	[sflag:s6] =	ssyncset.done $0x0  }
0x9b: {  	s1 =	rddreg [dreg:$0x5];
	[sflag:s6] =	ssyncadd.s32 $0xFFFFF000  }
0x9c: {  	[hbm4b:s1+s7] =	stream.strided.scatter [tilespmem:s4], [sflag:$0x2], $0xA000, s3, s7, $0x38;
	[tilespmem:$0xB900] =	vst v63  }
0x9d: {  	_ =	swait.ge [sflag:s2], $0xA000  }
0x9e: {  	s0 =	rddreg [dreg:$0x1b];
	[sflag:s2] =	ssyncset.done $0x0  }
0x9f: {  	s1 =	rddreg [dreg:$0x1c];
	[sflag:s2] =	ssyncadd.s32 $0xFFFF6000  }
0xa0: {  	[tilespmem:s4], [sflag:$0x1] =	stream.indirect.gather [hbm4b:s5+s3], $0x20, s0, s3, $0xb8;
	[tilespmem:$0xB900] =	vst v63  }
0xa1: {  	s0 =	rddreg [dreg:$0x1d]  }
0xa2: {  	[tilespmem:s8], [sflag:$0x1] =	stream.indirect.gather [hbm4b:s5+s3], $0x20, s1, s3, $0xb8;
	[tilespmem:$0xB900] =	vst v63  }
0xa3: {  	s1 =	rddreg [dreg:$0x1e]  }
0xa4: {  	[tilespmem:s9], [sflag:$0x1] =	stream.indirect.gather [hbm4b:s5+s3], $0x20, s0, s3, $0xb8;
	[tilespmem:$0xB900] =	vst v63  }
0xa5: {  	s0 =	rddreg [dreg:$0x1f]  }
0xa6: {  	[tilespmem:s10], [sflag:$0x1] =	stream.indirect.gather [hbm4b:s5+s3], $0x20, s1, s3, $0xb8;
	[tilespmem:$0xB900] =	vst v63  }
0xa7: {  	s1 =	sld [smem:$0x7F2]  }
0xa8: {  	[tilespmem:s11], [sflag:$0x1] =	stream.indirect.gather [hbm4b:s5+s3], $0x20, s0, s3, $0xb8;
	[tilespmem:$0xB900] =	vst v63  }
0xa9: {  	s0 =	sld [smem:$0x7F3]  }
0xaa: {  	[tilespmem:s12], [sflag:$0x1] =	stream.indirect.gather [hbm4b:s5+s3], $0x20, s1, s3, $0xb8;
	[tilespmem:$0xB900] =	vst v63  }
0xab: {  	s1 =	sld [smem:$0x7F4]  }
0xac: {  	[tilespmem:s13], [sflag:$0x1] =	stream.indirect.gather [hbm4b:s5+s3], $0x20, s0, s3, $0xb8;
	[tilespmem:$0xB900] =	vst v63  }
0xad: {  	s0 =	sld [smem:$0x7F5]  }
0xae: {  	[tilespmem:s14], [sflag:$0x1] =	stream.indirect.gather [hbm4b:s5+s3], $0x20, s1, s3, $0xb8;
	[tilespmem:$0xB900] =	vst v63  }
0xaf: {  	s1 =	sld [smem:$0x7F6]  }
0xb0: {  	[tilespmem:s15], [sflag:$0x1] =	stream.indirect.gather [hbm4b:s5+s3], $0x20, s0, s3, $0xb8;
	[tilespmem:$0xB900] =	vst v63  }
0xb1: {  	_ = 	snop  }
0xb2: {  	[tilespmem:s16], [sflag:$0x1] =	stream.indirect.gather [hbm4b:s5+s3], $0x20, s1, s3, $0xb8;
	[tilespmem:$0xB900] =	vst v63  }
0xb3: {  	_ =	swait.ge [sflag:s6], $0x1000  }
0xb4: {  	[sflag:s6] =	ssyncset.done $0x0  }
0xb5: {  	[sflag:s6] =	ssyncadd.s32 $0xFFFFF000  }
0xb6: {  	_ =	swait.ge [sflag:s6], $0x1000  }
0xb7: {  	[sflag:s6] =	ssyncset.done $0x0  }
0xb8: {  	[sflag:s6] =	ssyncadd.s32 $0xFFFFF000  }
0xb9: {  	_ =	swait.ge [sflag:s6], $0x1000  }
0xba: {  	[sflag:s6] =	ssyncset.done $0x0  }
0xbb: {  	[sflag:s6] =	ssyncadd.s32 $0xFFFFF000  }
0xbc: {  	_ =	swait.ge [sflag:s6], $0x1000  }
0xbd: {  	[sflag:s6] =	ssyncset.done $0x0  }
0xbe: {  	[sflag:s6] =	ssyncadd.s32 $0xFFFFF000  }
0xbf: {  	_ =	swait.ge [sflag:s6], $0x1000  }
0xc0: {  	[sflag:s6] =	ssyncset.done $0x0  }
0xc1: {  	[sflag:s6] =	ssyncadd.s32 $0xFFFFF000  }
0xc2: {  	_ =	swait.ge [sflag:s6], $0x1000  }
0xc3: {  	[sflag:s6] =	ssyncset.done $0x0  }
0xc4: {  	[sflag:s6] =	ssyncadd.s32 $0xFFFFF000  }
0xc5: {  	_ =	swait.ge [sflag:s6], $0x1000  }
0xc6: {  	[sflag:s6] =	ssyncset.done $0x0  }
0xc7: {  	[sflag:s6] =	ssyncadd.s32 $0xFFFFF000  }
0xc8: {  	_ =	swait.ge [sflag:s6], $0x1000  }
0xc9: {  	[sflag:s6] =	ssyncset.done $0x0  }
0xca: {  	[sflag:s6] =	ssyncadd.s32 $0xFFFFF000  }
0xcb: {  	_ =	swait.ge [sflag:s6], $0x1000  }
0xcc: {  	[sflag:s6] =	ssyncset.done $0x0  }
0xcd: {  	[sflag:s6] =	ssyncadd.s32 $0xFFFFF000  }
0xce: {  	_ =	swait.ge [sflag:s6], $0x1000  }
0xcf: {  	[sflag:s6] =	ssyncset.done $0x0  }
0xd0: {  	s1 =	rddreg [dreg:$0x6];
	[sflag:s6] =	ssyncadd.s32 $0xFFFFF000  }
0xd1: {  	[hbm4b:s1+s7] =	stream.strided.scatter [tilespmem:s4], [sflag:$0x2], $0xA000, s3, s7, $0x38;
	[tilespmem:$0xB900] =	vst v63  }
0xd2: {  	_ =	swait.ge [sflag:s2], $0xA000  }
0xd3: {  	s0 =	sld [smem:$0x7F7]  }
0xd4: {  	[sflag:s2] =	ssyncset.done $0x0  }
0xd5: {  	s1 =	sld [smem:$0x7F8];
	[sflag:s2] =	ssyncadd.s32 $0xFFFF6000  }
0xd6: {  	[tilespmem:s4], [sflag:$0x1] =	stream.indirect.gather [hbm4b:s5+s3], $0x20, s0, s3, $0xb8;
	[tilespmem:$0xB900] =	vst v63  }
0xd7: {  	s0 =	sld [smem:$0x7F9]  }
0xd8: {  	[tilespmem:s8], [sflag:$0x1] =	stream.indirect.gather [hbm4b:s5+s3], $0x20, s1, s3, $0xb8;
	[tilespmem:$0xB900] =	vst v63  }
0xd9: {  	s1 =	sld [smem:$0x7FA]  }
0xda: {  	[tilespmem:s9], [sflag:$0x1] =	stream.indirect.gather [hbm4b:s5+s3], $0x20, s0, s3, $0xb8;
	[tilespmem:$0xB900] =	vst v63  }
0xdb: {  	s0 =	sld [smem:$0x7FB]  }
0xdc: {  	[tilespmem:s10], [sflag:$0x1] =	stream.indirect.gather [hbm4b:s5+s3], $0x20, s1, s3, $0xb8;
	[tilespmem:$0xB900] =	vst v63  }
0xdd: {  	s1 =	sld [smem:$0x7FC]  }
0xde: {  	[tilespmem:s11], [sflag:$0x1] =	stream.indirect.gather [hbm4b:s5+s3], $0x20, s0, s3, $0xb8;
	[tilespmem:$0xB900] =	vst v63  }
0xdf: {  	s0 =	sld [smem:$0x7FD]  }
0xe0: {  	[tilespmem:s12], [sflag:$0x1] =	stream.indirect.gather [hbm4b:s5+s3], $0x20, s1, s3, $0xb8;
	[tilespmem:$0xB900] =	vst v63  }
0xe1: {  	_ = 	snop  }
0xe2: {  	[tilespmem:s13], [sflag:$0x1] =	stream.indirect.gather [hbm4b:s5+s3], $0x20, s0, s3, $0xb8;
	[tilespmem:$0xB900] =	vst v63  }
0xe3: {  	_ = 	snop  }
0xe4: {  	[tilespmem:s14], [sflag:$0x1] =	stream.indirect.gather [hbm4b:s5+s3], $0x20, s29, s3, $0xb8;
	[tilespmem:$0xB900] =	vst v63  }
0xe5: {  	_ = 	snop  }
0xe6: {  	[tilespmem:s15], [sflag:$0x1] =	stream.indirect.gather [hbm4b:s5+s3], $0x20, s30, s3, $0xb8;
	[tilespmem:$0xB900] =	vst v63  }
0xe7: {  	_ = 	snop  }
0xe8: {  	[tilespmem:s16], [sflag:$0x1] =	stream.indirect.gather [hbm4b:s5+s3], $0x20, s18, s3, $0xb8;
	[tilespmem:$0xB900] =	vst v63  }
0xe9: {  	_ =	swait.ge [sflag:s6], $0x1000  }
0xea: {  	[sflag:s6] =	ssyncset.done $0x0  }
0xeb: {  	[sflag:s6] =	ssyncadd.s32 $0xFFFFF000  }
0xec: {  	_ =	swait.ge [sflag:s6], $0x1000  }
0xed: {  	[sflag:s6] =	ssyncset.done $0x0  }
0xee: {  	[sflag:s6] =	ssyncadd.s32 $0xFFFFF000  }
0xef: {  	_ =	swait.ge [sflag:s6], $0x1000  }
0xf0: {  	[sflag:s6] =	ssyncset.done $0x0  }
0xf1: {  	[sflag:s6] =	ssyncadd.s32 $0xFFFFF000  }
0xf2: {  	_ =	swait.ge [sflag:s6], $0x1000  }
0xf3: {  	[sflag:s6] =	ssyncset.done $0x0  }
0xf4: {  	[sflag:s6] =	ssyncadd.s32 $0xFFFFF000  }
0xf5: {  	_ =	swait.ge [sflag:s6], $0x1000  }
0xf6: {  	[sflag:s6] =	ssyncset.done $0x0  }
0xf7: {  	[sflag:s6] =	ssyncadd.s32 $0xFFFFF000  }
0xf8: {  	_ =	swait.ge [sflag:s6], $0x1000  }
0xf9: {  	[sflag:s6] =	ssyncset.done $0x0  }
0xfa: {  	[sflag:s6] =	ssyncadd.s32 $0xFFFFF000  }
0xfb: {  	_ =	swait.ge [sflag:s6], $0x1000  }
0xfc: {  	[sflag:s6] =	ssyncset.done $0x0  }
0xfd: {  	[sflag:s6] =	ssyncadd.s32 $0xFFFFF000  }
0xfe: {  	_ =	swait.ge [sflag:s6], $0x1000  }
0xff: {  	[sflag:s6] =	ssyncset.done $0x0  }
0x100: {  	[sflag:s6] =	ssyncadd.s32 $0xFFFFF000  }
0x101: {  	_ =	swait.ge [sflag:s6], $0x1000  }
0x102: {  	[sflag:s6] =	ssyncset.done $0x0  }
0x103: {  	[sflag:s6] =	ssyncadd.s32 $0xFFFFF000  }
0x104: {  	_ =	swait.ge [sflag:s6], $0x1000  }
0x105: {  	[sflag:s6] =	ssyncset.done $0x0  }
0x106: {  	s1 =	rddreg [dreg:$0x7];
	[sflag:s6] =	ssyncadd.s32 $0xFFFFF000  }
0x107: {  	[hbm4b:s1+s7] =	stream.strided.scatter [tilespmem:s4], [sflag:$0x2], $0xA000, s3, s7, $0x38;
	[tilespmem:$0xB900] =	vst v63  }
0x108: {  	_ =	swait.ge [sflag:s2], $0xA000  }
0x109: {  	[sflag:s2] =	ssyncset.done $0x0  }
0x10a: {  	s1 =	simm.s32 $0x1400;
	[sflag:s2] =	ssyncadd.s32 $0xFFFF6000  }
0x10b: {  	[tilespmem:s4], [sflag:$0x1] =	stream.indirect.gather [hbm4b:s5+s3], $0x20, s1, s3, $0xb8;
	[tilespmem:$0xB900] =	vst v63  }
0x10c: {  	_ = 	snop  }
0x10d: {  	[tilespmem:s8], [sflag:$0x1] =	stream.indirect.gather [hbm4b:s5+s3], $0x20, s19, s3, $0xb8;
	[tilespmem:$0xB900] =	vst v63  }
0x10e: {  	_ = 	snop  }
0x10f: {  	[tilespmem:s9], [sflag:$0x1] =	stream.indirect.gather [hbm4b:s5+s3], $0x20, s20, s3, $0xb8;
	[tilespmem:$0xB900] =	vst v63  }
0x110: {  	_ = 	snop  }
0x111: {  	[tilespmem:s10], [sflag:$0x1] =	stream.indirect.gather [hbm4b:s5+s3], $0x20, s21, s3, $0xb8;
	[tilespmem:$0xB900] =	vst v63  }
0x112: {  	_ = 	snop  }
0x113: {  	[tilespmem:s11], [sflag:$0x1] =	stream.indirect.gather [hbm4b:s5+s3], $0x20, s22, s3, $0xb8;
	[tilespmem:$0xB900] =	vst v63  }
0x114: {  	_ = 	snop  }
0x115: {  	[tilespmem:s12], [sflag:$0x1] =	stream.indirect.gather [hbm4b:s5+s3], $0x20, s23, s3, $0xb8;
	[tilespmem:$0xB900] =	vst v63  }
0x116: {  	_ = 	snop  }
0x117: {  	[tilespmem:s13], [sflag:$0x1] =	stream.indirect.gather [hbm4b:s5+s3], $0x20, s24, s3, $0xb8;
	[tilespmem:$0xB900] =	vst v63  }
0x118: {  	_ = 	snop  }
0x119: {  	[tilespmem:s14], [sflag:$0x1] =	stream.indirect.gather [hbm4b:s5+s3], $0x20, s25, s3, $0xb8;
	[tilespmem:$0xB900] =	vst v63  }
0x11a: {  	_ = 	snop  }
0x11b: {  	[tilespmem:s15], [sflag:$0x1] =	stream.indirect.gather [hbm4b:s5+s3], $0x20, s26, s3, $0xb8;
	[tilespmem:$0xB900] =	vst v63  }
0x11c: {  	_ = 	snop  }
0x11d: {  	[tilespmem:s16], [sflag:$0x1] =	stream.indirect.gather [hbm4b:s5+s3], $0x20, s28, s3, $0xb8;
	[tilespmem:$0xB900] =	vst v63  }
0x11e: {  	_ =	swait.ge [sflag:s6], $0x1000  }
0x11f: {  	[sflag:s6] =	ssyncset.done $0x0  }
0x120: {  	[sflag:s6] =	ssyncadd.s32 $0xFFFFF000  }
0x121: {  	_ =	swait.ge [sflag:s6], $0x1000  }
0x122: {  	[sflag:s6] =	ssyncset.done $0x0  }
0x123: {  	[sflag:s6] =	ssyncadd.s32 $0xFFFFF000  }
0x124: {  	_ =	swait.ge [sflag:s6], $0x1000  }
0x125: {  	[sflag:s6] =	ssyncset.done $0x0  }
0x126: {  	[sflag:s6] =	ssyncadd.s32 $0xFFFFF000  }
0x127: {  	_ =	swait.ge [sflag:s6], $0x1000  }
0x128: {  	[sflag:s6] =	ssyncset.done $0x0  }
0x129: {  	[sflag:s6] =	ssyncadd.s32 $0xFFFFF000  }
0x12a: {  	_ =	swait.ge [sflag:s6], $0x1000  }
0x12b: {  	[sflag:s6] =	ssyncset.done $0x0  }
0x12c: {  	[sflag:s6] =	ssyncadd.s32 $0xFFFFF000  }
0x12d: {  	_ =	swait.ge [sflag:s6], $0x1000  }
0x12e: {  	[sflag:s6] =	ssyncset.done $0x0  }
0x12f: {  	[sflag:s6] =	ssyncadd.s32 $0xFFFFF000  }
0x130: {  	_ =	swait.ge [sflag:s6], $0x1000  }
0x131: {  	[sflag:s6] =	ssyncset.done $0x0  }
0x132: {  	[sflag:s6] =	ssyncadd.s32 $0xFFFFF000  }
0x133: {  	_ =	swait.ge [sflag:s6], $0x1000  }
0x134: {  	[sflag:s6] =	ssyncset.done $0x0  }
0x135: {  	[sflag:s6] =	ssyncadd.s32 $0xFFFFF000  }
0x136: {  	_ =	swait.ge [sflag:s6], $0x1000  }
0x137: {  	[sflag:s6] =	ssyncset.done $0x0  }
0x138: {  	[sflag:s6] =	ssyncadd.s32 $0xFFFFF000  }
0x139: {  	p1 =	sne.s32 s17, $0x1;
	_ =	swait.ge [sflag:s6], $0x1000  }
.Ltmp1:
0x13a: {  	[sflag:s6] =	ssyncset.done $0x0;
	(pc) =	sbr.rel @!p1 .LBB2_3-.Ltmp1, $4  }
0x13b: {  	s1 =	rddreg [dreg:$0x8];
	[sflag:s6] =	ssyncadd.s32 $0xFFFFF000  }
0x13c: {  	[hbm4b:s1+s7] =	stream.strided.scatter [tilespmem:s4], [sflag:$0x2], $0xA000, s3, s7, $0x38;
	[tilespmem:$0xB900] =	vst v63  }
0x13d: {  	p0 =	por $0x1, $0x1;
	_ =	swait.ge [sflag:s2], $0xA000  }
0x13e: {  	s1 =	sadd.s32 $0xFFFFFFFF, s17;
	s0 =	rddreg [dreg:$0x3];
	[sflag:s2] =	ssyncset.done $0x0  }
.LBB2_4:
0x13f: {  	[sflag:s2] =	ssyncadd.s32 $0xFFFF6000  }
0x140: {  	[tilespmem:s31], [sflag:$0x2] =	stream.linear.gather [hbm4b:s0+s31], $0x1900, $0x38;
	[tilespmem:$0xB900] =	vst v63  }
0x141: {  	_ =	swait.ge [sflag:s2], $0x1900  }
0x142: {  	[sflag:s2] =	ssyncset.done $0x0  }
0x143: {  	[sflag:s2] =	ssyncadd.s32 $0xFFFFE700  }
0x144: {  	[tilespmem:s4], [sflag:$0x1] =	stream.indirect.gather [hbm4b:s5+s3], $0x20, s31, s3, $0xb8;
	[tilespmem:$0xB900] =	vst v63  }
0x145: {  	_ = 	snop  }
0x146: {  	[tilespmem:s8], [sflag:$0x1] =	stream.indirect.gather [hbm4b:s5+s3], $0x20, s3, s3, $0xb8;
	[tilespmem:$0xB900] =	vst v63  }
0x147: {  	s0 =	rddreg [dreg:$0x9]  }
0x148: {  	[tilespmem:s9], [sflag:$0x1] =	stream.indirect.gather [hbm4b:s5+s3], $0x20, s0, s3, $0xb8;
	[tilespmem:$0xB900] =	vst v63  }
0x149: {  	s17 =	rddreg [dreg:$0xa]  }
0x14a: {  	[tilespmem:s10], [sflag:$0x1] =	stream.indirect.gather [hbm4b:s5+s3], $0x20, s17, s3, $0xb8;
	[tilespmem:$0xB900] =	vst v63  }
0x14b: {  	s0 =	rddreg [dreg:$0xb]  }
0x14c: {  	[tilespmem:s11], [sflag:$0x1] =	stream.indirect.gather [hbm4b:s5+s3], $0x20, s0, s3, $0xb8;
	[tilespmem:$0xB900] =	vst v63  }
0x14d: {  	s17 =	rddreg [dreg:$0xc]  }
0x14e: {  	[tilespmem:s12], [sflag:$0x1] =	stream.indirect.gather [hbm4b:s5+s3], $0x20, s17, s3, $0xb8;
	[tilespmem:$0xB900] =	vst v63  }
0x14f: {  	s0 =	rddreg [dreg:$0xd]  }
0x150: {  	[tilespmem:s13], [sflag:$0x1] =	stream.indirect.gather [hbm4b:s5+s3], $0x20, s0, s3, $0xb8;
	[tilespmem:$0xB900] =	vst v63  }
0x151: {  	s17 =	rddreg [dreg:$0xe]  }
0x152: {  	[tilespmem:s14], [sflag:$0x1] =	stream.indirect.gather [hbm4b:s5+s3], $0x20, s17, s3, $0xb8;
	[tilespmem:$0xB900] =	vst v63  }
0x153: {  	s0 =	rddreg [dreg:$0xf]  }
0x154: {  	[tilespmem:s15], [sflag:$0x1] =	stream.indirect.gather [hbm4b:s5+s3], $0x20, s0, s3, $0xb8;
	[tilespmem:$0xB900] =	vst v63  }
0x155: {  	s17 =	rddreg [dreg:$0x10]  }
0x156: {  	[tilespmem:s16], [sflag:$0x1] =	stream.indirect.gather [hbm4b:s5+s3], $0x20, s17, s3, $0xb8;
	[tilespmem:$0xB900] =	vst v63  }
0x157: {  	_ =	swait.ge [sflag:s6], $0x1000  }
0x158: {  	[sflag:s6] =	ssyncset.done $0x0  }
0x159: {  	[sflag:s6] =	ssyncadd.s32 $0xFFFFF000  }
0x15a: {  	_ =	swait.ge [sflag:s6], $0x1000  }
0x15b: {  	[sflag:s6] =	ssyncset.done $0x0  }
0x15c: {  	[sflag:s6] =	ssyncadd.s32 $0xFFFFF000  }
0x15d: {  	_ =	swait.ge [sflag:s6], $0x1000  }
0x15e: {  	[sflag:s6] =	ssyncset.done $0x0  }
0x15f: {  	[sflag:s6] =	ssyncadd.s32 $0xFFFFF000  }
0x160: {  	_ =	swait.ge [sflag:s6], $0x1000  }
0x161: {  	[sflag:s6] =	ssyncset.done $0x0  }
0x162: {  	[sflag:s6] =	ssyncadd.s32 $0xFFFFF000  }
0x163: {  	_ =	swait.ge [sflag:s6], $0x1000  }
0x164: {  	[sflag:s6] =	ssyncset.done $0x0  }
0x165: {  	[sflag:s6] =	ssyncadd.s32 $0xFFFFF000  }
0x166: {  	_ =	swait.ge [sflag:s6], $0x1000  }
0x167: {  	[sflag:s6] =	ssyncset.done $0x0  }
0x168: {  	[sflag:s6] =	ssyncadd.s32 $0xFFFFF000  }
0x169: {  	_ =	swait.ge [sflag:s6], $0x1000  }
0x16a: {  	[sflag:s6] =	ssyncset.done $0x0  }
0x16b: {  	[sflag:s6] =	ssyncadd.s32 $0xFFFFF000  }
0x16c: {  	_ =	swait.ge [sflag:s6], $0x1000  }
0x16d: {  	[sflag:s6] =	ssyncset.done $0x0  }
0x16e: {  	[sflag:s6] =	ssyncadd.s32 $0xFFFFF000  }
0x16f: {  	_ =	swait.ge [sflag:s6], $0x1000  }
0x170: {  	[sflag:s6] =	ssyncset.done $0x0  }
0x171: {  	[sflag:s6] =	ssyncadd.s32 $0xFFFFF000  }
0x172: {  	_ =	swait.ge [sflag:s6], $0x1000  }
0x173: {  	[sflag:s6] =	ssyncset.done $0x0  }
0x174: {  	s17 =	rddreg [dreg:$0x4];
	[sflag:s6] =	ssyncadd.s32 $0xFFFFF000  }
0x175: {  	[hbm4b:s17+s7] =	stream.strided.scatter [tilespmem:s4], [sflag:$0x2], $0xA000, s3, s7, $0x38;
	[tilespmem:$0xB900] =	vst v63  }
0x176: {  	_ =	swait.ge [sflag:s2], $0xA000  }
0x177: {  	[sflag:s2] =	ssyncset.done $0x0  }
0x178: {  	s0 =	rddreg [dreg:$0x11];
	[sflag:s2] =	ssyncadd.s32 $0xFFFF6000  }
0x179: {  	[tilespmem:s4], [sflag:$0x1] =	stream.indirect.gather [hbm4b:s5+s3], $0x20, s0, s3, $0xb8;
	[tilespmem:$0xB900] =	vst v63  }
0x17a: {  	s17 =	rddreg [dreg:$0x12]  }
0x17b: {  	[tilespmem:s8], [sflag:$0x1] =	stream.indirect.gather [hbm4b:s5+s3], $0x20, s17, s3, $0xb8;
	[tilespmem:$0xB900] =	vst v63  }
0x17c: {  	s0 =	rddreg [dreg:$0x13]  }
0x17d: {  	[tilespmem:s9], [sflag:$0x1] =	stream.indirect.gather [hbm4b:s5+s3], $0x20, s0, s3, $0xb8;
	[tilespmem:$0xB900] =	vst v63  }
0x17e: {  	s17 =	rddreg [dreg:$0x14]  }
0x17f: {  	[tilespmem:s10], [sflag:$0x1] =	stream.indirect.gather [hbm4b:s5+s3], $0x20, s17, s3, $0xb8;
	[tilespmem:$0xB900] =	vst v63  }
0x180: {  	s0 =	rddreg [dreg:$0x15]  }
0x181: {  	[tilespmem:s11], [sflag:$0x1] =	stream.indirect.gather [hbm4b:s5+s3], $0x20, s0, s3, $0xb8;
	[tilespmem:$0xB900] =	vst v63  }
0x182: {  	s17 =	rddreg [dreg:$0x16]  }
0x183: {  	[tilespmem:s12], [sflag:$0x1] =	stream.indirect.gather [hbm4b:s5+s3], $0x20, s17, s3, $0xb8;
	[tilespmem:$0xB900] =	vst v63  }
0x184: {  	s0 =	rddreg [dreg:$0x17]  }
0x185: {  	[tilespmem:s13], [sflag:$0x1] =	stream.indirect.gather [hbm4b:s5+s3], $0x20, s0, s3, $0xb8;
	[tilespmem:$0xB900] =	vst v63  }
0x186: {  	s17 =	rddreg [dreg:$0x18]  }
0x187: {  	[tilespmem:s14], [sflag:$0x1] =	stream.indirect.gather [hbm4b:s5+s3], $0x20, s17, s3, $0xb8;
	[tilespmem:$0xB900] =	vst v63  }
0x188: {  	s0 =	rddreg [dreg:$0x19]  }
0x189: {  	[tilespmem:s15], [sflag:$0x1] =	stream.indirect.gather [hbm4b:s5+s3], $0x20, s0, s3, $0xb8;
	[tilespmem:$0xB900] =	vst v63  }
0x18a: {  	s17 =	rddreg [dreg:$0x1a]  }
0x18b: {  	[tilespmem:s16], [sflag:$0x1] =	stream.indirect.gather [hbm4b:s5+s3], $0x20, s17, s3, $0xb8;
	[tilespmem:$0xB900] =	vst v63  }
0x18c: {  	_ =	swait.ge [sflag:s6], $0x1000  }
0x18d: {  	[sflag:s6] =	ssyncset.done $0x0  }
0x18e: {  	[sflag:s6] =	ssyncadd.s32 $0xFFFFF000  }
0x18f: {  	_ =	swait.ge [sflag:s6], $0x1000  }
0x190: {  	[sflag:s6] =	ssyncset.done $0x0  }
0x191: {  	[sflag:s6] =	ssyncadd.s32 $0xFFFFF000  }
0x192: {  	_ =	swait.ge [sflag:s6], $0x1000  }
0x193: {  	[sflag:s6] =	ssyncset.done $0x0  }
0x194: {  	[sflag:s6] =	ssyncadd.s32 $0xFFFFF000  }
0x195: {  	_ =	swait.ge [sflag:s6], $0x1000  }
0x196: {  	[sflag:s6] =	ssyncset.done $0x0  }
0x197: {  	[sflag:s6] =	ssyncadd.s32 $0xFFFFF000  }
0x198: {  	_ =	swait.ge [sflag:s6], $0x1000  }
0x199: {  	[sflag:s6] =	ssyncset.done $0x0  }
0x19a: {  	[sflag:s6] =	ssyncadd.s32 $0xFFFFF000  }
0x19b: {  	_ =	swait.ge [sflag:s6], $0x1000  }
0x19c: {  	[sflag:s6] =	ssyncset.done $0x0  }
0x19d: {  	[sflag:s6] =	ssyncadd.s32 $0xFFFFF000  }
0x19e: {  	_ =	swait.ge [sflag:s6], $0x1000  }
0x19f: {  	[sflag:s6] =	ssyncset.done $0x0  }
0x1a0: {  	[sflag:s6] =	ssyncadd.s32 $0xFFFFF000  }
0x1a1: {  	_ =	swait.ge [sflag:s6], $0x1000  }
0x1a2: {  	[sflag:s6] =	ssyncset.done $0x0  }
0x1a3: {  	[sflag:s6] =	ssyncadd.s32 $0xFFFFF000  }
0x1a4: {  	_ =	swait.ge [sflag:s6], $0x1000  }
0x1a5: {  	[sflag:s6] =	ssyncset.done $0x0  }
0x1a6: {  	[sflag:s6] =	ssyncadd.s32 $0xFFFFF000  }
0x1a7: {  	_ =	swait.ge [sflag:s6], $0x1000  }
0x1a8: {  	[sflag:s6] =	ssyncset.done $0x0  }
0x1a9: {  	s17 =	rddreg [dreg:$0x5];
	[sflag:s6] =	ssyncadd.s32 $0xFFFFF000  }
0x1aa: {  	[hbm4b:s17+s7] =	stream.strided.scatter [tilespmem:s4], [sflag:$0x2], $0xA000, s3, s7, $0x38;
	[tilespmem:$0xB900] =	vst v63  }
0x1ab: {  	_ =	swait.ge [sflag:s2], $0xA000  }
0x1ac: {  	s0 =	rddreg [dreg:$0x1b];
	[sflag:s2] =	ssyncset.done $0x0  }
0x1ad: {  	s17 =	rddreg [dreg:$0x1c];
	[sflag:s2] =	ssyncadd.s32 $0xFFFF6000  }
0x1ae: {  	[tilespmem:s4], [sflag:$0x1] =	stream.indirect.gather [hbm4b:s5+s3], $0x20, s0, s3, $0xb8;
	[tilespmem:$0xB900] =	vst v63  }
0x1af: {  	s0 =	rddreg [dreg:$0x1d]  }
0x1b0: {  	[tilespmem:s8], [sflag:$0x1] =	stream.indirect.gather [hbm4b:s5+s3], $0x20, s17, s3, $0xb8;
	[tilespmem:$0xB900] =	vst v63  }
0x1b1: {  	s17 =	rddreg [dreg:$0x1e]  }
0x1b2: {  	[tilespmem:s9], [sflag:$0x1] =	stream.indirect.gather [hbm4b:s5+s3], $0x20, s0, s3, $0xb8;
	[tilespmem:$0xB900] =	vst v63  }
0x1b3: {  	s0 =	rddreg [dreg:$0x1f]  }
0x1b4: {  	[tilespmem:s10], [sflag:$0x1] =	stream.indirect.gather [hbm4b:s5+s3], $0x20, s17, s3, $0xb8;
	[tilespmem:$0xB900] =	vst v63  }
0x1b5: {  	s17 =	sld [smem:$0x7F2]  }
0x1b6: {  	[tilespmem:s11], [sflag:$0x1] =	stream.indirect.gather [hbm4b:s5+s3], $0x20, s0, s3, $0xb8;
	[tilespmem:$0xB900] =	vst v63  }
0x1b7: {  	s0 =	sld [smem:$0x7F3]  }
0x1b8: {  	[tilespmem:s12], [sflag:$0x1] =	stream.indirect.gather [hbm4b:s5+s3], $0x20, s17, s3, $0xb8;
	[tilespmem:$0xB900] =	vst v63  }
0x1b9: {  	s17 =	sld [smem:$0x7F4]  }
0x1ba: {  	[tilespmem:s13], [sflag:$0x1] =	stream.indirect.gather [hbm4b:s5+s3], $0x20, s0, s3, $0xb8;
	[tilespmem:$0xB900] =	vst v63  }
0x1bb: {  	s0 =	sld [smem:$0x7F5]  }
0x1bc: {  	[tilespmem:s14], [sflag:$0x1] =	stream.indirect.gather [hbm4b:s5+s3], $0x20, s17, s3, $0xb8;
	[tilespmem:$0xB900] =	vst v63  }
0x1bd: {  	s17 =	sld [smem:$0x7F6]  }
0x1be: {  	[tilespmem:s15], [sflag:$0x1] =	stream.indirect.gather [hbm4b:s5+s3], $0x20, s0, s3, $0xb8;
	[tilespmem:$0xB900] =	vst v63  }
0x1bf: {  	_ = 	snop  }
0x1c0: {  	[tilespmem:s16], [sflag:$0x1] =	stream.indirect.gather [hbm4b:s5+s3], $0x20, s17, s3, $0xb8;
	[tilespmem:$0xB900] =	vst v63  }
0x1c1: {  	_ =	swait.ge [sflag:s6], $0x1000  }
0x1c2: {  	[sflag:s6] =	ssyncset.done $0x0  }
0x1c3: {  	[sflag:s6] =	ssyncadd.s32 $0xFFFFF000  }
0x1c4: {  	_ =	swait.ge [sflag:s6], $0x1000  }
0x1c5: {  	[sflag:s6] =	ssyncset.done $0x0  }
0x1c6: {  	[sflag:s6] =	ssyncadd.s32 $0xFFFFF000  }
0x1c7: {  	_ =	swait.ge [sflag:s6], $0x1000  }
0x1c8: {  	[sflag:s6] =	ssyncset.done $0x0  }
0x1c9: {  	[sflag:s6] =	ssyncadd.s32 $0xFFFFF000  }
0x1ca: {  	_ =	swait.ge [sflag:s6], $0x1000  }
0x1cb: {  	[sflag:s6] =	ssyncset.done $0x0  }
0x1cc: {  	[sflag:s6] =	ssyncadd.s32 $0xFFFFF000  }
0x1cd: {  	_ =	swait.ge [sflag:s6], $0x1000  }
0x1ce: {  	[sflag:s6] =	ssyncset.done $0x0  }
0x1cf: {  	[sflag:s6] =	ssyncadd.s32 $0xFFFFF000  }
0x1d0: {  	_ =	swait.ge [sflag:s6], $0x1000  }
0x1d1: {  	[sflag:s6] =	ssyncset.done $0x0  }
0x1d2: {  	[sflag:s6] =	ssyncadd.s32 $0xFFFFF000  }
0x1d3: {  	_ =	swait.ge [sflag:s6], $0x1000  }
0x1d4: {  	[sflag:s6] =	ssyncset.done $0x0  }
0x1d5: {  	[sflag:s6] =	ssyncadd.s32 $0xFFFFF000  }
0x1d6: {  	_ =	swait.ge [sflag:s6], $0x1000  }
0x1d7: {  	[sflag:s6] =	ssyncset.done $0x0  }
0x1d8: {  	[sflag:s6] =	ssyncadd.s32 $0xFFFFF000  }
0x1d9: {  	_ =	swait.ge [sflag:s6], $0x1000  }
0x1da: {  	[sflag:s6] =	ssyncset.done $0x0  }
0x1db: {  	[sflag:s6] =	ssyncadd.s32 $0xFFFFF000  }
0x1dc: {  	_ =	swait.ge [sflag:s6], $0x1000  }
0x1dd: {  	[sflag:s6] =	ssyncset.done $0x0  }
0x1de: {  	s17 =	rddreg [dreg:$0x6];
	[sflag:s6] =	ssyncadd.s32 $0xFFFFF000  }
0x1df: {  	[hbm4b:s17+s7] =	stream.strided.scatter [tilespmem:s4], [sflag:$0x2], $0xA000, s3, s7, $0x38;
	[tilespmem:$0xB900] =	vst v63  }
0x1e0: {  	_ =	swait.ge [sflag:s2], $0xA000  }
0x1e1: {  	s0 =	sld [smem:$0x7F7]  }
0x1e2: {  	[sflag:s2] =	ssyncset.done $0x0  }
0x1e3: {  	s17 =	sld [smem:$0x7F8];
	[sflag:s2] =	ssyncadd.s32 $0xFFFF6000  }
0x1e4: {  	[tilespmem:s4], [sflag:$0x1] =	stream.indirect.gather [hbm4b:s5+s3], $0x20, s0, s3, $0xb8;
	[tilespmem:$0xB900] =	vst v63  }
0x1e5: {  	s0 =	sld [smem:$0x7F9]  }
0x1e6: {  	[tilespmem:s8], [sflag:$0x1] =	stream.indirect.gather [hbm4b:s5+s3], $0x20, s17, s3, $0xb8;
	[tilespmem:$0xB900] =	vst v63  }
0x1e7: {  	s17 =	sld [smem:$0x7FA]  }
0x1e8: {  	[tilespmem:s9], [sflag:$0x1] =	stream.indirect.gather [hbm4b:s5+s3], $0x20, s0, s3, $0xb8;
	[tilespmem:$0xB900] =	vst v63  }
0x1e9: {  	s0 =	sld [smem:$0x7FB]  }
0x1ea: {  	[tilespmem:s10], [sflag:$0x1] =	stream.indirect.gather [hbm4b:s5+s3], $0x20, s17, s3, $0xb8;
	[tilespmem:$0xB900] =	vst v63  }
0x1eb: {  	s17 =	sld [smem:$0x7FC]  }
0x1ec: {  	[tilespmem:s11], [sflag:$0x1] =	stream.indirect.gather [hbm4b:s5+s3], $0x20, s0, s3, $0xb8;
	[tilespmem:$0xB900] =	vst v63  }
0x1ed: {  	s0 =	sld [smem:$0x7FD]  }
0x1ee: {  	[tilespmem:s12], [sflag:$0x1] =	stream.indirect.gather [hbm4b:s5+s3], $0x20, s17, s3, $0xb8;
	[tilespmem:$0xB900] =	vst v63  }
0x1ef: {  	_ = 	snop  }
0x1f0: {  	[tilespmem:s13], [sflag:$0x1] =	stream.indirect.gather [hbm4b:s5+s3], $0x20, s0, s3, $0xb8;
	[tilespmem:$0xB900] =	vst v63  }
0x1f1: {  	_ = 	snop  }
0x1f2: {  	[tilespmem:s14], [sflag:$0x1] =	stream.indirect.gather [hbm4b:s5+s3], $0x20, s29, s3, $0xb8;
	[tilespmem:$0xB900] =	vst v63  }
0x1f3: {  	_ = 	snop  }
0x1f4: {  	[tilespmem:s15], [sflag:$0x1] =	stream.indirect.gather [hbm4b:s5+s3], $0x20, s30, s3, $0xb8;
	[tilespmem:$0xB900] =	vst v63  }
0x1f5: {  	_ = 	snop  }
0x1f6: {  	[tilespmem:s16], [sflag:$0x1] =	stream.indirect.gather [hbm4b:s5+s3], $0x20, s18, s3, $0xb8;
	[tilespmem:$0xB900] =	vst v63  }
0x1f7: {  	_ =	swait.ge [sflag:s6], $0x1000  }
0x1f8: {  	[sflag:s6] =	ssyncset.done $0x0  }
0x1f9: {  	[sflag:s6] =	ssyncadd.s32 $0xFFFFF000  }
0x1fa: {  	_ =	swait.ge [sflag:s6], $0x1000  }
0x1fb: {  	[sflag:s6] =	ssyncset.done $0x0  }
0x1fc: {  	[sflag:s6] =	ssyncadd.s32 $0xFFFFF000  }
0x1fd: {  	_ =	swait.ge [sflag:s6], $0x1000  }
0x1fe: {  	[sflag:s6] =	ssyncset.done $0x0  }
0x1ff: {  	[sflag:s6] =	ssyncadd.s32 $0xFFFFF000  }
0x200: {  	_ =	swait.ge [sflag:s6], $0x1000  }
0x201: {  	[sflag:s6] =	ssyncset.done $0x0  }
0x202: {  	[sflag:s6] =	ssyncadd.s32 $0xFFFFF000  }
0x203: {  	_ =	swait.ge [sflag:s6], $0x1000  }
0x204: {  	[sflag:s6] =	ssyncset.done $0x0  }
0x205: {  	[sflag:s6] =	ssyncadd.s32 $0xFFFFF000  }
0x206: {  	_ =	swait.ge [sflag:s6], $0x1000  }
0x207: {  	[sflag:s6] =	ssyncset.done $0x0  }
0x208: {  	[sflag:s6] =	ssyncadd.s32 $0xFFFFF000  }
0x209: {  	_ =	swait.ge [sflag:s6], $0x1000  }
0x20a: {  	[sflag:s6] =	ssyncset.done $0x0  }
0x20b: {  	[sflag:s6] =	ssyncadd.s32 $0xFFFFF000  }
0x20c: {  	_ =	swait.ge [sflag:s6], $0x1000  }
0x20d: {  	[sflag:s6] =	ssyncset.done $0x0  }
0x20e: {  	[sflag:s6] =	ssyncadd.s32 $0xFFFFF000  }
0x20f: {  	_ =	swait.ge [sflag:s6], $0x1000  }
0x210: {  	[sflag:s6] =	ssyncset.done $0x0  }
0x211: {  	[sflag:s6] =	ssyncadd.s32 $0xFFFFF000  }
0x212: {  	_ =	swait.ge [sflag:s6], $0x1000  }
0x213: {  	[sflag:s6] =	ssyncset.done $0x0  }
0x214: {  	s17 =	rddreg [dreg:$0x7];
	[sflag:s6] =	ssyncadd.s32 $0xFFFFF000  }
0x215: {  	[hbm4b:s17+s7] =	stream.strided.scatter [tilespmem:s4], [sflag:$0x2], $0xA000, s3, s7, $0x38;
	[tilespmem:$0xB900] =	vst v63  }
0x216: {  	_ =	swait.ge [sflag:s2], $0xA000  }
0x217: {  	[sflag:s2] =	ssyncset.done $0x0  }
0x218: {  	s17 =	simm.s32 $0x1400;
	[sflag:s2] =	ssyncadd.s32 $0xFFFF6000  }
0x219: {  	[tilespmem:s4], [sflag:$0x1] =	stream.indirect.gather [hbm4b:s5+s3], $0x20, s17, s3, $0xb8;
	[tilespmem:$0xB900] =	vst v63  }
0x21a: {  	_ = 	snop  }
0x21b: {  	[tilespmem:s8], [sflag:$0x1] =	stream.indirect.gather [hbm4b:s5+s3], $0x20, s19, s3, $0xb8;
	[tilespmem:$0xB900] =	vst v63  }
0x21c: {  	_ = 	snop  }
0x21d: {  	[tilespmem:s9], [sflag:$0x1] =	stream.indirect.gather [hbm4b:s5+s3], $0x20, s20, s3, $0xb8;
	[tilespmem:$0xB900] =	vst v63  }
0x21e: {  	_ = 	snop  }
0x21f: {  	[tilespmem:s10], [sflag:$0x1] =	stream.indirect.gather [hbm4b:s5+s3], $0x20, s21, s3, $0xb8;
	[tilespmem:$0xB900] =	vst v63  }
0x220: {  	_ = 	snop  }
0x221: {  	[tilespmem:s11], [sflag:$0x1] =	stream.indirect.gather [hbm4b:s5+s3], $0x20, s22, s3, $0xb8;
	[tilespmem:$0xB900] =	vst v63  }
0x222: {  	_ = 	snop  }
0x223: {  	[tilespmem:s12], [sflag:$0x1] =	stream.indirect.gather [hbm4b:s5+s3], $0x20, s23, s3, $0xb8;
	[tilespmem:$0xB900] =	vst v63  }
0x224: {  	_ = 	snop  }
0x225: {  	[tilespmem:s13], [sflag:$0x1] =	stream.indirect.gather [hbm4b:s5+s3], $0x20, s24, s3, $0xb8;
	[tilespmem:$0xB900] =	vst v63  }
0x226: {  	_ = 	snop  }
0x227: {  	[tilespmem:s14], [sflag:$0x1] =	stream.indirect.gather [hbm4b:s5+s3], $0x20, s25, s3, $0xb8;
	[tilespmem:$0xB900] =	vst v63  }
0x228: {  	_ = 	snop  }
0x229: {  	[tilespmem:s15], [sflag:$0x1] =	stream.indirect.gather [hbm4b:s5+s3], $0x20, s26, s3, $0xb8;
	[tilespmem:$0xB900] =	vst v63  }
0x22a: {  	_ = 	snop  }
0x22b: {  	[tilespmem:s16], [sflag:$0x1] =	stream.indirect.gather [hbm4b:s5+s3], $0x20, s28, s3, $0xb8;
	[tilespmem:$0xB900] =	vst v63  }
0x22c: {  	_ =	swait.ge [sflag:s6], $0x1000  }
0x22d: {  	[sflag:s6] =	ssyncset.done $0x0  }
0x22e: {  	[sflag:s6] =	ssyncadd.s32 $0xFFFFF000  }
0x22f: {  	_ =	swait.ge [sflag:s6], $0x1000  }
0x230: {  	[sflag:s6] =	ssyncset.done $0x0  }
0x231: {  	[sflag:s6] =	ssyncadd.s32 $0xFFFFF000  }
0x232: {  	_ =	swait.ge [sflag:s6], $0x1000  }
0x233: {  	[sflag:s6] =	ssyncset.done $0x0  }
0x234: {  	[sflag:s6] =	ssyncadd.s32 $0xFFFFF000  }
0x235: {  	_ =	swait.ge [sflag:s6], $0x1000  }
0x236: {  	[sflag:s6] =	ssyncset.done $0x0  }
0x237: {  	[sflag:s6] =	ssyncadd.s32 $0xFFFFF000  }
0x238: {  	_ =	swait.ge [sflag:s6], $0x1000  }
0x239: {  	[sflag:s6] =	ssyncset.done $0x0  }
0x23a: {  	[sflag:s6] =	ssyncadd.s32 $0xFFFFF000  }
0x23b: {  	_ =	swait.ge [sflag:s6], $0x1000  }
0x23c: {  	[sflag:s6] =	ssyncset.done $0x0  }
0x23d: {  	[sflag:s6] =	ssyncadd.s32 $0xFFFFF000  }
0x23e: {  	_ =	swait.ge [sflag:s6], $0x1000  }
0x23f: {  	[sflag:s6] =	ssyncset.done $0x0  }
0x240: {  	[sflag:s6] =	ssyncadd.s32 $0xFFFFF000  }
0x241: {  	_ =	swait.ge [sflag:s6], $0x1000  }
0x242: {  	[sflag:s6] =	ssyncset.done $0x0  }
0x243: {  	[sflag:s6] =	ssyncadd.s32 $0xFFFFF000  }
0x244: {  	_ =	swait.ge [sflag:s6], $0x1000  }
0x245: {  	[sflag:s6] =	ssyncset.done $0x0  }
0x246: {  	[sflag:s6] =	ssyncadd.s32 $0xFFFFF000  }
0x247: {  	p1 =	sne.s32 s1, $0x1;
	_ =	swait.ge [sflag:s6], $0x1000  }
.Ltmp2:
0x248: {  	[sflag:s6] =	ssyncset.done $0x0;
	(pc) =	sbr.rel @p1 .LBB2_4-.Ltmp2, $4  }
0x249: {  	s17 =	rddreg [dreg:$0x8];
	[sflag:s6] =	ssyncadd.s32 $0xFFFFF000  }
0x24a: {  	[hbm4b:s17+s7] =	stream.strided.scatter [tilespmem:s4], [sflag:$0x2], $0xA000, s3, s7, $0x38;
	[tilespmem:$0xB900] =	vst v63  }
0x24b: {  	_ =	swait.ge [sflag:s2], $0xA000  }
0x24c: {  	s1 =	sadd.s32 $0xFFFFFFFF, s1;
	s0 =	rddreg [dreg:$0x3];
	[sflag:s2] =	ssyncset.done $0x0  }
0x24d: {  	s28 =	simm.s32 $0x1380  }
0x24e: {  	s30 =	simm.s32 $0x1300;
	s29 =	simm.s32 $0x1280;
	s26 =	simm.s32 $0x1800  }
0x24f: {  	s25 =	simm.s32 $0x1780;
	s24 =	simm.s32 $0x1700;
	s23 =	simm.s32 $0x1680  }
0x250: {  	s22 =	simm.s32 $0x1600;
	s21 =	simm.s32 $0x1580;
	s20 =	simm.s32 $0x1500  }
0x251: {  	s19 =	simm.s32 $0x1480;
	s18 =	simm.s32 $0x1400;
	s17 =	stileid.u32  }
.LBB2_6:
0x252: {  	[sflag:s2] =	ssyncadd.s32 @p0 $0xFFFF6000  }
0x253: {  	[tilespmem:s31], [sflag:$0x2] =	stream.linear.gather [hbm4b:s0+s31], $0x1900, $0x38;
	[tilespmem:$0xB900] =	vst v63  }
0x254: {  	_ =	swait.ge [sflag:s2], $0x1900  }
0x255: {  	[sflag:s2] =	ssyncset.done $0x0  }
0x256: {  	[sflag:s2] =	ssyncadd.s32 $0xFFFFE700  }
0x257: {  	[tilespmem:s4], [sflag:$0x1] =	stream.indirect.gather [hbm4b:s5+s3], $0x20, s31, s3, $0xb8;
	[tilespmem:$0xB900] =	vst v63  }
0x258: {  	_ = 	snop  }
0x259: {  	[tilespmem:s8], [sflag:$0x1] =	stream.indirect.gather [hbm4b:s5+s3], $0x20, s3, s3, $0xb8;
	[tilespmem:$0xB900] =	vst v63  }
0x25a: {  	s31 =	rddreg [dreg:$0x9]  }
0x25b: {  	[tilespmem:s9], [sflag:$0x1] =	stream.indirect.gather [hbm4b:s5+s3], $0x20, s31, s3, $0xb8;
	[tilespmem:$0xB900] =	vst v63  }
0x25c: {  	s1 =	rddreg [dreg:$0xa]  }
0x25d: {  	[tilespmem:s10], [sflag:$0x1] =	stream.indirect.gather [hbm4b:s5+s3], $0x20, s1, s3, $0xb8;
	[tilespmem:$0xB900] =	vst v63  }
0x25e: {  	s0 =	rddreg [dreg:$0xb]  }
0x25f: {  	[tilespmem:s11], [sflag:$0x1] =	stream.indirect.gather [hbm4b:s5+s3], $0x20, s0, s3, $0xb8;
	[tilespmem:$0xB900] =	vst v63  }
0x260: {  	s31 =	rddreg [dreg:$0xc]  }
0x261: {  	[tilespmem:s12], [sflag:$0x1] =	stream.indirect.gather [hbm4b:s5+s3], $0x20, s31, s3, $0xb8;
	[tilespmem:$0xB900] =	vst v63  }
0x262: {  	s0 =	rddreg [dreg:$0xd]  }
0x263: {  	[tilespmem:s13], [sflag:$0x1] =	stream.indirect.gather [hbm4b:s5+s3], $0x20, s0, s3, $0xb8;
	[tilespmem:$0xB900] =	vst v63  }
0x264: {  	s31 =	rddreg [dreg:$0xe]  }
0x265: {  	[tilespmem:s14], [sflag:$0x1] =	stream.indirect.gather [hbm4b:s5+s3], $0x20, s31, s3, $0xb8;
	[tilespmem:$0xB900] =	vst v63  }
0x266: {  	s0 =	rddreg [dreg:$0xf]  }
0x267: {  	[tilespmem:s15], [sflag:$0x1] =	stream.indirect.gather [hbm4b:s5+s3], $0x20, s0, s3, $0xb8;
	[tilespmem:$0xB900] =	vst v63  }
0x268: {  	s31 =	rddreg [dreg:$0x10]  }
0x269: {  	[tilespmem:s16], [sflag:$0x1] =	stream.indirect.gather [hbm4b:s5+s3], $0x20, s31, s3, $0xb8;
	[tilespmem:$0xB900] =	vst v63  }
0x26a: {  	_ =	swait.ge [sflag:s6], $0x1000  }
0x26b: {  	[sflag:s6] =	ssyncset.done $0x0  }
0x26c: {  	[sflag:s6] =	ssyncadd.s32 $0xFFFFF000  }
0x26d: {  	_ =	swait.ge [sflag:s6], $0x1000  }
0x26e: {  	[sflag:s6] =	ssyncset.done $0x0  }
0x26f: {  	[sflag:s6] =	ssyncadd.s32 $0xFFFFF000  }
0x270: {  	_ =	swait.ge [sflag:s6], $0x1000  }
0x271: {  	[sflag:s6] =	ssyncset.done $0x0  }
0x272: {  	[sflag:s6] =	ssyncadd.s32 $0xFFFFF000  }
0x273: {  	_ =	swait.ge [sflag:s6], $0x1000  }
0x274: {  	[sflag:s6] =	ssyncset.done $0x0  }
0x275: {  	[sflag:s6] =	ssyncadd.s32 $0xFFFFF000  }
0x276: {  	_ =	swait.ge [sflag:s6], $0x1000  }
0x277: {  	[sflag:s6] =	ssyncset.done $0x0  }
0x278: {  	[sflag:s6] =	ssyncadd.s32 $0xFFFFF000  }
0x279: {  	_ =	swait.ge [sflag:s6], $0x1000  }
0x27a: {  	[sflag:s6] =	ssyncset.done $0x0  }
0x27b: {  	[sflag:s6] =	ssyncadd.s32 $0xFFFFF000  }
0x27c: {  	_ =	swait.ge [sflag:s6], $0x1000  }
0x27d: {  	[sflag:s6] =	ssyncset.done $0x0  }
0x27e: {  	[sflag:s6] =	ssyncadd.s32 $0xFFFFF000  }
0x27f: {  	_ =	swait.ge [sflag:s6], $0x1000  }
0x280: {  	[sflag:s6] =	ssyncset.done $0x0  }
0x281: {  	[sflag:s6] =	ssyncadd.s32 $0xFFFFF000  }
0x282: {  	_ =	swait.ge [sflag:s6], $0x1000  }
0x283: {  	[sflag:s6] =	ssyncset.done $0x0  }
0x284: {  	[sflag:s6] =	ssyncadd.s32 $0xFFFFF000  }
0x285: {  	_ =	swait.ge [sflag:s6], $0x1000  }
0x286: {  	[sflag:s6] =	ssyncset.done $0x0  }
0x287: {  	s31 =	rddreg [dreg:$0x4];
	[sflag:s6] =	ssyncadd.s32 $0xFFFFF000  }
0x288: {  	[hbm4b:s31+s7] =	stream.strided.scatter [tilespmem:s4], [sflag:$0x2], $0xA000, s3, s7, $0x38;
	[tilespmem:$0xB900] =	vst v63  }
0x289: {  	_ =	swait.ge [sflag:s2], $0xA000  }
0x28a: {  	[sflag:s2] =	ssyncset.done $0x0  }
0x28b: {  	s1 =	rddreg [dreg:$0x11];
	[sflag:s2] =	ssyncadd.s32 $0xFFFF6000  }
0x28c: {  	[tilespmem:s4], [sflag:$0x1] =	stream.indirect.gather [hbm4b:s5+s3], $0x20, s1, s3, $0xb8;
	[tilespmem:$0xB900] =	vst v63  }
0x28d: {  	s31 =	rddreg [dreg:$0x12]  }
0x28e: {  	[tilespmem:s8], [sflag:$0x1] =	stream.indirect.gather [hbm4b:s5+s3], $0x20, s31, s3, $0xb8;
	[tilespmem:$0xB900] =	vst v63  }
0x28f: {  	s0 =	rddreg [dreg:$0x13]  }
0x290: {  	[tilespmem:s9], [sflag:$0x1] =	stream.indirect.gather [hbm4b:s5+s3], $0x20, s0, s3, $0xb8;
	[tilespmem:$0xB900] =	vst v63  }
0x291: {  	s31 =	rddreg [dreg:$0x14]  }
0x292: {  	[tilespmem:s10], [sflag:$0x1] =	stream.indirect.gather [hbm4b:s5+s3], $0x20, s31, s3, $0xb8;
	[tilespmem:$0xB900] =	vst v63  }
0x293: {  	s0 =	rddreg [dreg:$0x15]  }
0x294: {  	[tilespmem:s11], [sflag:$0x1] =	stream.indirect.gather [hbm4b:s5+s3], $0x20, s0, s3, $0xb8;
	[tilespmem:$0xB900] =	vst v63  }
0x295: {  	s31 =	rddreg [dreg:$0x16]  }
0x296: {  	[tilespmem:s12], [sflag:$0x1] =	stream.indirect.gather [hbm4b:s5+s3], $0x20, s31, s3, $0xb8;
	[tilespmem:$0xB900] =	vst v63  }
0x297: {  	s0 =	rddreg [dreg:$0x17]  }
0x298: {  	[tilespmem:s13], [sflag:$0x1] =	stream.indirect.gather [hbm4b:s5+s3], $0x20, s0, s3, $0xb8;
	[tilespmem:$0xB900] =	vst v63  }
0x299: {  	s31 =	rddreg [dreg:$0x18]  }
0x29a: {  	[tilespmem:s14], [sflag:$0x1] =	stream.indirect.gather [hbm4b:s5+s3], $0x20, s31, s3, $0xb8;
	[tilespmem:$0xB900] =	vst v63  }
0x29b: {  	s0 =	rddreg [dreg:$0x19]  }
0x29c: {  	[tilespmem:s15], [sflag:$0x1] =	stream.indirect.gather [hbm4b:s5+s3], $0x20, s0, s3, $0xb8;
	[tilespmem:$0xB900] =	vst v63  }
0x29d: {  	s31 =	rddreg [dreg:$0x1a]  }
0x29e: {  	[tilespmem:s16], [sflag:$0x1] =	stream.indirect.gather [hbm4b:s5+s3], $0x20, s31, s3, $0xb8;
	[tilespmem:$0xB900] =	vst v63  }
0x29f: {  	_ =	swait.ge [sflag:s6], $0x1000  }
0x2a0: {  	[sflag:s6] =	ssyncset.done $0x0  }
0x2a1: {  	[sflag:s6] =	ssyncadd.s32 $0xFFFFF000  }
0x2a2: {  	_ =	swait.ge [sflag:s6], $0x1000  }
0x2a3: {  	[sflag:s6] =	ssyncset.done $0x0  }
0x2a4: {  	[sflag:s6] =	ssyncadd.s32 $0xFFFFF000  }
0x2a5: {  	_ =	swait.ge [sflag:s6], $0x1000  }
0x2a6: {  	[sflag:s6] =	ssyncset.done $0x0  }
0x2a7: {  	[sflag:s6] =	ssyncadd.s32 $0xFFFFF000  }
0x2a8: {  	_ =	swait.ge [sflag:s6], $0x1000  }
0x2a9: {  	[sflag:s6] =	ssyncset.done $0x0  }
0x2aa: {  	[sflag:s6] =	ssyncadd.s32 $0xFFFFF000  }
0x2ab: {  	_ =	swait.ge [sflag:s6], $0x1000  }
0x2ac: {  	[sflag:s6] =	ssyncset.done $0x0  }
0x2ad: {  	[sflag:s6] =	ssyncadd.s32 $0xFFFFF000  }
0x2ae: {  	_ =	swait.ge [sflag:s6], $0x1000  }
0x2af: {  	[sflag:s6] =	ssyncset.done $0x0  }
0x2b0: {  	[sflag:s6] =	ssyncadd.s32 $0xFFFFF000  }
0x2b1: {  	_ =	swait.ge [sflag:s6], $0x1000  }
0x2b2: {  	[sflag:s6] =	ssyncset.done $0x0  }
0x2b3: {  	[sflag:s6] =	ssyncadd.s32 $0xFFFFF000  }
0x2b4: {  	_ =	swait.ge [sflag:s6], $0x1000  }
0x2b5: {  	[sflag:s6] =	ssyncset.done $0x0  }
0x2b6: {  	[sflag:s6] =	ssyncadd.s32 $0xFFFFF000  }
0x2b7: {  	_ =	swait.ge [sflag:s6], $0x1000  }
0x2b8: {  	[sflag:s6] =	ssyncset.done $0x0  }
0x2b9: {  	[sflag:s6] =	ssyncadd.s32 $0xFFFFF000  }
0x2ba: {  	_ =	swait.ge [sflag:s6], $0x1000  }
0x2bb: {  	[sflag:s6] =	ssyncset.done $0x0  }
0x2bc: {  	s31 =	rddreg [dreg:$0x5];
	[sflag:s6] =	ssyncadd.s32 $0xFFFFF000  }
0x2bd: {  	[hbm4b:s31+s7] =	stream.strided.scatter [tilespmem:s4], [sflag:$0x2], $0xA000, s3, s7, $0x38;
	[tilespmem:$0xB900] =	vst v63  }
0x2be: {  	_ =	swait.ge [sflag:s2], $0xA000  }
0x2bf: {  	s1 =	rddreg [dreg:$0x1b];
	[sflag:s2] =	ssyncset.done $0x0  }
0x2c0: {  	s31 =	rddreg [dreg:$0x1c];
	[sflag:s2] =	ssyncadd.s32 $0xFFFF6000  }
0x2c1: {  	[tilespmem:s4], [sflag:$0x1] =	stream.indirect.gather [hbm4b:s5+s3], $0x20, s1, s3, $0xb8;
	[tilespmem:$0xB900] =	vst v63  }
0x2c2: {  	s0 =	rddreg [dreg:$0x1d]  }
0x2c3: {  	[tilespmem:s8], [sflag:$0x1] =	stream.indirect.gather [hbm4b:s5+s3], $0x20, s31, s3, $0xb8;
	[tilespmem:$0xB900] =	vst v63  }
0x2c4: {  	s31 =	rddreg [dreg:$0x1e]  }
0x2c5: {  	[tilespmem:s9], [sflag:$0x1] =	stream.indirect.gather [hbm4b:s5+s3], $0x20, s0, s3, $0xb8;
	[tilespmem:$0xB900] =	vst v63  }
0x2c6: {  	s0 =	rddreg [dreg:$0x1f]  }
0x2c7: {  	[tilespmem:s10], [sflag:$0x1] =	stream.indirect.gather [hbm4b:s5+s3], $0x20, s31, s3, $0xb8;
	[tilespmem:$0xB900] =	vst v63  }
0x2c8: {  	s31 =	sld [smem:$0x7F2]  }
0x2c9: {  	[tilespmem:s11], [sflag:$0x1] =	stream.indirect.gather [hbm4b:s5+s3], $0x20, s0, s3, $0xb8;
	[tilespmem:$0xB900] =	vst v63  }
0x2ca: {  	s0 =	sld [smem:$0x7F3]  }
0x2cb: {  	[tilespmem:s12], [sflag:$0x1] =	stream.indirect.gather [hbm4b:s5+s3], $0x20, s31, s3, $0xb8;
	[tilespmem:$0xB900] =	vst v63  }
0x2cc: {  	s31 =	sld [smem:$0x7F4]  }
0x2cd: {  	[tilespmem:s13], [sflag:$0x1] =	stream.indirect.gather [hbm4b:s5+s3], $0x20, s0, s3, $0xb8;
	[tilespmem:$0xB900] =	vst v63  }
0x2ce: {  	s0 =	sld [smem:$0x7F5]  }
0x2cf: {  	[tilespmem:s14], [sflag:$0x1] =	stream.indirect.gather [hbm4b:s5+s3], $0x20, s31, s3, $0xb8;
	[tilespmem:$0xB900] =	vst v63  }
0x2d0: {  	s31 =	sld [smem:$0x7F6]  }
0x2d1: {  	[tilespmem:s15], [sflag:$0x1] =	stream.indirect.gather [hbm4b:s5+s3], $0x20, s0, s3, $0xb8;
	[tilespmem:$0xB900] =	vst v63  }
0x2d2: {  	_ = 	snop  }
0x2d3: {  	[tilespmem:s16], [sflag:$0x1] =	stream.indirect.gather [hbm4b:s5+s3], $0x20, s31, s3, $0xb8;
	[tilespmem:$0xB900] =	vst v63  }
0x2d4: {  	_ =	swait.ge [sflag:s6], $0x1000  }
0x2d5: {  	[sflag:s6] =	ssyncset.done $0x0  }
0x2d6: {  	[sflag:s6] =	ssyncadd.s32 $0xFFFFF000  }
0x2d7: {  	_ =	swait.ge [sflag:s6], $0x1000  }
0x2d8: {  	[sflag:s6] =	ssyncset.done $0x0  }
0x2d9: {  	[sflag:s6] =	ssyncadd.s32 $0xFFFFF000  }
0x2da: {  	_ =	swait.ge [sflag:s6], $0x1000  }
0x2db: {  	[sflag:s6] =	ssyncset.done $0x0  }
0x2dc: {  	[sflag:s6] =	ssyncadd.s32 $0xFFFFF000  }
0x2dd: {  	_ =	swait.ge [sflag:s6], $0x1000  }
0x2de: {  	[sflag:s6] =	ssyncset.done $0x0  }
0x2df: {  	[sflag:s6] =	ssyncadd.s32 $0xFFFFF000  }
0x2e0: {  	_ =	swait.ge [sflag:s6], $0x1000  }
0x2e1: {  	[sflag:s6] =	ssyncset.done $0x0  }
0x2e2: {  	[sflag:s6] =	ssyncadd.s32 $0xFFFFF000  }
0x2e3: {  	_ =	swait.ge [sflag:s6], $0x1000  }
0x2e4: {  	[sflag:s6] =	ssyncset.done $0x0  }
0x2e5: {  	[sflag:s6] =	ssyncadd.s32 $0xFFFFF000  }
0x2e6: {  	_ =	swait.ge [sflag:s6], $0x1000  }
0x2e7: {  	[sflag:s6] =	ssyncset.done $0x0  }
0x2e8: {  	[sflag:s6] =	ssyncadd.s32 $0xFFFFF000  }
0x2e9: {  	_ =	swait.ge [sflag:s6], $0x1000  }
0x2ea: {  	[sflag:s6] =	ssyncset.done $0x0  }
0x2eb: {  	[sflag:s6] =	ssyncadd.s32 $0xFFFFF000  }
0x2ec: {  	_ =	swait.ge [sflag:s6], $0x1000  }
0x2ed: {  	[sflag:s6] =	ssyncset.done $0x0  }
0x2ee: {  	[sflag:s6] =	ssyncadd.s32 $0xFFFFF000  }
0x2ef: {  	_ =	swait.ge [sflag:s6], $0x1000  }
0x2f0: {  	[sflag:s6] =	ssyncset.done $0x0  }
0x2f1: {  	s1 =	rddreg [dreg:$0x6];
	[sflag:s6] =	ssyncadd.s32 $0xFFFFF000  }
0x2f2: {  	[hbm4b:s1+s7] =	stream.strided.scatter [tilespmem:s4], [sflag:$0x2], $0xA000, s3, s7, $0x38;
	[tilespmem:$0xB900] =	vst v63  }
0x2f3: {  	_ =	swait.ge [sflag:s2], $0xA000  }
0x2f4: {  	s31 =	sld [smem:$0x7F7]  }
0x2f5: {  	[sflag:s2] =	ssyncset.done $0x0  }
0x2f6: {  	s1 =	sld [smem:$0x7F8];
	[sflag:s2] =	ssyncadd.s32 $0xFFFF6000  }
0x2f7: {  	[tilespmem:s4], [sflag:$0x1] =	stream.indirect.gather [hbm4b:s5+s3], $0x20, s31, s3, $0xb8;
	[tilespmem:$0xB900] =	vst v63  }
0x2f8: {  	s31 =	sld [smem:$0x7F9]  }
0x2f9: {  	[tilespmem:s8], [sflag:$0x1] =	stream.indirect.gather [hbm4b:s5+s3], $0x20, s1, s3, $0xb8;
	[tilespmem:$0xB900] =	vst v63  }
0x2fa: {  	s1 =	sld [smem:$0x7FA]  }
0x2fb: {  	[tilespmem:s9], [sflag:$0x1] =	stream.indirect.gather [hbm4b:s5+s3], $0x20, s31, s3, $0xb8;
	[tilespmem:$0xB900] =	vst v63  }
0x2fc: {  	s31 =	sld [smem:$0x7FB]  }
0x2fd: {  	[tilespmem:s10], [sflag:$0x1] =	stream.indirect.gather [hbm4b:s5+s3], $0x20, s1, s3, $0xb8;
	[tilespmem:$0xB900] =	vst v63  }
0x2fe: {  	s1 =	sld [smem:$0x7FC]  }
0x2ff: {  	[tilespmem:s11], [sflag:$0x1] =	stream.indirect.gather [hbm4b:s5+s3], $0x20, s31, s3, $0xb8;
	[tilespmem:$0xB900] =	vst v63  }
0x300: {  	s31 =	sld [smem:$0x7FD]  }
0x301: {  	[tilespmem:s12], [sflag:$0x1] =	stream.indirect.gather [hbm4b:s5+s3], $0x20, s1, s3, $0xb8;
	[tilespmem:$0xB900] =	vst v63  }
0x302: {  	_ = 	snop  }
0x303: {  	[tilespmem:s13], [sflag:$0x1] =	stream.indirect.gather [hbm4b:s5+s3], $0x20, s31, s3, $0xb8;
	[tilespmem:$0xB900] =	vst v63  }
0x304: {  	_ = 	snop  }
0x305: {  	[tilespmem:s14], [sflag:$0x1] =	stream.indirect.gather [hbm4b:s5+s3], $0x20, s29, s3, $0xb8;
	[tilespmem:$0xB900] =	vst v63  }
0x306: {  	_ = 	snop  }
0x307: {  	[tilespmem:s15], [sflag:$0x1] =	stream.indirect.gather [hbm4b:s5+s3], $0x20, s30, s3, $0xb8;
	[tilespmem:$0xB900] =	vst v63  }
0x308: {  	_ = 	snop  }
0x309: {  	[tilespmem:s16], [sflag:$0x1] =	stream.indirect.gather [hbm4b:s5+s3], $0x20, s28, s3, $0xb8;
	[tilespmem:$0xB900] =	vst v63  }
0x30a: {  	_ =	swait.ge [sflag:s6], $0x1000  }
0x30b: {  	[sflag:s6] =	ssyncset.done $0x0  }
0x30c: {  	[sflag:s6] =	ssyncadd.s32 $0xFFFFF000  }
0x30d: {  	_ =	swait.ge [sflag:s6], $0x1000  }
0x30e: {  	[sflag:s6] =	ssyncset.done $0x0  }
0x30f: {  	[sflag:s6] =	ssyncadd.s32 $0xFFFFF000  }
0x310: {  	_ =	swait.ge [sflag:s6], $0x1000  }
0x311: {  	[sflag:s6] =	ssyncset.done $0x0  }
0x312: {  	[sflag:s6] =	ssyncadd.s32 $0xFFFFF000  }
0x313: {  	_ =	swait.ge [sflag:s6], $0x1000  }
0x314: {  	[sflag:s6] =	ssyncset.done $0x0  }
0x315: {  	[sflag:s6] =	ssyncadd.s32 $0xFFFFF000  }
0x316: {  	_ =	swait.ge [sflag:s6], $0x1000  }
0x317: {  	[sflag:s6] =	ssyncset.done $0x0  }
0x318: {  	[sflag:s6] =	ssyncadd.s32 $0xFFFFF000  }
0x319: {  	_ =	swait.ge [sflag:s6], $0x1000  }
0x31a: {  	[sflag:s6] =	ssyncset.done $0x0  }
0x31b: {  	[sflag:s6] =	ssyncadd.s32 $0xFFFFF000  }
0x31c: {  	_ =	swait.ge [sflag:s6], $0x1000  }
0x31d: {  	[sflag:s6] =	ssyncset.done $0x0  }
0x31e: {  	[sflag:s6] =	ssyncadd.s32 $0xFFFFF000  }
0x31f: {  	_ =	swait.ge [sflag:s6], $0x1000  }
0x320: {  	[sflag:s6] =	ssyncset.done $0x0  }
0x321: {  	[sflag:s6] =	ssyncadd.s32 $0xFFFFF000  }
0x322: {  	_ =	swait.ge [sflag:s6], $0x1000  }
0x323: {  	[sflag:s6] =	ssyncset.done $0x0  }
0x324: {  	[sflag:s6] =	ssyncadd.s32 $0xFFFFF000  }
0x325: {  	_ =	swait.ge [sflag:s6], $0x1000  }
0x326: {  	[sflag:s6] =	ssyncset.done $0x0  }
0x327: {  	s29 =	rddreg [dreg:$0x7];
	[sflag:s6] =	ssyncadd.s32 $0xFFFFF000  }
0x328: {  	[hbm4b:s29+s7] =	stream.strided.scatter [tilespmem:s4], [sflag:$0x2], $0xA000, s3, s7, $0x38;
	[tilespmem:$0xB900] =	vst v63  }
0x329: {  	_ =	swait.ge [sflag:s2], $0xA000  }
0x32a: {  	[sflag:s2] =	ssyncset.done $0x0  }
0x32b: {  	[sflag:s2] =	ssyncadd.s32 $0xFFFF6000  }
0x32c: {  	[tilespmem:s4], [sflag:$0x1] =	stream.indirect.gather [hbm4b:s5+s3], $0x20, s18, s3, $0xb8;
	[tilespmem:$0xB900] =	vst v63  }
0x32d: {  	_ = 	snop  }
0x32e: {  	[tilespmem:s8], [sflag:$0x1] =	stream.indirect.gather [hbm4b:s5+s3], $0x20, s19, s3, $0xb8;
	[tilespmem:$0xB900] =	vst v63  }
0x32f: {  	_ = 	snop  }
0x330: {  	[tilespmem:s9], [sflag:$0x1] =	stream.indirect.gather [hbm4b:s5+s3], $0x20, s20, s3, $0xb8;
	[tilespmem:$0xB900] =	vst v63  }
0x331: {  	_ = 	snop  }
0x332: {  	[tilespmem:s10], [sflag:$0x1] =	stream.indirect.gather [hbm4b:s5+s3], $0x20, s21, s3, $0xb8;
	[tilespmem:$0xB900] =	vst v63  }
0x333: {  	_ = 	snop  }
0x334: {  	[tilespmem:s11], [sflag:$0x1] =	stream.indirect.gather [hbm4b:s5+s3], $0x20, s22, s3, $0xb8;
	[tilespmem:$0xB900] =	vst v63  }
0x335: {  	_ = 	snop  }
0x336: {  	[tilespmem:s12], [sflag:$0x1] =	stream.indirect.gather [hbm4b:s5+s3], $0x20, s23, s3, $0xb8;
	[tilespmem:$0xB900] =	vst v63  }
0x337: {  	_ = 	snop  }
0x338: {  	[tilespmem:s13], [sflag:$0x1] =	stream.indirect.gather [hbm4b:s5+s3], $0x20, s24, s3, $0xb8;
	[tilespmem:$0xB900] =	vst v63  }
0x339: {  	_ = 	snop  }
0x33a: {  	[tilespmem:s14], [sflag:$0x1] =	stream.indirect.gather [hbm4b:s5+s3], $0x20, s25, s3, $0xb8;
	[tilespmem:$0xB900] =	vst v63  }
0x33b: {  	_ = 	snop  }
0x33c: {  	[tilespmem:s15], [sflag:$0x1] =	stream.indirect.gather [hbm4b:s5+s3], $0x20, s26, s3, $0xb8;
	[tilespmem:$0xB900] =	vst v63  }
0x33d: {  	s30 =	simm.s32 $0x1880  }
0x33e: {  	[tilespmem:s16], [sflag:$0x1] =	stream.indirect.gather [hbm4b:s5+s3], $0x20, s30, s3, $0xb8;
	[tilespmem:$0xB900] =	vst v63  }
0x33f: {  	_ =	swait.ge [sflag:s6], $0x1000  }
0x340: {  	[sflag:s6] =	ssyncset.done $0x0  }
0x341: {  	[sflag:s6] =	ssyncadd.s32 $0xFFFFF000  }
0x342: {  	_ =	swait.ge [sflag:s6], $0x1000  }
0x343: {  	[sflag:s6] =	ssyncset.done $0x0  }
0x344: {  	[sflag:s6] =	ssyncadd.s32 $0xFFFFF000  }
0x345: {  	_ =	swait.ge [sflag:s6], $0x1000  }
0x346: {  	[sflag:s6] =	ssyncset.done $0x0  }
0x347: {  	[sflag:s6] =	ssyncadd.s32 $0xFFFFF000  }
0x348: {  	_ =	swait.ge [sflag:s6], $0x1000  }
0x349: {  	[sflag:s6] =	ssyncset.done $0x0  }
0x34a: {  	[sflag:s6] =	ssyncadd.s32 $0xFFFFF000  }
0x34b: {  	_ =	swait.ge [sflag:s6], $0x1000  }
0x34c: {  	[sflag:s6] =	ssyncset.done $0x0  }
0x34d: {  	[sflag:s6] =	ssyncadd.s32 $0xFFFFF000  }
0x34e: {  	_ =	swait.ge [sflag:s6], $0x1000  }
0x34f: {  	[sflag:s6] =	ssyncset.done $0x0  }
0x350: {  	[sflag:s6] =	ssyncadd.s32 $0xFFFFF000  }
0x351: {  	_ =	swait.ge [sflag:s6], $0x1000  }
0x352: {  	[sflag:s6] =	ssyncset.done $0x0  }
0x353: {  	[sflag:s6] =	ssyncadd.s32 $0xFFFFF000  }
0x354: {  	_ =	swait.ge [sflag:s6], $0x1000  }
0x355: {  	[sflag:s6] =	ssyncset.done $0x0  }
0x356: {  	[sflag:s6] =	ssyncadd.s32 $0xFFFFF000  }
0x357: {  	_ =	swait.ge [sflag:s6], $0x1000  }
0x358: {  	[sflag:s6] =	ssyncset.done $0x0  }
0x359: {  	[sflag:s6] =	ssyncadd.s32 $0xFFFFF000  }
0x35a: {  	_ =	swait.ge [sflag:s6], $0x1000  }
0x35b: {  	[sflag:s6] =	ssyncset.done $0x0  }
0x35c: {  	s31 =	rddreg [dreg:$0x8];
	[sflag:s6] =	ssyncadd.s32 $0xFFFFF000  }
0x35d: {  	[hbm4b:s31+s7] =	stream.strided.scatter [tilespmem:s4], [sflag:$0x2], $0xA000, s3, s7, $0x38;
	[tilespmem:$0xB900] =	vst v63  }
0x35e: {  	_ =	swait.ge [sflag:s2], $0xA000  }
0x35f: {  	[sflag:s2] =	ssyncset.done $0x0  }
0x360: {  	[sflag:s2] =	ssyncadd.s32 $0xFFFF6000  }
0x361: {  	_ =	sfence.sel $0x180000  }
0x362: {  	[bflag:$0x0] =	sbarrier.arrive $0xFFFF  }
0x363: {  	_ =	strace $0x90000047  }
0x364: {  	[bflag:$0x2] =	sbarrier.arrive $0xFFFF  }
0x365: {  	p0 =	sne.s32 s17, $0x0;
	s0 =	rddreg [dreg:$0x2]  }
0x366: {  	s0 =	sadd.s32 @!p0 $0x100000, s0  }
0x367: {  	[sflag:s0] =	ssyncadd.tile.s32 @!p0 $0x1;
	_ =	shalt  }
.LBB2_1:
.Ltmp3:
0x368: {  	(pc) =	sbr.rel .LBB2_6-.Ltmp3, $4  }
0x369: {  	s28 =	simm.s32 $0x1380;
	s30 =	simm.s32 $0x1300;
	s29 =	simm.s32 $0x1280  }
0x36a: {  	s26 =	simm.s32 $0x1800;
	s25 =	simm.s32 $0x1780;
	s24 =	simm.s32 $0x1700  }
0x36b: {  	s23 =	simm.s32 $0x1680;
	s22 =	simm.s32 $0x1600;
	s21 =	simm.s32 $0x1580  }
0x36c: {  	s20 =	simm.s32 $0x1500;
	s19 =	simm.s32 $0x1480;
	s18 =	simm.s32 $0x1400  }
.LBB2_3:
.Ltmp4:
0x36d: {  	s28 =	simm.s32 $0x1380;
	(pc) =	sbr.rel .LBB2_6-.Ltmp4, $4  }
0x36e: {  	s30 =	simm.s32 $0x1300;
	s29 =	simm.s32 $0x1280;
	s26 =	simm.s32 $0x1800  }
0x36f: {  	s25 =	simm.s32 $0x1780;
	s24 =	simm.s32 $0x1700;
	s23 =	simm.s32 $0x1680  }
0x370: {  	s22 =	simm.s32 $0x1600;
	s21 =	simm.s32 $0x1580;
	s20 =	simm.s32 $0x1500  }
0x371: {  	s19 =	simm.s32 $0x1480;
	s18 =	simm.s32 $0x1400;
	s17 =	stileid.u32  }
.Lfunc_end2:
_tile_overlayer_lowered:
.L_overlay_start_2:
0x372: {  	(tag) =	ssettag $0x2  }
0x373: {  	s0 =	rddreg [dreg:$0x0];
	s2 =	stileid.u32  }
0x374: {  	s1 =	rddreg [dreg:$0x1];
	p0 =	sne.s32 s2, $0x0  }
0x375: {  	s3 =	rddreg [dreg:$0x2];
	[bflag:$0x3] =	sbarrier.arrive $0xFFFF;
	s2 =	simm.s32 @!p0 $0x1C02  }
0x376: {  	[timem:s3], [sflag:s2] =	dma.local @!p0 [hbm:s0], s1  }
0x377: {  	s0 =	simm.s32 @!p0 $0x2  }
0x378: {  	_ =	swait.ge @!p0 [sflag:s0], s1  }
0x379: {  	s1 =	ssub.s32 @!p0 $0x0, s1;
	[sflag:s0] =	ssyncset.done @!p0 $0x0  }
0x37a: {  	[sflag:s0] =	ssyncadd.s32 @!p0 s1  }
0x37b: {  	[bflag:$0x3] =	sbarrier.arrive $0xFFFF  }
0x37c: {  	_ =	shalt  }

</sc_bundles>
